<compile_context>
chip_gen: v7x
topology: tpu7x:2x2x1
jax: 0.10.2.dev20260603
libtpu: 0.0.44.dev20260713+nightly
codegen_flags: <defaults>
</compile_context>

<pallas_src>
import functools

import jax
import jax.numpy as jnp
from jax import lax
from jax.experimental import pallas as pl
from jax.experimental.pallas import tpu as pltpu
from jax.experimental.pallas import tpu_sc as plsc

N_NODES = 10000
N_DST = 2000
E = 320000
D_IN = 128
D_HID = 256
N_CLS = 3

NC = 2
NS = 16
NW = NC * NS
EPW = E // NW
B = 80
NBATCH = 125
EPAD = 512
NPAD = 2048
RPS = NPAD // NS


def _k1_body(x_ref, w_ref, ai_ref, aj_ref, h_ref, si_ref, sj_ref,
             mi_ref, mj_ref):
    i = pl.program_id(0)
    h = jnp.dot(x_ref[...], w_ref[...], preferred_element_type=jnp.float32)
    h_ref[...] = h
    si = jnp.dot(h, ai_ref[0, :], preferred_element_type=jnp.float32)
    sj = jnp.dot(h, aj_ref[0, :], preferred_element_type=jnp.float32)
    si_ref[...] = si[None, None, :]
    sj_ref[...] = sj[None, None, :]

    @pl.when(i == 0)
    def _():
        mi_ref[...] = jnp.full((1, 128), -3e38, jnp.float32)
        mj_ref[...] = jnp.full((1, 128), -3e38, jnp.float32)

    mi_ref[...] = jnp.maximum(mi_ref[...], jnp.max(si))
    mj_ref[...] = jnp.maximum(mj_ref[...], jnp.max(sj))


def _run_k1(x, W, att_i, att_j):
    rb = 2000
    grid = (N_NODES // rb,)
    return pl.pallas_call(
        _k1_body,
        grid=grid,
        in_specs=[
            pl.BlockSpec((rb, D_IN), lambda i: (i, 0)),
            pl.BlockSpec((D_IN, D_HID), lambda i: (0, 0)),
            pl.BlockSpec((1, D_HID), lambda i: (0, 0)),
            pl.BlockSpec((1, D_HID), lambda i: (0, 0)),
        ],
        out_specs=[
            pl.BlockSpec((rb, D_HID), lambda i: (i, 0)),
            pl.BlockSpec((1, 1, rb), lambda i: (i, 0, 0)),
            pl.BlockSpec((1, 1, rb), lambda i: (i, 0, 0)),
            pl.BlockSpec((1, 128), lambda i: (0, 0)),
            pl.BlockSpec((1, 128), lambda i: (0, 0)),
        ],
        out_shape=[
            jax.ShapeDtypeStruct((N_NODES, D_HID), jnp.float32),
            jax.ShapeDtypeStruct((N_NODES // rb, 1, rb), jnp.float32),
            jax.ShapeDtypeStruct((N_NODES // rb, 1, rb), jnp.float32),
            jax.ShapeDtypeStruct((1, 128), jnp.float32),
            jax.ShapeDtypeStruct((1, 128), jnp.float32),
        ],
    )(x, W, att_i, att_j)


def _k2_body(src_h, dst_h, res_h, si_h, sj_h, mi_h, mj_h, hbf_h,
             acc_h, den_h,
             si_v, sj_v, res_v, sdst_v, denc, mi_v, mj_v,
             srcb0, dstb0, dsts0, pv0, denb0, rbf0, rows0,
             srcb1, dstb1, dsts1, pv1, denb1, rbf1, rows1,
             acc_sh, den_sh,
             sem_i0, sem_i1, sem_g0, sem_g1, sem_s0, sem_s1):
    cid = lax.axis_index("c")
    sid = lax.axis_index("s")
    wid = sid * NC + cid

    bufs = ((srcb0, dstb0, dsts0, pv0, denb0, rbf0, rows0, sem_i0, sem_g0, sem_s0),
            (srcb1, dstb1, dsts1, pv1, denb1, rbf1, rows1, sem_i1, sem_g1, sem_s1))

    zeros16 = jnp.zeros((16,), jnp.float32)

    def _zrow(j, _):
        for c in range(D_HID // 16):
            rows0[j, pl.ds(c * 16, 16)] = zeros16
        return 0
    lax.fori_loop(0, B, _zrow, 0)

    def _zden(j, _):
        denc[j, pl.ds(0, 16)] = zeros16
        return 0
    lax.fori_loop(0, RPS, _zden, 0)

    def _zdenb(j, _):
        denb0[j, pl.ds(0, 16)] = zeros16
        denb1[j, pl.ds(0, 16)] = zeros16
        return 0
    lax.fori_loop(0, B, _zdenb, 0)

    row0 = sid * RPS
    pltpu.sync_copy(rows0, acc_sh.at[pl.ds(row0, B)])
    pltpu.sync_copy(rows0.at[pl.ds(0, RPS - B)],
                    acc_sh.at[pl.ds(row0 + B, RPS - B)])
    pltpu.sync_copy(denc, den_sh.at[pl.ds(row0, RPS)])

    pltpu.sync_copy(si_h, si_v)
    pltpu.sync_copy(sj_h, sj_v)
    pltpu.sync_copy(res_h, res_v)
    pltpu.sync_copy(mi_h.at[pl.ds(0, 16)], mi_v)
    pltpu.sync_copy(mj_h.at[pl.ds(0, 16)], mj_v)

    def _sd(k, _):
        idx = res_v[pl.ds(k * 16, 16)]
        sdst_v[pl.ds(k * 16, 16)] = plsc.load_gather(si_v, [idx])
        return 0
    lax.fori_loop(0, N_DST // 16, _sd, 0)

    m_vec = jnp.maximum(mi_v[...] + mj_v[...], 0.0)

    plsc.subcore_barrier()

    iota16 = lax.iota(jnp.int32, 16)
    zidx = jnp.zeros((16,), jnp.int32)
    ebase = wid * EPW

    def _issue_idx(r, g):
        srcb, dstb = bufs[r][0], bufs[r][1]
        sem_i = bufs[r][7]
        base = ebase + g * B
        pltpu.async_copy(src_h.at[pl.ds(base, B)], srcb, sem_i)
        pltpu.async_copy(dst_h.at[pl.ds(base, B)], dstb, sem_i)

    def _wait_idx(r):
        srcb, dstb = bufs[r][0], bufs[r][1]
        sem_i = bufs[r][7]
        pltpu.make_async_copy(src_h.at[pl.ds(0, B)], srcb, sem_i).wait()
        pltpu.make_async_copy(dst_h.at[pl.ds(0, B)], dstb, sem_i).wait()

    def _wait_scat(r):
        dsts, denb, rows = bufs[r][2], bufs[r][4], bufs[r][6]
        sem_s = bufs[r][9]
        pltpu.make_async_copy(rows, acc_sh.at[dsts], sem_s).wait()
        pltpu.make_async_copy(denb, den_sh.at[dsts], sem_s).wait()

    def _step(g2, r):
        g = g2 * 2 + r
        r1 = 1 - r
        srcb, dstb, dsts, pv, denb, rbf, rows, sem_i, sem_g, sem_s = bufs[r]
        for k in range(B // 16):
            sidx = srcb[pl.ds(k * 16, 16)]
            didx = dstb[pl.ds(k * 16, 16)]
            e = plsc.load_gather(sdst_v, [didx]) \
                + plsc.load_gather(sj_v, [sidx])
            e = jnp.where(e >= 0.0, e, e * 0.2)
            p = jnp.exp(e - m_vec)
            pv[pl.ds(k * 16, 16)] = p
            plsc.store_scatter(denb, [k * 16 + iota16, zidx], p)
            dsts[pl.ds(k * 16, 16)] = didx
        pltpu.make_async_copy(hbf_h.at[srcb], rbf, sem_g).wait()
        _issue_idx(r, g + 2)
        if r == 0:
            @pl.when(g2 > 0)
            def _():
                _wait_scat(r1)
        else:
            _wait_scat(r1)
        _wait_idx(r1)
        pltpu.async_copy(hbf_h.at[bufs[r1][0]], bufs[r1][5], bufs[r1][8])

        def _scale(j, _):
            for u in range(2):
                jj = j * 2 + u
                pj = plsc.load_gather(pv, [jnp.full((16,), jj, jnp.int32)])
                for c in range(D_HID // 32):
                    v = rbf[jj, pl.ds(c * 32, 32)]
                    vi = plsc.bitcast(v, jnp.int32)
                    lo = plsc.bitcast(lax.shift_left(vi, 16), jnp.float32)
                    hi = plsc.bitcast(
                        jnp.bitwise_and(vi, jnp.int32(-65536)), jnp.float32)
                    rows[jj, pl.ds(c * 32, 16)] = lo * pj
                    rows[jj, pl.ds(c * 32 + 16, 16)] = hi * pj
            return 0
        lax.fori_loop(0, B // 2, _scale, 0)

        pltpu.async_copy(rows, acc_sh.at[dsts], sem_s, add=True)
        pltpu.async_copy(denb, den_sh.at[dsts], sem_s, add=True)

    _issue_idx(0, 0)
    _issue_idx(1, 1)
    _wait_idx(0)
    pltpu.async_copy(hbf_h.at[srcb0], rbf0, sem_g0)

    def _pair(g2, _):
        _step(g2, 0)
        _step(g2, 1)
        return 0
    lax.fori_loop(0, NBATCH // 2, _pair, 0)

    pltpu.make_async_copy(hbf_h.at[srcb0], rbf0, sem_g0).wait()
    _wait_idx(1)
    _wait_scat(1)

    plsc.subcore_barrier()

    obase = cid * NPAD + row0
    pltpu.sync_copy(acc_sh.at[pl.ds(row0, B)], rows0)
    pltpu.sync_copy(rows0, acc_h.at[pl.ds(obase, B)])
    pltpu.sync_copy(acc_sh.at[pl.ds(row0 + B, RPS - B)],
                    rows1.at[pl.ds(0, RPS - B)])
    pltpu.sync_copy(rows1.at[pl.ds(0, RPS - B)],
                    acc_h.at[pl.ds(obase + B, RPS - B)])
    pltpu.sync_copy(den_sh.at[pl.ds(row0, RPS)], denc)
    pltpu.sync_copy(denc, den_h.at[pl.ds(obase, RPS)])


def _make_k2():
    mesh = plsc.VectorSubcoreMesh(core_axis_name="c", subcore_axis_name="s")
    ebuf = [
        pltpu.VMEM((B,), jnp.int32),
        pltpu.VMEM((B,), jnp.int32),
        pltpu.VMEM((B,), jnp.int32),
        pltpu.VMEM((B,), jnp.float32),
        pltpu.VMEM((B, 16), jnp.float32),
        pltpu.VMEM((B, D_HID), jnp.bfloat16),
        pltpu.VMEM((B, D_HID), jnp.float32),
    ]
    return pl.kernel(
        _k2_body,
        out_type=[
            jax.ShapeDtypeStruct((NC * NPAD, D_HID), jnp.float32),
            jax.ShapeDtypeStruct((NC * NPAD, 16), jnp.float32),
        ],
        mesh=mesh,
        compiler_params=pltpu.CompilerParams(use_tc_tiling_on_sc=False,
                                             needs_layout_passes=False),
        scratch_types=[
            pltpu.VMEM((N_NODES,), jnp.float32),
            pltpu.VMEM((N_NODES,), jnp.float32),
            pltpu.VMEM((N_DST,), jnp.int32),
            pltpu.VMEM((N_DST,), jnp.float32),
            pltpu.VMEM((RPS, 16), jnp.float32),
            pltpu.VMEM((16,), jnp.float32),
            pltpu.VMEM((16,), jnp.float32),
        ] + ebuf + ebuf + [
            pltpu.VMEM_SHARED((NPAD, D_HID), jnp.float32),
            pltpu.VMEM_SHARED((NPAD, 16), jnp.float32),
            pltpu.SemaphoreType.DMA,
            pltpu.SemaphoreType.DMA,
            pltpu.SemaphoreType.DMA,
            pltpu.SemaphoreType.DMA,
            pltpu.SemaphoreType.DMA,
            pltpu.SemaphoreType.DMA,
        ],
    )


def _k3_body(acc_ref, den_ref, bias_ref, w2_ref, b2_ref, o_ref):
    a = acc_ref[0, :N_DST] + acc_ref[1, :N_DST]
    d2 = den_ref[0, :N_DST] + den_ref[1, :N_DST]
    dcol = d2[:, 0:1]
    out = a / (dcol + 1e-16) + bias_ref[...]
    sc = jnp.dot(out, w2_ref[...], preferred_element_type=jnp.float32) \
        + b2_ref[...]
    m = jnp.max(sc, axis=1, keepdims=True)
    sh = sc - m
    o_ref[...] = sh - jnp.log(jnp.sum(jnp.exp(sh), axis=1, keepdims=True))


def _run_k3(acc, den, bias, W2, b2):
    return pl.pallas_call(
        _k3_body,
        out_shape=jax.ShapeDtypeStruct((N_DST, N_CLS), jnp.float32),
    )(acc, den, bias, W2, b2)


@jax.jit
def kernel(x, n_id, res_n_id, edge_index, W, att, bias, W2, b2):
    del n_id
    att_i = att[:D_HID].reshape(1, D_HID)
    att_j = att[D_HID:].reshape(1, D_HID)
    h, si2, sj2, mi, mj = _run_k1(x, W, att_i, att_j)
    si = si2.reshape(N_NODES)
    sj = sj2.reshape(N_NODES)
    srcp = jnp.pad(edge_index[0], (0, EPAD))
    dstp = jnp.pad(edge_index[1], (0, EPAD))
    h_bf = jnp.swapaxes(h.reshape(N_NODES, D_HID // 32, 2, 16), 2, 3) \
        .reshape(N_NODES, D_HID).astype(jnp.bfloat16)
    acc, den = _make_k2()(srcp, dstp, res_n_id,
                          si, sj, mi.reshape(128), mj.reshape(128), h_bf)
    return _run_k3(acc.reshape(NC, NPAD, D_HID),
                   den.reshape(NC, NPAD, 16),
                   bias.reshape(1, D_HID), W2, b2.reshape(1, N_CLS))

# --- scband reference (transcript-rebuilt; emitter-appended) ---
"""Pipeline reference for scband-fully-supervised-gatmodel-67293547593883 (READ-ONLY COPY).

The authoritative reference and input builder live on the scoring server;
editing this copy changes nothing except your own understanding.
"""

import jax, jax.numpy as jnp
import numpy as np

N_NODES = 10000
N_DST = 2000
E = 320000
D_IN = 128
D_HID = 256
N_CLS = 3


def _xavier(k, shape):
    fan_in, fan_out = shape[0], shape[1]
    limit = float(np.sqrt(6.0 / (fan_in + fan_out)))
    return jax.random.uniform(k, shape, jnp.float32, -limit, limit)


def setup_inputs(seed: int = 0):
    key = jax.random.key(seed)
    ks = jax.random.split(key, 8)
    x = jax.random.normal(ks[0], (N_NODES, D_IN), dtype=jnp.float32)
    # block.n_id: ids of all sampled source nodes (here: full node set)
    n_id = jnp.arange(N_NODES, dtype=jnp.int32)
    # block.res_n_id: positions (within n_id) of the target/dst nodes
    res_n_id = jax.random.randint(ks[1], (N_DST,), 0, N_NODES, dtype=jnp.int32)
    # block.edge_index: row 0 = src index into n_id-gathered x (< N_NODES),
    # row 1 = dst index into res_n_id-gathered x (< N_DST)
    ei = jax.random.randint(ks[2], (2, E), 0, N_NODES, dtype=jnp.int32)
    ei = ei.at[1].set(ei[1] % N_DST)
    # GATConv(128, 256) params (old PyG style: single shared lin weight,
    # att vector over cat([x_i, x_j]), bias), heads=1, concat=True
    W = _xavier(ks[3], (D_IN, D_HID))
    att = jax.random.uniform(ks[4], (2 * D_HID,), jnp.float32, -0.1, 0.1)
    bias = jnp.zeros((D_HID,), jnp.float32)
    # classify_layer: Linear(256, 3) with xavier_uniform_ weight
    W2 = _xavier(ks[5], (D_HID, N_CLS))
    b2 = jnp.zeros((N_CLS,), jnp.float32)
    return {"x": x, "n_id": n_id, "res_n_id": res_n_id, "edge_index": ei,
            "W": W, "att": att, "bias": bias, "W2": W2, "b2": b2}


def reference(x, n_id, res_n_id, edge_index, W, att, bias, W2, b2):
    # x = x[block.n_id]
    x_all = jnp.take(x, n_id, axis=0)
    # bipartite input: (x_src, x_src[res_n_id])
    x_dst_in = jnp.take(x_all, res_n_id, axis=0)
    h_src = x_all @ W          # [N_NODES, 256]
    h_dst = x_dst_in @ W       # [N_DST, 256]
    src = edge_index[0]
    dst = edge_index[1]
    att_i = att[:D_HID]   # applied to x_i (dst)
    att_j = att[D_HID:]   # applied to x_j (src)
    e = (jnp.take(h_dst, dst, axis=0) * att_i).sum(-1) + \
        (jnp.take(h_src, src, axis=0) * att_j).sum(-1)
    e = jax.nn.leaky_relu(e, negative_slope=0.2)
    # softmax over incoming edges per dst node (PyG scatter softmax)
    e_max = jax.ops.segment_max(e, dst, num_segments=N_DST)
    e_max = jnp.where(jnp.isfinite(e_max), e_max, 0.0)
    e_exp = jnp.exp(e - jnp.take(e_max, dst, axis=0))
    denom = jax.ops.segment_sum(e_exp, dst, num_segments=N_DST)
    alpha = e_exp / (jnp.take(denom, dst, axis=0) + 1e-16)
    msg = alpha[:, None] * jnp.take(h_src, src, axis=0)
    out = jax.ops.segment_sum(msg, dst, num_segments=N_DST)
    out = out + bias
    scores = out @ W2 + b2
    return jax.nn.log_softmax(scores, axis=1)

if __name__ == "__main__":
    import jax
    _d = setup_inputs()
    print(jax.jit(kernel)(*tuple(_d.values())))

</pallas_src>

<mosaic_0001>
#map = affine_map<(d0, d1) -> (0)>
#map1 = affine_map<(d0, d1) -> (0, 0)>
module attributes {stable_mosaic.version = 14 : i64} {
  func.func @_k2_body(%arg0: i32, %arg1: i32, %arg2: memref<320512xi32, #tpu.memory_space<hbm>>, %arg3: memref<320512xi32, #tpu.memory_space<hbm>>, %arg4: memref<2000xi32, #tpu.memory_space<hbm>>, %arg5: memref<10000xf32, #tpu.memory_space<hbm>>, %arg6: memref<10000xf32, #tpu.memory_space<hbm>>, %arg7: memref<128xf32, #tpu.memory_space<hbm>>, %arg8: memref<128xf32, #tpu.memory_space<hbm>>, %arg9: memref<10000x256xbf16, #tpu.memory_space<hbm>>, %arg10: memref<4096x256xf32, #tpu.memory_space<hbm>>, %arg11: memref<4096x16xf32, #tpu.memory_space<hbm>>, %arg12: memref<10000xf32, #tpu.memory_space<vmem>>, %arg13: memref<10000xf32, #tpu.memory_space<vmem>>, %arg14: memref<2000xi32, #tpu.memory_space<vmem>>, %arg15: memref<2000xf32, #tpu.memory_space<vmem>>, %arg16: memref<128x16xf32, #tpu.memory_space<vmem>>, %arg17: memref<16xf32, #tpu.memory_space<vmem>>, %arg18: memref<16xf32, #tpu.memory_space<vmem>>, %arg19: memref<80xi32, #tpu.memory_space<vmem>>, %arg20: memref<80xi32, #tpu.memory_space<vmem>>, %arg21: memref<80xi32, #tpu.memory_space<vmem>>, %arg22: memref<80xf32, #tpu.memory_space<vmem>>, %arg23: memref<80x16xf32, #tpu.memory_space<vmem>>, %arg24: memref<80x256xbf16, #tpu.memory_space<vmem>>, %arg25: memref<80x256xf32, #tpu.memory_space<vmem>>, %arg26: memref<80xi32, #tpu.memory_space<vmem>>, %arg27: memref<80xi32, #tpu.memory_space<vmem>>, %arg28: memref<80xi32, #tpu.memory_space<vmem>>, %arg29: memref<80xf32, #tpu.memory_space<vmem>>, %arg30: memref<80x16xf32, #tpu.memory_space<vmem>>, %arg31: memref<80x256xbf16, #tpu.memory_space<vmem>>, %arg32: memref<80x256xf32, #tpu.memory_space<vmem>>, %arg33: memref<2048x256xf32, #tpu.memory_space<vmem_shared>>, %arg34: memref<2048x16xf32, #tpu.memory_space<vmem_shared>>, %arg35: memref<!tpu.dma_semaphore, #tpu.memory_space<semaphore_mem>>, %arg36: memref<!tpu.dma_semaphore, #tpu.memory_space<semaphore_mem>>, %arg37: memref<!tpu.dma_semaphore, #tpu.memory_space<semaphore_mem>>, %arg38: memref<!tpu.dma_semaphore, #tpu.memory_space<semaphore_mem>>, %arg39: memref<!tpu.dma_semaphore, #tpu.memory_space<semaphore_mem>>, %arg40: memref<!tpu.dma_semaphore, #tpu.memory_space<semaphore_mem>>) attributes {dimension_semantics = [#tpu.dimension_semantics<core_parallel>, #tpu.dimension_semantics<subcore_parallel>], iteration_bounds = array<i64: 2, 16>, scalar_prefetch = 0 : i64, scratch_operands = 29 : i64, tpu.core_type = #tpu.core_type<sc_vector_subcore>, window_params = [{transform_indices = #map}, {transform_indices = #map}, {transform_indices = #map}, {transform_indices = #map}, {transform_indices = #map}, {transform_indices = #map}, {transform_indices = #map}, {transform_indices = #map1}, {transform_indices = #map1}, {transform_indices = #map1}]} {
    %mul3A = arith.constant 2 : i32
    %mul3A_0 = arith.muli %arg1, %mul3A : i32
    %add3A = arith.addi %mul3A_0, %arg0 : i32
    %broadcast_in_dim3A = arith.constant 0.000000e+00 : f32
    %broadcast_in_dim3A_1 = vector.broadcast %broadcast_in_dim3A : f32 to vector<16xf32>
    %scan3A = arith.constant 0 : i32
    %scan3A_2 = arith.constant 0 : i32
    %scan3A_3 = arith.constant 80 : i32
    %scan3A_4 = arith.addi %scan3A_2, %scan3A_3 : i32
    %scan3A_5 = arith.constant 1 : i32
    %scan3A_6 = scf.for %scan3A_96 = %scan3A_2 to %scan3A_4 step %scan3A_5 iter_args(%scan3A_97 = %scan3A) -> (i32)  : i32 {
      %swap3A = arith.index_cast %scan3A_96 : i32 to index
      %swap3A_98 = arith.constant 0 : index
      %swap3A_99 = tpu.vector_load %arg25[%swap3A, %swap3A_98] {strides = array<i32>} : memref<80x256xf32, #tpu.memory_space<vmem>>, vector<16xf32>,
      tpu.vector_store %arg25[%swap3A, %swap3A_98], %broadcast_in_dim3A_1 {strides = array<i32>} : memref<80x256xf32, #tpu.memory_space<vmem>>, vector<16xf32>,
      %swap3A_100 = arith.index_cast %scan3A_96 : i32 to index
      %swap3A_101 = arith.constant 16 : index
      %swap3A_102 = tpu.vector_load %arg25[%swap3A_100, %swap3A_101] {strides = array<i32>} : memref<80x256xf32, #tpu.memory_space<vmem>>, vector<16xf32>,
      tpu.vector_store %arg25[%swap3A_100, %swap3A_101], %broadcast_in_dim3A_1 {strides = array<i32>} : memref<80x256xf32, #tpu.memory_space<vmem>>, vector<16xf32>,
      %swap3A_103 = arith.index_cast %scan3A_96 : i32 to index
      %swap3A_104 = arith.constant 32 : index
      %swap3A_105 = tpu.vector_load %arg25[%swap3A_103, %swap3A_104] {strides = array<i32>} : memref<80x256xf32, #tpu.memory_space<vmem>>, vector<16xf32>,
      tpu.vector_store %arg25[%swap3A_103, %swap3A_104], %broadcast_in_dim3A_1 {strides = array<i32>} : memref<80x256xf32, #tpu.memory_space<vmem>>, vector<16xf32>,
      %swap3A_106 = arith.index_cast %scan3A_96 : i32 to index
      %swap3A_107 = arith.constant 48 : index
      %swap3A_108 = tpu.vector_load %arg25[%swap3A_106, %swap3A_107] {strides = array<i32>} : memref<80x256xf32, #tpu.memory_space<vmem>>, vector<16xf32>,
      tpu.vector_store %arg25[%swap3A_106, %swap3A_107], %broadcast_in_dim3A_1 {strides = array<i32>} : memref<80x256xf32, #tpu.memory_space<vmem>>, vector<16xf32>,
      %swap3A_109 = arith.index_cast %scan3A_96 : i32 to index
      %swap3A_110 = arith.constant 64 : index
      %swap3A_111 = tpu.vector_load %arg25[%swap3A_109, %swap3A_110] {strides = array<i32>} : memref<80x256xf32, #tpu.memory_space<vmem>>, vector<16xf32>,
      tpu.vector_store %arg25[%swap3A_109, %swap3A_110], %broadcast_in_dim3A_1 {strides = array<i32>} : memref<80x256xf32, #tpu.memory_space<vmem>>, vector<16xf32>,
      %swap3A_112 = arith.index_cast %scan3A_96 : i32 to index
      %swap3A_113 = arith.constant 80 : index
      %swap3A_114 = tpu.vector_load %arg25[%swap3A_112, %swap3A_113] {strides = array<i32>} : memref<80x256xf32, #tpu.memory_space<vmem>>, vector<16xf32>,
      tpu.vector_store %arg25[%swap3A_112, %swap3A_113], %broadcast_in_dim3A_1 {strides = array<i32>} : memref<80x256xf32, #tpu.memory_space<vmem>>, vector<16xf32>,
      %swap3A_115 = arith.index_cast %scan3A_96 : i32 to index
      %swap3A_116 = arith.constant 96 : index
      %swap3A_117 = tpu.vector_load %arg25[%swap3A_115, %swap3A_116] {strides = array<i32>} : memref<80x256xf32, #tpu.memory_space<vmem>>, vector<16xf32>,
      tpu.vector_store %arg25[%swap3A_115, %swap3A_116], %broadcast_in_dim3A_1 {strides = array<i32>} : memref<80x256xf32, #tpu.memory_space<vmem>>, vector<16xf32>,
      %swap3A_118 = arith.index_cast %scan3A_96 : i32 to index
      %swap3A_119 = arith.constant 112 : index
      %swap3A_120 = tpu.vector_load %arg25[%swap3A_118, %swap3A_119] {strides = array<i32>} : memref<80x256xf32, #tpu.memory_space<vmem>>, vector<16xf32>,
      tpu.vector_store %arg25[%swap3A_118, %swap3A_119], %broadcast_in_dim3A_1 {strides = array<i32>} : memref<80x256xf32, #tpu.memory_space<vmem>>, vector<16xf32>,
      %swap3A_121 = arith.index_cast %scan3A_96 : i32 to index
      %swap3A_122 = arith.constant 128 : index
      %swap3A_123 = tpu.vector_load %arg25[%swap3A_121, %swap3A_122] {strides = array<i32>} : memref<80x256xf32, #tpu.memory_space<vmem>>, vector<16xf32>,
      tpu.vector_store %arg25[%swap3A_121, %swap3A_122], %broadcast_in_dim3A_1 {strides = array<i32>} : memref<80x256xf32, #tpu.memory_space<vmem>>, vector<16xf32>,
      %swap3A_124 = arith.index_cast %scan3A_96 : i32 to index
      %swap3A_125 = arith.constant 144 : index
      %swap3A_126 = tpu.vector_load %arg25[%swap3A_124, %swap3A_125] {strides = array<i32>} : memref<80x256xf32, #tpu.memory_space<vmem>>, vector<16xf32>,
      tpu.vector_store %arg25[%swap3A_124, %swap3A_125], %broadcast_in_dim3A_1 {strides = array<i32>} : memref<80x256xf32, #tpu.memory_space<vmem>>, vector<16xf32>,
      %swap3A_127 = arith.index_cast %scan3A_96 : i32 to index
      %swap3A_128 = arith.constant 160 : index
      %swap3A_129 = tpu.vector_load %arg25[%swap3A_127, %swap3A_128] {strides = array<i32>} : memref<80x256xf32, #tpu.memory_space<vmem>>, vector<16xf32>,
      tpu.vector_store %arg25[%swap3A_127, %swap3A_128], %broadcast_in_dim3A_1 {strides = array<i32>} : memref<80x256xf32, #tpu.memory_space<vmem>>, vector<16xf32>,
      %swap3A_130 = arith.index_cast %scan3A_96 : i32 to index
      %swap3A_131 = arith.constant 176 : index
      %swap3A_132 = tpu.vector_load %arg25[%swap3A_130, %swap3A_131] {strides = array<i32>} : memref<80x256xf32, #tpu.memory_space<vmem>>, vector<16xf32>,
      tpu.vector_store %arg25[%swap3A_130, %swap3A_131], %broadcast_in_dim3A_1 {strides = array<i32>} : memref<80x256xf32, #tpu.memory_space<vmem>>, vector<16xf32>,
      %swap3A_133 = arith.index_cast %scan3A_96 : i32 to index
      %swap3A_134 = arith.constant 192 : index
      %swap3A_135 = tpu.vector_load %arg25[%swap3A_133, %swap3A_134] {strides = array<i32>} : memref<80x256xf32, #tpu.memory_space<vmem>>, vector<16xf32>,
      tpu.vector_store %arg25[%swap3A_133, %swap3A_134], %broadcast_in_dim3A_1 {strides = array<i32>} : memref<80x256xf32, #tpu.memory_space<vmem>>, vector<16xf32>,
      %swap3A_136 = arith.index_cast %scan3A_96 : i32 to index
      %swap3A_137 = arith.constant 208 : index
      %swap3A_138 = tpu.vector_load %arg25[%swap3A_136, %swap3A_137] {strides = array<i32>} : memref<80x256xf32, #tpu.memory_space<vmem>>, vector<16xf32>,
      tpu.vector_store %arg25[%swap3A_136, %swap3A_137], %broadcast_in_dim3A_1 {strides = array<i32>} : memref<80x256xf32, #tpu.memory_space<vmem>>, vector<16xf32>,
      %swap3A_139 = arith.index_cast %scan3A_96 : i32 to index
      %swap3A_140 = arith.constant 224 : index
      %swap3A_141 = tpu.vector_load %arg25[%swap3A_139, %swap3A_140] {strides = array<i32>} : memref<80x256xf32, #tpu.memory_space<vmem>>, vector<16xf32>,
      tpu.vector_store %arg25[%swap3A_139, %swap3A_140], %broadcast_in_dim3A_1 {strides = array<i32>} : memref<80x256xf32, #tpu.memory_space<vmem>>, vector<16xf32>,
      %swap3A_142 = arith.index_cast %scan3A_96 : i32 to index
      %swap3A_143 = arith.constant 240 : index
      %swap3A_144 = tpu.vector_load %arg25[%swap3A_142, %swap3A_143] {strides = array<i32>} : memref<80x256xf32, #tpu.memory_space<vmem>>, vector<16xf32>,
      tpu.vector_store %arg25[%swap3A_142, %swap3A_143], %broadcast_in_dim3A_1 {strides = array<i32>} : memref<80x256xf32, #tpu.memory_space<vmem>>, vector<16xf32>,
      %scan3A_145 = arith.constant 0 : i32
      scf.yield %scan3A_145 : i32
    }
    %scan3A_7 = arith.constant 80 : i32
    %scan3A_8 = arith.constant 0 : i32
    %scan3A_9 = arith.constant 0 : i32
    %scan3A_10 = arith.constant 128 : i32
    %scan3A_11 = arith.addi %scan3A_9, %scan3A_10 : i32
    %scan3A_12 = arith.constant 1 : i32
    %scan3A_13 = scf.for %scan3A_96 = %scan3A_9 to %scan3A_11 step %scan3A_12 iter_args(%scan3A_97 = %scan3A_8) -> (i32)  : i32 {
      %swap3A = arith.index_cast %scan3A_96 : i32 to index
      %swap3A_98 = arith.constant 0 : index
      %swap3A_99 = tpu.vector_load %arg16[%swap3A, %swap3A_98] {strides = array<i32>} : memref<128x16xf32, #tpu.memory_space<vmem>>, vector<16xf32>,
      tpu.vector_store %arg16[%swap3A, %swap3A_98], %broadcast_in_dim3A_1 {strides = array<i32>} : memref<128x16xf32, #tpu.memory_space<vmem>>, vector<16xf32>,
      %scan3A_100 = arith.constant 0 : i32
      scf.yield %scan3A_100 : i32
    }
    %scan3A_14 = arith.constant 128 : i32
    %scan3A_15 = arith.constant 0 : i32
    %scan3A_16 = arith.constant 0 : i32
    %scan3A_17 = arith.constant 80 : i32
    %scan3A_18 = arith.addi %scan3A_16, %scan3A_17 : i32
    %scan3A_19 = arith.constant 1 : i32
    %scan3A_20 = scf.for %scan3A_96 = %scan3A_16 to %scan3A_18 step %scan3A_19 iter_args(%scan3A_97 = %scan3A_15) -> (i32)  : i32 {
      %swap3A = arith.index_cast %scan3A_96 : i32 to index
      %swap3A_98 = arith.constant 0 : index
      %swap3A_99 = tpu.vector_load %arg23[%swap3A, %swap3A_98] {strides = array<i32>} : memref<80x16xf32, #tpu.memory_space<vmem>>, vector<16xf32>,
      tpu.vector_store %arg23[%swap3A, %swap3A_98], %broadcast_in_dim3A_1 {strides = array<i32>} : memref<80x16xf32, #tpu.memory_space<vmem>>, vector<16xf32>,
      %swap3A_100 = arith.index_cast %scan3A_96 : i32 to index
      %swap3A_101 = arith.constant 0 : index
      %swap3A_102 = tpu.vector_load %arg30[%swap3A_100, %swap3A_101] {strides = array<i32>} : memref<80x16xf32, #tpu.memory_space<vmem>>, vector<16xf32>,
      tpu.vector_store %arg30[%swap3A_100, %swap3A_101], %broadcast_in_dim3A_1 {strides = array<i32>} : memref<80x16xf32, #tpu.memory_space<vmem>>, vector<16xf32>,
      %scan3A_103 = arith.constant 0 : i32
      scf.yield %scan3A_103 : i32
    }
    %scan3A_21 = arith.constant 80 : i32
    %mul3A_22 = arith.constant 128 : i32
    %mul3A_23 = arith.muli %arg1, %mul3A_22 : i32
    "tpu.region"() ({
      %run_scoped3A = tpu.sem_alloc : memref<!tpu.dma_semaphore, #tpu.memory_space<semaphore_mem>>
      %dma_start3A_96 = arith.constant 0 : i32
      %dma_start3A_97 = tpu.memref_slice %arg33[%mul3A_23, %dma_start3A_96] : memref<2048x256xf32, #tpu.memory_space<vmem_shared>> -> memref<80x256xf32, #tpu.memory_space<vmem_shared>>
      %dma_start3A_98 = arith.constant 0 : i32
      %dma_start3A_99 = tpu.memref_slice %arg33[%mul3A_23, %dma_start3A_98] : memref<2048x256xf32, #tpu.memory_space<vmem_shared>> -> memref<80x256xf32, #tpu.memory_space<vmem_shared>>
      tpu.enqueue_dma source(%arg25 : memref<80x256xf32, #tpu.memory_space<vmem>>) target(%dma_start3A_99 : memref<80x256xf32, #tpu.memory_space<vmem_shared>>) target_semaphore(%run_scoped3A : memref<!tpu.dma_semaphore, #tpu.memory_space<semaphore_mem>>)
      %dma_wait3A_100 = arith.constant 0 : i32
      %dma_wait3A_101 = tpu.memref_slice %arg33[%mul3A_23, %dma_wait3A_100] : memref<2048x256xf32, #tpu.memory_space<vmem_shared>> -> memref<80x256xf32, #tpu.memory_space<vmem_shared>>
      %dma_wait3A_102 = arith.constant 0 : i32
      %dma_wait3A_103 = tpu.memref_slice %arg33[%mul3A_23, %dma_wait3A_102] : memref<2048x256xf32, #tpu.memory_space<vmem_shared>> -> memref<80x256xf32, #tpu.memory_space<vmem_shared>>
      tpu.wait_dma2 semaphore(%run_scoped3A : memref<!tpu.dma_semaphore, #tpu.memory_space<semaphore_mem>>) src(%arg25 : memref<80x256xf32, #tpu.memory_space<vmem>>) dst(%dma_wait3A_103 : memref<80x256xf32, #tpu.memory_space<vmem_shared>>)
      tpu.yield
    }) : () -> ()
    %add3A_24 = arith.constant 80 : i32
    %add3A_25 = arith.addi %mul3A_23, %add3A_24 : i32
    "tpu.region"() ({
      %run_scoped3A = tpu.sem_alloc : memref<!tpu.dma_semaphore, #tpu.memory_space<semaphore_mem>>
      %dma_start3A_96 = arith.constant 0 : i32
      %dma_start3A_97 = arith.constant 0 : i32
      %dma_start3A_98 = tpu.memref_slice %arg25[%dma_start3A_96, %dma_start3A_97] : memref<80x256xf32, #tpu.memory_space<vmem>> -> memref<48x256xf32, #tpu.memory_space<vmem>>
      %dma_start3A_99 = arith.constant 0 : i32
      %dma_start3A_100 = tpu.memref_slice %arg33[%add3A_25, %dma_start3A_99] : memref<2048x256xf32, #tpu.memory_space<vmem_shared>> -> memref<48x256xf32, #tpu.memory_space<vmem_shared>>
      %dma_start3A_101 = arith.constant 0 : i32
      %dma_start3A_102 = tpu.memref_slice %arg33[%add3A_25, %dma_start3A_101] : memref<2048x256xf32, #tpu.memory_space<vmem_shared>> -> memref<48x256xf32, #tpu.memory_space<vmem_shared>>
      %dma_start3A_103 = arith.constant 0 : i32
      %dma_start3A_104 = arith.constant 0 : i32
      %dma_start3A_105 = tpu.memref_slice %arg25[%dma_start3A_103, %dma_start3A_104] : memref<80x256xf32, #tpu.memory_space<vmem>> -> memref<48x256xf32, #tpu.memory_space<vmem>>
      tpu.enqueue_dma source(%dma_start3A_105 : memref<48x256xf32, #tpu.memory_space<vmem>>) target(%dma_start3A_102 : memref<48x256xf32, #tpu.memory_space<vmem_shared>>) target_semaphore(%run_scoped3A : memref<!tpu.dma_semaphore, #tpu.memory_space<semaphore_mem>>)
      %dma_wait3A_106 = arith.constant 0 : i32
      %dma_wait3A_107 = arith.constant 0 : i32
      %dma_wait3A_108 = tpu.memref_slice %arg25[%dma_wait3A_106, %dma_wait3A_107] : memref<80x256xf32, #tpu.memory_space<vmem>> -> memref<48x256xf32, #tpu.memory_space<vmem>>
      %dma_wait3A_109 = arith.constant 0 : i32
      %dma_wait3A_110 = tpu.memref_slice %arg33[%add3A_25, %dma_wait3A_109] : memref<2048x256xf32, #tpu.memory_space<vmem_shared>> -> memref<48x256xf32, #tpu.memory_space<vmem_shared>>
      %dma_wait3A_111 = arith.constant 0 : i32
      %dma_wait3A_112 = tpu.memref_slice %arg33[%add3A_25, %dma_wait3A_111] : memref<2048x256xf32, #tpu.memory_space<vmem_shared>> -> memref<48x256xf32, #tpu.memory_space<vmem_shared>>
      %dma_wait3A_113 = arith.constant 0 : i32
      %dma_wait3A_114 = arith.constant 0 : i32
      %dma_wait3A_115 = tpu.memref_slice %arg25[%dma_wait3A_113, %dma_wait3A_114] : memref<80x256xf32, #tpu.memory_space<vmem>> -> memref<48x256xf32, #tpu.memory_space<vmem>>
      tpu.wait_dma2 semaphore(%run_scoped3A : memref<!tpu.dma_semaphore, #tpu.memory_space<semaphore_mem>>) src(%dma_wait3A_115 : memref<48x256xf32, #tpu.memory_space<vmem>>) dst(%dma_wait3A_112 : memref<48x256xf32, #tpu.memory_space<vmem_shared>>)
      tpu.yield
    }) : () -> ()
    "tpu.region"() ({
      %run_scoped3A = tpu.sem_alloc : memref<!tpu.dma_semaphore, #tpu.memory_space<semaphore_mem>>
      %dma_start3A_96 = arith.constant 0 : i32
      %dma_start3A_97 = tpu.memref_slice %arg34[%mul3A_23, %dma_start3A_96] : memref<2048x16xf32, #tpu.memory_space<vmem_shared>> -> memref<128x16xf32, #tpu.memory_space<vmem_shared>>
      %dma_start3A_98 = arith.constant 0 : i32
      %dma_start3A_99 = tpu.memref_slice %arg34[%mul3A_23, %dma_start3A_98] : memref<2048x16xf32, #tpu.memory_space<vmem_shared>> -> memref<128x16xf32, #tpu.memory_space<vmem_shared>>
      tpu.enqueue_dma source(%arg16 : memref<128x16xf32, #tpu.memory_space<vmem>>) target(%dma_start3A_99 : memref<128x16xf32, #tpu.memory_space<vmem_shared>>) target_semaphore(%run_scoped3A : memref<!tpu.dma_semaphore, #tpu.memory_space<semaphore_mem>>)
      %dma_wait3A_100 = arith.constant 0 : i32
      %dma_wait3A_101 = tpu.memref_slice %arg34[%mul3A_23, %dma_wait3A_100] : memref<2048x16xf32, #tpu.memory_space<vmem_shared>> -> memref<128x16xf32, #tpu.memory_space<vmem_shared>>
      %dma_wait3A_102 = arith.constant 0 : i32
      %dma_wait3A_103 = tpu.memref_slice %arg34[%mul3A_23, %dma_wait3A_102] : memref<2048x16xf32, #tpu.memory_space<vmem_shared>> -> memref<128x16xf32, #tpu.memory_space<vmem_shared>>
      tpu.wait_dma2 semaphore(%run_scoped3A : memref<!tpu.dma_semaphore, #tpu.memory_space<semaphore_mem>>) src(%arg16 : memref<128x16xf32, #tpu.memory_space<vmem>>) dst(%dma_wait3A_103 : memref<128x16xf32, #tpu.memory_space<vmem_shared>>)
      tpu.yield
    }) : () -> ()
    "tpu.region"() ({
      %run_scoped3A = tpu.sem_alloc : memref<!tpu.dma_semaphore, #tpu.memory_space<semaphore_mem>>
      tpu.enqueue_dma source(%arg5 : memref<10000xf32, #tpu.memory_space<hbm>>) target(%arg12 : memref<10000xf32, #tpu.memory_space<vmem>>) target_semaphore(%run_scoped3A : memref<!tpu.dma_semaphore, #tpu.memory_space<semaphore_mem>>)
      tpu.wait_dma2 semaphore(%run_scoped3A : memref<!tpu.dma_semaphore, #tpu.memory_space<semaphore_mem>>) src(%arg5 : memref<10000xf32, #tpu.memory_space<hbm>>) dst(%arg12 : memref<10000xf32, #tpu.memory_space<vmem>>)
      tpu.yield
    }) : () -> ()
    "tpu.region"() ({
      %run_scoped3A = tpu.sem_alloc : memref<!tpu.dma_semaphore, #tpu.memory_space<semaphore_mem>>
      tpu.enqueue_dma source(%arg6 : memref<10000xf32, #tpu.memory_space<hbm>>) target(%arg13 : memref<10000xf32, #tpu.memory_space<vmem>>) target_semaphore(%run_scoped3A : memref<!tpu.dma_semaphore, #tpu.memory_space<semaphore_mem>>)
      tpu.wait_dma2 semaphore(%run_scoped3A : memref<!tpu.dma_semaphore, #tpu.memory_space<semaphore_mem>>) src(%arg6 : memref<10000xf32, #tpu.memory_space<hbm>>) dst(%arg13 : memref<10000xf32, #tpu.memory_space<vmem>>)
      tpu.yield
    }) : () -> ()
    "tpu.region"() ({
      %run_scoped3A = tpu.sem_alloc : memref<!tpu.dma_semaphore, #tpu.memory_space<semaphore_mem>>
      tpu.enqueue_dma source(%arg4 : memref<2000xi32, #tpu.memory_space<hbm>>) target(%arg14 : memref<2000xi32, #tpu.memory_space<vmem>>) target_semaphore(%run_scoped3A : memref<!tpu.dma_semaphore, #tpu.memory_space<semaphore_mem>>)
      tpu.wait_dma2 semaphore(%run_scoped3A : memref<!tpu.dma_semaphore, #tpu.memory_space<semaphore_mem>>) src(%arg4 : memref<2000xi32, #tpu.memory_space<hbm>>) dst(%arg14 : memref<2000xi32, #tpu.memory_space<vmem>>)
      tpu.yield
    }) : () -> ()
    "tpu.region"() ({
      %run_scoped3A = tpu.sem_alloc : memref<!tpu.dma_semaphore, #tpu.memory_space<semaphore_mem>>
      %dma_start3A_96 = arith.constant 0 : i32
      %dma_start3A_97 = tpu.memref_slice %arg7[%dma_start3A_96] : memref<128xf32, #tpu.memory_space<hbm>> -> memref<16xf32, #tpu.memory_space<hbm>>
      %dma_start3A_98 = arith.constant 0 : i32
      %dma_start3A_99 = tpu.memref_slice %arg7[%dma_start3A_98] : memref<128xf32, #tpu.memory_space<hbm>> -> memref<16xf32, #tpu.memory_space<hbm>>
      tpu.enqueue_dma source(%dma_start3A_99 : memref<16xf32, #tpu.memory_space<hbm>>) target(%arg17 : memref<16xf32, #tpu.memory_space<vmem>>) target_semaphore(%run_scoped3A : memref<!tpu.dma_semaphore, #tpu.memory_space<semaphore_mem>>)
      %dma_wait3A_100 = arith.constant 0 : i32
      %dma_wait3A_101 = tpu.memref_slice %arg7[%dma_wait3A_100] : memref<128xf32, #tpu.memory_space<hbm>> -> memref<16xf32, #tpu.memory_space<hbm>>
      %dma_wait3A_102 = arith.constant 0 : i32
      %dma_wait3A_103 = tpu.memref_slice %arg7[%dma_wait3A_102] : memref<128xf32, #tpu.memory_space<hbm>> -> memref<16xf32, #tpu.memory_space<hbm>>
      tpu.wait_dma2 semaphore(%run_scoped3A : memref<!tpu.dma_semaphore, #tpu.memory_space<semaphore_mem>>) src(%dma_wait3A_103 : memref<16xf32, #tpu.memory_space<hbm>>) dst(%arg17 : memref<16xf32, #tpu.memory_space<vmem>>)
      tpu.yield
    }) : () -> ()
    "tpu.region"() ({
      %run_scoped3A = tpu.sem_alloc : memref<!tpu.dma_semaphore, #tpu.memory_space<semaphore_mem>>
      %dma_start3A_96 = arith.constant 0 : i32
      %dma_start3A_97 = tpu.memref_slice %arg8[%dma_start3A_96] : memref<128xf32, #tpu.memory_space<hbm>> -> memref<16xf32, #tpu.memory_space<hbm>>
      %dma_start3A_98 = arith.constant 0 : i32
      %dma_start3A_99 = tpu.memref_slice %arg8[%dma_start3A_98] : memref<128xf32, #tpu.memory_space<hbm>> -> memref<16xf32, #tpu.memory_space<hbm>>
      tpu.enqueue_dma source(%dma_start3A_99 : memref<16xf32, #tpu.memory_space<hbm>>) target(%arg18 : memref<16xf32, #tpu.memory_space<vmem>>) target_semaphore(%run_scoped3A : memref<!tpu.dma_semaphore, #tpu.memory_space<semaphore_mem>>)
      %dma_wait3A_100 = arith.constant 0 : i32
      %dma_wait3A_101 = tpu.memref_slice %arg8[%dma_wait3A_100] : memref<128xf32, #tpu.memory_space<hbm>> -> memref<16xf32, #tpu.memory_space<hbm>>
      %dma_wait3A_102 = arith.constant 0 : i32
      %dma_wait3A_103 = tpu.memref_slice %arg8[%dma_wait3A_102] : memref<128xf32, #tpu.memory_space<hbm>> -> memref<16xf32, #tpu.memory_space<hbm>>
      tpu.wait_dma2 semaphore(%run_scoped3A : memref<!tpu.dma_semaphore, #tpu.memory_space<semaphore_mem>>) src(%dma_wait3A_103 : memref<16xf32, #tpu.memory_space<hbm>>) dst(%arg18 : memref<16xf32, #tpu.memory_space<vmem>>)
      tpu.yield
    }) : () -> ()
    %scan3A_26 = arith.constant 0 : i32
    %scan3A_27 = arith.constant 0 : i32
    %scan3A_28 = arith.constant 125 : i32
    %scan3A_29 = arith.addi %scan3A_27, %scan3A_28 : i32
    %scan3A_30 = arith.constant 1 : i32
    %scan3A_31 = scf.for %scan3A_96 = %scan3A_27 to %scan3A_29 step %scan3A_30 iter_args(%scan3A_97 = %scan3A_26) -> (i32)  : i32 {
      %mul3A_98 = arith.constant 16 : i32
      %mul3A_99 = arith.muli %scan3A_96, %mul3A_98 : i32
      %get3A_100 = arith.index_cast %mul3A_99 : i32 to index
      %get3A_101 = tpu.vector_load %arg14[%get3A_100] {strides = array<i32>} : memref<2000xi32, #tpu.memory_space<vmem>>, vector<16xi32>,
      %gather3A = tpu.vector_load_idx %arg12[%get3A_101] : memref<10000xf32, #tpu.memory_space<vmem>>[vector<16xi32>], vector<16xf32>,
      %mul3A_102 = arith.constant 16 : i32
      %mul3A_103 = arith.muli %scan3A_96, %mul3A_102 : i32
      %swap3A = arith.index_cast %mul3A_103 : i32 to index
      %swap3A_104 = tpu.vector_load %arg15[%swap3A] {strides = array<i32>} : memref<2000xf32, #tpu.memory_space<vmem>>, vector<16xf32>,
      tpu.vector_store %arg15[%swap3A], %gather3A {strides = array<i32>} : memref<2000xf32, #tpu.memory_space<vmem>>, vector<16xf32>,
      %scan3A_105 = arith.constant 0 : i32
      scf.yield %scan3A_105 : i32
    }
    %scan3A_32 = arith.constant 125 : i32
    %get3A = arith.constant 0 : index
    %get3A_33 = tpu.vector_load %arg17[%get3A] {strides = array<i32>} : memref<16xf32, #tpu.memory_space<vmem>>, vector<16xf32>,
    %get3A_34 = arith.constant 0 : index
    %get3A_35 = tpu.vector_load %arg18[%get3A_34] {strides = array<i32>} : memref<16xf32, #tpu.memory_space<vmem>>, vector<16xf32>,
    %add3A_36 = arith.addf %get3A_33, %get3A_35 : vector<16xf32>
    %max3A = arith.constant 0.000000e+00 : f32
    %max3A_37 = vector.broadcast %max3A : f32 to vector<16xf32>
    %max3A_38 = arith.maximumf %add3A_36, %max3A_37 : vector<16xf32>
    %barrier3A = arith.constant 0 : index
    tpu.barrier barrier_id(%barrier3A)
    %iota3A = tpu.iota {dimensions = array<i32: 0>} : vector<16xi32>
    %broadcast_in_dim3A_39 = arith.constant 0 : i32
    %broadcast_in_dim3A_40 = vector.broadcast %broadcast_in_dim3A_39 : i32 to vector<16xi32>
    %mul3A_41 = arith.constant 10000 : i32
    %mul3A_42 = arith.muli %add3A, %mul3A_41 : i32
    %add3A_43 = arith.constant 0 : i32
    %add3A_44 = arith.addi %mul3A_42, %add3A_43 : i32
    %dma_start3A = tpu.memref_slice %arg2[%add3A_44] : memref<320512xi32, #tpu.memory_space<hbm>> -> memref<80xi32, #tpu.memory_space<hbm>>
    %dma_start3A_45 = tpu.memref_slice %arg2[%add3A_44] : memref<320512xi32, #tpu.memory_space<hbm>> -> memref<80xi32, #tpu.memory_space<hbm>>
    tpu.enqueue_dma source(%dma_start3A_45 : memref<80xi32, #tpu.memory_space<hbm>>) target(%arg19 : memref<80xi32, #tpu.memory_space<vmem>>) target_semaphore(%arg35 : memref<!tpu.dma_semaphore, #tpu.memory_space<semaphore_mem>>)
    %dma_start3A_46 = tpu.memref_slice %arg3[%add3A_44] : memref<320512xi32, #tpu.memory_space<hbm>> -> memref<80xi32, #tpu.memory_space<hbm>>
    %dma_start3A_47 = tpu.memref_slice %arg3[%add3A_44] : memref<320512xi32, #tpu.memory_space<hbm>> -> memref<80xi32, #tpu.memory_space<hbm>>
    tpu.enqueue_dma source(%dma_start3A_47 : memref<80xi32, #tpu.memory_space<hbm>>) target(%arg20 : memref<80xi32, #tpu.memory_space<vmem>>) target_semaphore(%arg35 : memref<!tpu.dma_semaphore, #tpu.memory_space<semaphore_mem>>)
    %add3A_48 = arith.constant 80 : i32
    %add3A_49 = arith.addi %mul3A_42, %add3A_48 : i32
    %dma_start3A_50 = tpu.memref_slice %arg2[%add3A_49] : memref<320512xi32, #tpu.memory_space<hbm>> -> memref<80xi32, #tpu.memory_space<hbm>>
    %dma_start3A_51 = tpu.memref_slice %arg2[%add3A_49] : memref<320512xi32, #tpu.memory_space<hbm>> -> memref<80xi32, #tpu.memory_space<hbm>>
    tpu.enqueue_dma source(%dma_start3A_51 : memref<80xi32, #tpu.memory_space<hbm>>) target(%arg26 : memref<80xi32, #tpu.memory_space<vmem>>) target_semaphore(%arg36 : memref<!tpu.dma_semaphore, #tpu.memory_space<semaphore_mem>>)
    %dma_start3A_52 = tpu.memref_slice %arg3[%add3A_49] : memref<320512xi32, #tpu.memory_space<hbm>> -> memref<80xi32, #tpu.memory_space<hbm>>
    %dma_start3A_53 = tpu.memref_slice %arg3[%add3A_49] : memref<320512xi32, #tpu.memory_space<hbm>> -> memref<80xi32, #tpu.memory_space<hbm>>
    tpu.enqueue_dma source(%dma_start3A_53 : memref<80xi32, #tpu.memory_space<hbm>>) target(%arg27 : memref<80xi32, #tpu.memory_space<vmem>>) target_semaphore(%arg36 : memref<!tpu.dma_semaphore, #tpu.memory_space<semaphore_mem>>)
    %dma_wait3A = arith.constant 0 : i32
    %dma_wait3A_54 = tpu.memref_slice %arg2[%dma_wait3A] : memref<320512xi32, #tpu.memory_space<hbm>> -> memref<80xi32, #tpu.memory_space<hbm>>
    %dma_wait3A_55 = arith.constant 0 : i32
    %dma_wait3A_56 = tpu.memref_slice %arg2[%dma_wait3A_55] : memref<320512xi32, #tpu.memory_space<hbm>> -> memref<80xi32, #tpu.memory_space<hbm>>
    tpu.wait_dma2 semaphore(%arg35 : memref<!tpu.dma_semaphore, #tpu.memory_space<semaphore_mem>>) src(%dma_wait3A_56 : memref<80xi32, #tpu.memory_space<hbm>>) dst(%arg19 : memref<80xi32, #tpu.memory_space<vmem>>)
    %dma_wait3A_57 = arith.constant 0 : i32
    %dma_wait3A_58 = tpu.memref_slice %arg3[%dma_wait3A_57] : memref<320512xi32, #tpu.memory_space<hbm>> -> memref<80xi32, #tpu.memory_space<hbm>>
    %dma_wait3A_59 = arith.constant 0 : i32
    %dma_wait3A_60 = tpu.memref_slice %arg3[%dma_wait3A_59] : memref<320512xi32, #tpu.memory_space<hbm>> -> memref<80xi32, #tpu.memory_space<hbm>>
    tpu.wait_dma2 semaphore(%arg35 : memref<!tpu.dma_semaphore, #tpu.memory_space<semaphore_mem>>) src(%dma_wait3A_60 : memref<80xi32, #tpu.memory_space<hbm>>) dst(%arg20 : memref<80xi32, #tpu.memory_space<vmem>>)
    %dma_start3A_61 = arith.constant 0 : i32
    %dma_start3A_62 = arith.constant 0 : i32
    %dma_start3A_63 = tpu.memref_slice %arg9[%dma_start3A_61, %dma_start3A_62] : memref<10000x256xbf16, #tpu.memory_space<hbm>> -> memref<10000x256xbf16, #tpu.memory_space<hbm>>
    tpu.enqueue_indirect_dma source(%dma_start3A_63 : memref<10000x256xbf16, #tpu.memory_space<hbm>>) target(%arg24 : memref<80x256xbf16, #tpu.memory_space<vmem>>) offsets(%arg19 : memref<80xi32, #tpu.memory_space<vmem>>) semaphore(%arg37 : memref<!tpu.dma_semaphore, #tpu.memory_space<semaphore_mem>>)
    %scan3A_64 = arith.constant 0 : i32
    %scan3A_65 = arith.constant 0 : i32
    %scan3A_66 = arith.constant 62 : i32
    %scan3A_67 = arith.addi %scan3A_65, %scan3A_66 : i32
    %scan3A_68 = arith.constant 1 : i32
    %scan3A_69 = scf.for %scan3A_96 = %scan3A_65 to %scan3A_67 step %scan3A_68 iter_args(%scan3A_97 = %scan3A_64) -> (i32)  : i32 {
      %mul3A_98 = arith.constant 2 : i32
      %mul3A_99 = arith.muli %scan3A_96, %mul3A_98 : i32
      %add3A_100 = arith.constant 0 : i32
      %add3A_101 = arith.addi %mul3A_99, %add3A_100 : i32
      %get3A_102 = arith.constant 0 : index
      %get3A_103 = tpu.vector_load %arg19[%get3A_102] {strides = array<i32>} : memref<80xi32, #tpu.memory_space<vmem>>, vector<16xi32>,
      %get3A_104 = arith.constant 0 : index
      %get3A_105 = tpu.vector_load %arg20[%get3A_104] {strides = array<i32>} : memref<80xi32, #tpu.memory_space<vmem>>, vector<16xi32>,
      %gather3A = tpu.vector_load_idx %arg15[%get3A_105] : memref<2000xf32, #tpu.memory_space<vmem>>[vector<16xi32>], vector<16xf32>,
      %gather3A_106 = tpu.vector_load_idx %arg13[%get3A_103] : memref<10000xf32, #tpu.memory_space<vmem>>[vector<16xi32>], vector<16xf32>,
      %add3A_107 = arith.addf %gather3A, %gather3A_106 : vector<16xf32>
      %ge3A = arith.constant 0.000000e+00 : f32
      %ge3A_108 = vector.broadcast %ge3A : f32 to vector<16xf32>
      %ge3A_109 = arith.cmpf oge, %add3A_107, %ge3A_108 : vector<16xf32>
      %mul3A_110 = arith.constant 2.000000e-01 : f32
      %mul3A_111 = vector.broadcast %mul3A_110 : f32 to vector<16xf32>
      %mul3A_112 = arith.mulf %add3A_107, %mul3A_111 : vector<16xf32>
      %select_n3A = arith.select %ge3A_109, %add3A_107, %mul3A_112 : vector<16xi1>, vector<16xf32>
      %sub3A = arith.subf %select_n3A, %max3A_38 : vector<16xf32>
      %exp3A = math.exp %sub3A : vector<16xf32>
      %swap3A = arith.constant 0 : index
      %swap3A_113 = tpu.vector_load %arg22[%swap3A] {strides = array<i32>} : memref<80xf32, #tpu.memory_space<vmem>>, vector<16xf32>,
      tpu.vector_store %arg22[%swap3A], %exp3A {strides = array<i32>} : memref<80xf32, #tpu.memory_space<vmem>>, vector<16xf32>,
      %add3A_114 = arith.constant 0 : i32
      %add3A_115 = vector.broadcast %add3A_114 : i32 to vector<16xi32>
      %add3A_116 = arith.addi %add3A_115, %iota3A : vector<16xi32>
      tpu.vector_store_idx %arg23[%add3A_116, %broadcast_in_dim3A_40], %exp3A : memref<80x16xf32, #tpu.memory_space<vmem>>[vector<16xi32>, vector<16xi32>], vector<16xf32>,
      %swap3A_117 = arith.constant 0 : index
      %swap3A_118 = tpu.vector_load %arg21[%swap3A_117] {strides = array<i32>} : memref<80xi32, #tpu.memory_space<vmem>>, vector<16xi32>,
      tpu.vector_store %arg21[%swap3A_117], %get3A_105 {strides = array<i32>} : memref<80xi32, #tpu.memory_space<vmem>>, vector<16xi32>,
      %get3A_119 = arith.constant 16 : index
      %get3A_120 = tpu.vector_load %arg19[%get3A_119] {strides = array<i32>} : memref<80xi32, #tpu.memory_space<vmem>>, vector<16xi32>,
      %get3A_121 = arith.constant 16 : index
      %get3A_122 = tpu.vector_load %arg20[%get3A_121] {strides = array<i32>} : memref<80xi32, #tpu.memory_space<vmem>>, vector<16xi32>,
      %gather3A_123 = tpu.vector_load_idx %arg15[%get3A_122] : memref<2000xf32, #tpu.memory_space<vmem>>[vector<16xi32>], vector<16xf32>,
      %gather3A_124 = tpu.vector_load_idx %arg13[%get3A_120] : memref<10000xf32, #tpu.memory_space<vmem>>[vector<16xi32>], vector<16xf32>,
      %add3A_125 = arith.addf %gather3A_123, %gather3A_124 : vector<16xf32>
      %ge3A_126 = arith.constant 0.000000e+00 : f32
      %ge3A_127 = vector.broadcast %ge3A_126 : f32 to vector<16xf32>
      %ge3A_128 = arith.cmpf oge, %add3A_125, %ge3A_127 : vector<16xf32>
      %mul3A_129 = arith.constant 2.000000e-01 : f32
      %mul3A_130 = vector.broadcast %mul3A_129 : f32 to vector<16xf32>
      %mul3A_131 = arith.mulf %add3A_125, %mul3A_130 : vector<16xf32>
      %select_n3A_132 = arith.select %ge3A_128, %add3A_125, %mul3A_131 : vector<16xi1>, vector<16xf32>
      %sub3A_133 = arith.subf %select_n3A_132, %max3A_38 : vector<16xf32>
      %exp3A_134 = math.exp %sub3A_133 : vector<16xf32>
      %swap3A_135 = arith.constant 16 : index
      %swap3A_136 = tpu.vector_load %arg22[%swap3A_135] {strides = array<i32>} : memref<80xf32, #tpu.memory_space<vmem>>, vector<16xf32>,
      tpu.vector_store %arg22[%swap3A_135], %exp3A_134 {strides = array<i32>} : memref<80xf32, #tpu.memory_space<vmem>>, vector<16xf32>,
      %add3A_137 = arith.constant 16 : i32
      %add3A_138 = vector.broadcast %add3A_137 : i32 to vector<16xi32>
      %add3A_139 = arith.addi %add3A_138, %iota3A : vector<16xi32>
      tpu.vector_store_idx %arg23[%add3A_139, %broadcast_in_dim3A_40], %exp3A_134 : memref<80x16xf32, #tpu.memory_space<vmem>>[vector<16xi32>, vector<16xi32>], vector<16xf32>,
      %swap3A_140 = arith.constant 16 : index
      %swap3A_141 = tpu.vector_load %arg21[%swap3A_140] {strides = array<i32>} : memref<80xi32, #tpu.memory_space<vmem>>, vector<16xi32>,
      tpu.vector_store %arg21[%swap3A_140], %get3A_122 {strides = array<i32>} : memref<80xi32, #tpu.memory_space<vmem>>, vector<16xi32>,
      %get3A_142 = arith.constant 32 : index
      %get3A_143 = tpu.vector_load %arg19[%get3A_142] {strides = array<i32>} : memref<80xi32, #tpu.memory_space<vmem>>, vector<16xi32>,
      %get3A_144 = arith.constant 32 : index
      %get3A_145 = tpu.vector_load %arg20[%get3A_144] {strides = array<i32>} : memref<80xi32, #tpu.memory_space<vmem>>, vector<16xi32>,
      %gather3A_146 = tpu.vector_load_idx %arg15[%get3A_145] : memref<2000xf32, #tpu.memory_space<vmem>>[vector<16xi32>], vector<16xf32>,
      %gather3A_147 = tpu.vector_load_idx %arg13[%get3A_143] : memref<10000xf32, #tpu.memory_space<vmem>>[vector<16xi32>], vector<16xf32>,
      %add3A_148 = arith.addf %gather3A_146, %gather3A_147 : vector<16xf32>
      %ge3A_149 = arith.constant 0.000000e+00 : f32
      %ge3A_150 = vector.broadcast %ge3A_149 : f32 to vector<16xf32>
      %ge3A_151 = arith.cmpf oge, %add3A_148, %ge3A_150 : vector<16xf32>
      %mul3A_152 = arith.constant 2.000000e-01 : f32
      %mul3A_153 = vector.broadcast %mul3A_152 : f32 to vector<16xf32>
      %mul3A_154 = arith.mulf %add3A_148, %mul3A_153 : vector<16xf32>
      %select_n3A_155 = arith.select %ge3A_151, %add3A_148, %mul3A_154 : vector<16xi1>, vector<16xf32>
      %sub3A_156 = arith.subf %select_n3A_155, %max3A_38 : vector<16xf32>
      %exp3A_157 = math.exp %sub3A_156 : vector<16xf32>
      %swap3A_158 = arith.constant 32 : index
      %swap3A_159 = tpu.vector_load %arg22[%swap3A_158] {strides = array<i32>} : memref<80xf32, #tpu.memory_space<vmem>>, vector<16xf32>,
      tpu.vector_store %arg22[%swap3A_158], %exp3A_157 {strides = array<i32>} : memref<80xf32, #tpu.memory_space<vmem>>, vector<16xf32>,
      %add3A_160 = arith.constant 32 : i32
      %add3A_161 = vector.broadcast %add3A_160 : i32 to vector<16xi32>
      %add3A_162 = arith.addi %add3A_161, %iota3A : vector<16xi32>
      tpu.vector_store_idx %arg23[%add3A_162, %broadcast_in_dim3A_40], %exp3A_157 : memref<80x16xf32, #tpu.memory_space<vmem>>[vector<16xi32>, vector<16xi32>], vector<16xf32>,
      %swap3A_163 = arith.constant 32 : index
      %swap3A_164 = tpu.vector_load %arg21[%swap3A_163] {strides = array<i32>} : memref<80xi32, #tpu.memory_space<vmem>>, vector<16xi32>,
      tpu.vector_store %arg21[%swap3A_163], %get3A_145 {strides = array<i32>} : memref<80xi32, #tpu.memory_space<vmem>>, vector<16xi32>,
      %get3A_165 = arith.constant 48 : index
      %get3A_166 = tpu.vector_load %arg19[%get3A_165] {strides = array<i32>} : memref<80xi32, #tpu.memory_space<vmem>>, vector<16xi32>,
      %get3A_167 = arith.constant 48 : index
      %get3A_168 = tpu.vector_load %arg20[%get3A_167] {strides = array<i32>} : memref<80xi32, #tpu.memory_space<vmem>>, vector<16xi32>,
      %gather3A_169 = tpu.vector_load_idx %arg15[%get3A_168] : memref<2000xf32, #tpu.memory_space<vmem>>[vector<16xi32>], vector<16xf32>,
      %gather3A_170 = tpu.vector_load_idx %arg13[%get3A_166] : memref<10000xf32, #tpu.memory_space<vmem>>[vector<16xi32>], vector<16xf32>,
      %add3A_171 = arith.addf %gather3A_169, %gather3A_170 : vector<16xf32>
      %ge3A_172 = arith.constant 0.000000e+00 : f32
      %ge3A_173 = vector.broadcast %ge3A_172 : f32 to vector<16xf32>
      %ge3A_174 = arith.cmpf oge, %add3A_171, %ge3A_173 : vector<16xf32>
      %mul3A_175 = arith.constant 2.000000e-01 : f32
      %mul3A_176 = vector.broadcast %mul3A_175 : f32 to vector<16xf32>
      %mul3A_177 = arith.mulf %add3A_171, %mul3A_176 : vector<16xf32>
      %select_n3A_178 = arith.select %ge3A_174, %add3A_171, %mul3A_177 : vector<16xi1>, vector<16xf32>
      %sub3A_179 = arith.subf %select_n3A_178, %max3A_38 : vector<16xf32>
      %exp3A_180 = math.exp %sub3A_179 : vector<16xf32>
      %swap3A_181 = arith.constant 48 : index
      %swap3A_182 = tpu.vector_load %arg22[%swap3A_181] {strides = array<i32>} : memref<80xf32, #tpu.memory_space<vmem>>, vector<16xf32>,
      tpu.vector_store %arg22[%swap3A_181], %exp3A_180 {strides = array<i32>} : memref<80xf32, #tpu.memory_space<vmem>>, vector<16xf32>,
      %add3A_183 = arith.constant 48 : i32
      %add3A_184 = vector.broadcast %add3A_183 : i32 to vector<16xi32>
      %add3A_185 = arith.addi %add3A_184, %iota3A : vector<16xi32>
      tpu.vector_store_idx %arg23[%add3A_185, %broadcast_in_dim3A_40], %exp3A_180 : memref<80x16xf32, #tpu.memory_space<vmem>>[vector<16xi32>, vector<16xi32>], vector<16xf32>,
      %swap3A_186 = arith.constant 48 : index
      %swap3A_187 = tpu.vector_load %arg21[%swap3A_186] {strides = array<i32>} : memref<80xi32, #tpu.memory_space<vmem>>, vector<16xi32>,
      tpu.vector_store %arg21[%swap3A_186], %get3A_168 {strides = array<i32>} : memref<80xi32, #tpu.memory_space<vmem>>, vector<16xi32>,
      %get3A_188 = arith.constant 64 : index
      %get3A_189 = tpu.vector_load %arg19[%get3A_188] {strides = array<i32>} : memref<80xi32, #tpu.memory_space<vmem>>, vector<16xi32>,
      %get3A_190 = arith.constant 64 : index
      %get3A_191 = tpu.vector_load %arg20[%get3A_190] {strides = array<i32>} : memref<80xi32, #tpu.memory_space<vmem>>, vector<16xi32>,
      %gather3A_192 = tpu.vector_load_idx %arg15[%get3A_191] : memref<2000xf32, #tpu.memory_space<vmem>>[vector<16xi32>], vector<16xf32>,
      %gather3A_193 = tpu.vector_load_idx %arg13[%get3A_189] : memref<10000xf32, #tpu.memory_space<vmem>>[vector<16xi32>], vector<16xf32>,
      %add3A_194 = arith.addf %gather3A_192, %gather3A_193 : vector<16xf32>
      %ge3A_195 = arith.constant 0.000000e+00 : f32
      %ge3A_196 = vector.broadcast %ge3A_195 : f32 to vector<16xf32>
      %ge3A_197 = arith.cmpf oge, %add3A_194, %ge3A_196 : vector<16xf32>
      %mul3A_198 = arith.constant 2.000000e-01 : f32
      %mul3A_199 = vector.broadcast %mul3A_198 : f32 to vector<16xf32>
      %mul3A_200 = arith.mulf %add3A_194, %mul3A_199 : vector<16xf32>
      %select_n3A_201 = arith.select %ge3A_197, %add3A_194, %mul3A_200 : vector<16xi1>, vector<16xf32>
      %sub3A_202 = arith.subf %select_n3A_201, %max3A_38 : vector<16xf32>
      %exp3A_203 = math.exp %sub3A_202 : vector<16xf32>
      %swap3A_204 = arith.constant 64 : index
      %swap3A_205 = tpu.vector_load %arg22[%swap3A_204] {strides = array<i32>} : memref<80xf32, #tpu.memory_space<vmem>>, vector<16xf32>,
      tpu.vector_store %arg22[%swap3A_204], %exp3A_203 {strides = array<i32>} : memref<80xf32, #tpu.memory_space<vmem>>, vector<16xf32>,
      %add3A_206 = arith.constant 64 : i32
      %add3A_207 = vector.broadcast %add3A_206 : i32 to vector<16xi32>
      %add3A_208 = arith.addi %add3A_207, %iota3A : vector<16xi32>
      tpu.vector_store_idx %arg23[%add3A_208, %broadcast_in_dim3A_40], %exp3A_203 : memref<80x16xf32, #tpu.memory_space<vmem>>[vector<16xi32>, vector<16xi32>], vector<16xf32>,
      %swap3A_209 = arith.constant 64 : index
      %swap3A_210 = tpu.vector_load %arg21[%swap3A_209] {strides = array<i32>} : memref<80xi32, #tpu.memory_space<vmem>>, vector<16xi32>,
      tpu.vector_store %arg21[%swap3A_209], %get3A_191 {strides = array<i32>} : memref<80xi32, #tpu.memory_space<vmem>>, vector<16xi32>,
      %dma_wait3A_211 = arith.constant 0 : i32
      %dma_wait3A_212 = arith.constant 0 : i32
      %dma_wait3A_213 = tpu.memref_slice %arg9[%dma_wait3A_211, %dma_wait3A_212] : memref<10000x256xbf16, #tpu.memory_space<hbm>> -> memref<10000x256xbf16, #tpu.memory_space<hbm>>
      tpu.wait_indirect_dma semaphore(%arg37 : memref<!tpu.dma_semaphore, #tpu.memory_space<semaphore_mem>>) src(%dma_wait3A_213 : memref<10000x256xbf16, #tpu.memory_space<hbm>>) dst(%arg24 : memref<80x256xbf16, #tpu.memory_space<vmem>>)
      %add3A_214 = arith.constant 2 : i32
      %add3A_215 = arith.addi %add3A_101, %add3A_214 : i32
      %mul3A_216 = arith.constant 80 : i32
      %mul3A_217 = arith.muli %add3A_215, %mul3A_216 : i32
      %add3A_218 = arith.addi %mul3A_42, %mul3A_217 : i32
      %dma_start3A_219 = tpu.memref_slice %arg2[%add3A_218] : memref<320512xi32, #tpu.memory_space<hbm>> -> memref<80xi32, #tpu.memory_space<hbm>>
      %dma_start3A_220 = tpu.memref_slice %arg2[%add3A_218] : memref<320512xi32, #tpu.memory_space<hbm>> -> memref<80xi32, #tpu.memory_space<hbm>>
      tpu.enqueue_dma source(%dma_start3A_220 : memref<80xi32, #tpu.memory_space<hbm>>) target(%arg19 : memref<80xi32, #tpu.memory_space<vmem>>) target_semaphore(%arg35 : memref<!tpu.dma_semaphore, #tpu.memory_space<semaphore_mem>>)
      %dma_start3A_221 = tpu.memref_slice %arg3[%add3A_218] : memref<320512xi32, #tpu.memory_space<hbm>> -> memref<80xi32, #tpu.memory_space<hbm>>
      %dma_start3A_222 = tpu.memref_slice %arg3[%add3A_218] : memref<320512xi32, #tpu.memory_space<hbm>> -> memref<80xi32, #tpu.memory_space<hbm>>
      tpu.enqueue_dma source(%dma_start3A_222 : memref<80xi32, #tpu.memory_space<hbm>>) target(%arg20 : memref<80xi32, #tpu.memory_space<vmem>>) target_semaphore(%arg35 : memref<!tpu.dma_semaphore, #tpu.memory_space<semaphore_mem>>)
      %gt3A = arith.constant 0 : i32
      %gt3A_223 = arith.cmpi sgt, %scan3A_96, %gt3A : i32
      %convert_element_type3A = arith.extui %gt3A_223 : i1 to i32
      %cond3A = arith.constant 0 : i32
      %cond3A_224 = arith.cmpi ne, %convert_element_type3A, %cond3A : i32
      scf.if %cond3A_224 {
        %dma_wait3A_411 = arith.constant 0 : i32
        %dma_wait3A_412 = arith.constant 0 : i32
        %dma_wait3A_413 = tpu.memref_slice %arg33[%dma_wait3A_411, %dma_wait3A_412] : memref<2048x256xf32, #tpu.memory_space<vmem_shared>> -> memref<2048x256xf32, #tpu.memory_space<vmem_shared>>
        tpu.wait_indirect_dma semaphore(%arg40 : memref<!tpu.dma_semaphore, #tpu.memory_space<semaphore_mem>>) src(%arg32 : memref<80x256xf32, #tpu.memory_space<vmem>>) dst(%dma_wait3A_413 : memref<2048x256xf32, #tpu.memory_space<vmem_shared>>)
        %dma_wait3A_414 = arith.constant 0 : i32
        %dma_wait3A_415 = arith.constant 0 : i32
        %dma_wait3A_416 = tpu.memref_slice %arg34[%dma_wait3A_414, %dma_wait3A_415] : memref<2048x16xf32, #tpu.memory_space<vmem_shared>> -> memref<2048x16xf32, #tpu.memory_space<vmem_shared>>
        tpu.wait_indirect_dma semaphore(%arg40 : memref<!tpu.dma_semaphore, #tpu.memory_space<semaphore_mem>>) src(%arg30 : memref<80x16xf32, #tpu.memory_space<vmem>>) dst(%dma_wait3A_416 : memref<2048x16xf32, #tpu.memory_space<vmem_shared>>)
      } else {
      }
      %dma_wait3A_225 = arith.constant 0 : i32
      %dma_wait3A_226 = tpu.memref_slice %arg2[%dma_wait3A_225] : memref<320512xi32, #tpu.memory_space<hbm>> -> memref<80xi32, #tpu.memory_space<hbm>>
      %dma_wait3A_227 = arith.constant 0 : i32
      %dma_wait3A_228 = tpu.memref_slice %arg2[%dma_wait3A_227] : memref<320512xi32, #tpu.memory_space<hbm>> -> memref<80xi32, #tpu.memory_space<hbm>>
      tpu.wait_dma2 semaphore(%arg36 : memref<!tpu.dma_semaphore, #tpu.memory_space<semaphore_mem>>) src(%dma_wait3A_228 : memref<80xi32, #tpu.memory_space<hbm>>) dst(%arg26 : memref<80xi32, #tpu.memory_space<vmem>>)
      %dma_wait3A_229 = arith.constant 0 : i32
      %dma_wait3A_230 = tpu.memref_slice %arg3[%dma_wait3A_229] : memref<320512xi32, #tpu.memory_space<hbm>> -> memref<80xi32, #tpu.memory_space<hbm>>
      %dma_wait3A_231 = arith.constant 0 : i32
      %dma_wait3A_232 = tpu.memref_slice %arg3[%dma_wait3A_231] : memref<320512xi32, #tpu.memory_space<hbm>> -> memref<80xi32, #tpu.memory_space<hbm>>
      tpu.wait_dma2 semaphore(%arg36 : memref<!tpu.dma_semaphore, #tpu.memory_space<semaphore_mem>>) src(%dma_wait3A_232 : memref<80xi32, #tpu.memory_space<hbm>>) dst(%arg27 : memref<80xi32, #tpu.memory_space<vmem>>)
      %dma_start3A_233 = arith.constant 0 : i32
      %dma_start3A_234 = arith.constant 0 : i32
      %dma_start3A_235 = tpu.memref_slice %arg9[%dma_start3A_233, %dma_start3A_234] : memref<10000x256xbf16, #tpu.memory_space<hbm>> -> memref<10000x256xbf16, #tpu.memory_space<hbm>>
      tpu.enqueue_indirect_dma source(%dma_start3A_235 : memref<10000x256xbf16, #tpu.memory_space<hbm>>) target(%arg31 : memref<80x256xbf16, #tpu.memory_space<vmem>>) offsets(%arg26 : memref<80xi32, #tpu.memory_space<vmem>>) semaphore(%arg38 : memref<!tpu.dma_semaphore, #tpu.memory_space<semaphore_mem>>)
      %scan3A_236 = arith.constant 0 : i32
      %scan3A_237 = arith.constant 0 : i32
      %scan3A_238 = arith.constant 40 : i32
      %scan3A_239 = arith.addi %scan3A_237, %scan3A_238 : i32
      %scan3A_240 = arith.constant 1 : i32
      %scan3A_241 = scf.for %scan3A_411 = %scan3A_237 to %scan3A_239 step %scan3A_240 iter_args(%scan3A_412 = %scan3A_236) -> (i32)  : i32 {
        %mul3A_413 = arith.constant 2 : i32
        %mul3A_414 = arith.muli %scan3A_411, %mul3A_413 : i32
        %add3A_415 = arith.constant 0 : i32
        %add3A_416 = arith.addi %mul3A_414, %add3A_415 : i32
        %broadcast_in_dim3A_417 = vector.broadcast %add3A_416 : i32 to vector<16xi32>
        %gather3A_418 = tpu.vector_load_idx %arg22[%broadcast_in_dim3A_417] : memref<80xf32, #tpu.memory_space<vmem>>[vector<16xi32>], vector<16xf32>,
        %get3A_419 = arith.index_cast %add3A_416 : i32 to index
        %get3A_420 = arith.constant 0 : index
        %get3A_421 = tpu.vector_load %arg24[%get3A_419, %get3A_420] {strides = array<i32>} : memref<80x256xbf16, #tpu.memory_space<vmem>>, vector<32xbf16>,
        %bitcast3A = vector.bitcast %get3A_421 : vector<32xbf16> to vector<16xi32>
        %shift_left3A = arith.constant 16 : i32
        %shift_left3A_422 = vector.broadcast %shift_left3A : i32 to vector<16xi32>
        %shift_left3A_423 = arith.shli %bitcast3A, %shift_left3A_422 : vector<16xi32>
        %bitcast3A_424 = vector.bitcast %shift_left3A_423 : vector<16xi32> to vector<16xf32>
        %and3A = arith.constant -65536 : i32
        %and3A_425 = vector.broadcast %and3A : i32 to vector<16xi32>
        %and3A_426 = arith.andi %bitcast3A, %and3A_425 : vector<16xi32>
        %bitcast3A_427 = vector.bitcast %and3A_426 : vector<16xi32> to vector<16xf32>
        %mul3A_428 = arith.mulf %bitcast3A_424, %gather3A_418 : vector<16xf32>
        %swap3A_429 = arith.index_cast %add3A_416 : i32 to index
        %swap3A_430 = arith.constant 0 : index
        %swap3A_431 = tpu.vector_load %arg25[%swap3A_429, %swap3A_430] {strides = array<i32>} : memref<80x256xf32, #tpu.memory_space<vmem>>, vector<16xf32>,
        tpu.vector_store %arg25[%swap3A_429, %swap3A_430], %mul3A_428 {strides = array<i32>} : memref<80x256xf32, #tpu.memory_space<vmem>>, vector<16xf32>,
        %mul3A_432 = arith.mulf %bitcast3A_427, %gather3A_418 : vector<16xf32>
        %swap3A_433 = arith.index_cast %add3A_416 : i32 to index
        %swap3A_434 = arith.constant 16 : index
        %swap3A_435 = tpu.vector_load %arg25[%swap3A_433, %swap3A_434] {strides = array<i32>} : memref<80x256xf32, #tpu.memory_space<vmem>>, vector<16xf32>,
        tpu.vector_store %arg25[%swap3A_433, %swap3A_434], %mul3A_432 {strides = array<i32>} : memref<80x256xf32, #tpu.memory_space<vmem>>, vector<16xf32>,
        %get3A_436 = arith.index_cast %add3A_416 : i32 to index
        %get3A_437 = arith.constant 32 : index
        %get3A_438 = tpu.vector_load %arg24[%get3A_436, %get3A_437] {strides = array<i32>} : memref<80x256xbf16, #tpu.memory_space<vmem>>, vector<32xbf16>,
        %bitcast3A_439 = vector.bitcast %get3A_438 : vector<32xbf16> to vector<16xi32>
        %shift_left3A_440 = arith.constant 16 : i32
        %shift_left3A_441 = vector.broadcast %shift_left3A_440 : i32 to vector<16xi32>
        %shift_left3A_442 = arith.shli %bitcast3A_439, %shift_left3A_441 : vector<16xi32>
        %bitcast3A_443 = vector.bitcast %shift_left3A_442 : vector<16xi32> to vector<16xf32>
        %and3A_444 = arith.constant -65536 : i32
        %and3A_445 = vector.broadcast %and3A_444 : i32 to vector<16xi32>
        %and3A_446 = arith.andi %bitcast3A_439, %and3A_445 : vector<16xi32>
        %bitcast3A_447 = vector.bitcast %and3A_446 : vector<16xi32> to vector<16xf32>
        %mul3A_448 = arith.mulf %bitcast3A_443, %gather3A_418 : vector<16xf32>
        %swap3A_449 = arith.index_cast %add3A_416 : i32 to index
        %swap3A_450 = arith.constant 32 : index
        %swap3A_451 = tpu.vector_load %arg25[%swap3A_449, %swap3A_450] {strides = array<i32>} : memref<80x256xf32, #tpu.memory_space<vmem>>, vector<16xf32>,
        tpu.vector_store %arg25[%swap3A_449, %swap3A_450], %mul3A_448 {strides = array<i32>} : memref<80x256xf32, #tpu.memory_space<vmem>>, vector<16xf32>,
        %mul3A_452 = arith.mulf %bitcast3A_447, %gather3A_418 : vector<16xf32>
        %swap3A_453 = arith.index_cast %add3A_416 : i32 to index
        %swap3A_454 = arith.constant 48 : index
        %swap3A_455 = tpu.vector_load %arg25[%swap3A_453, %swap3A_454] {strides = array<i32>} : memref<80x256xf32, #tpu.memory_space<vmem>>, vector<16xf32>,
        tpu.vector_store %arg25[%swap3A_453, %swap3A_454], %mul3A_452 {strides = array<i32>} : memref<80x256xf32, #tpu.memory_space<vmem>>, vector<16xf32>,
        %get3A_456 = arith.index_cast %add3A_416 : i32 to index
        %get3A_457 = arith.constant 64 : index
        %get3A_458 = tpu.vector_load %arg24[%get3A_456, %get3A_457] {strides = array<i32>} : memref<80x256xbf16, #tpu.memory_space<vmem>>, vector<32xbf16>,
        %bitcast3A_459 = vector.bitcast %get3A_458 : vector<32xbf16> to vector<16xi32>
        %shift_left3A_460 = arith.constant 16 : i32
        %shift_left3A_461 = vector.broadcast %shift_left3A_460 : i32 to vector<16xi32>
        %shift_left3A_462 = arith.shli %bitcast3A_459, %shift_left3A_461 : vector<16xi32>
        %bitcast3A_463 = vector.bitcast %shift_left3A_462 : vector<16xi32> to vector<16xf32>
        %and3A_464 = arith.constant -65536 : i32
        %and3A_465 = vector.broadcast %and3A_464 : i32 to vector<16xi32>
        %and3A_466 = arith.andi %bitcast3A_459, %and3A_465 : vector<16xi32>
        %bitcast3A_467 = vector.bitcast %and3A_466 : vector<16xi32> to vector<16xf32>
        %mul3A_468 = arith.mulf %bitcast3A_463, %gather3A_418 : vector<16xf32>
        %swap3A_469 = arith.index_cast %add3A_416 : i32 to index
        %swap3A_470 = arith.constant 64 : index
        %swap3A_471 = tpu.vector_load %arg25[%swap3A_469, %swap3A_470] {strides = array<i32>} : memref<80x256xf32, #tpu.memory_space<vmem>>, vector<16xf32>,
        tpu.vector_store %arg25[%swap3A_469, %swap3A_470], %mul3A_468 {strides = array<i32>} : memref<80x256xf32, #tpu.memory_space<vmem>>, vector<16xf32>,
        %mul3A_472 = arith.mulf %bitcast3A_467, %gather3A_418 : vector<16xf32>
        %swap3A_473 = arith.index_cast %add3A_416 : i32 to index
        %swap3A_474 = arith.constant 80 : index
        %swap3A_475 = tpu.vector_load %arg25[%swap3A_473, %swap3A_474] {strides = array<i32>} : memref<80x256xf32, #tpu.memory_space<vmem>>, vector<16xf32>,
        tpu.vector_store %arg25[%swap3A_473, %swap3A_474], %mul3A_472 {strides = array<i32>} : memref<80x256xf32, #tpu.memory_space<vmem>>, vector<16xf32>,
        %get3A_476 = arith.index_cast %add3A_416 : i32 to index
        %get3A_477 = arith.constant 96 : index
        %get3A_478 = tpu.vector_load %arg24[%get3A_476, %get3A_477] {strides = array<i32>} : memref<80x256xbf16, #tpu.memory_space<vmem>>, vector<32xbf16>,
        %bitcast3A_479 = vector.bitcast %get3A_478 : vector<32xbf16> to vector<16xi32>
        %shift_left3A_480 = arith.constant 16 : i32
        %shift_left3A_481 = vector.broadcast %shift_left3A_480 : i32 to vector<16xi32>
        %shift_left3A_482 = arith.shli %bitcast3A_479, %shift_left3A_481 : vector<16xi32>
        %bitcast3A_483 = vector.bitcast %shift_left3A_482 : vector<16xi32> to vector<16xf32>
        %and3A_484 = arith.constant -65536 : i32
        %and3A_485 = vector.broadcast %and3A_484 : i32 to vector<16xi32>
        %and3A_486 = arith.andi %bitcast3A_479, %and3A_485 : vector<16xi32>
        %bitcast3A_487 = vector.bitcast %and3A_486 : vector<16xi32> to vector<16xf32>
        %mul3A_488 = arith.mulf %bitcast3A_483, %gather3A_418 : vector<16xf32>
        %swap3A_489 = arith.index_cast %add3A_416 : i32 to index
        %swap3A_490 = arith.constant 96 : index
        %swap3A_491 = tpu.vector_load %arg25[%swap3A_489, %swap3A_490] {strides = array<i32>} : memref<80x256xf32, #tpu.memory_space<vmem>>, vector<16xf32>,
        tpu.vector_store %arg25[%swap3A_489, %swap3A_490], %mul3A_488 {strides = array<i32>} : memref<80x256xf32, #tpu.memory_space<vmem>>, vector<16xf32>,
        %mul3A_492 = arith.mulf %bitcast3A_487, %gather3A_418 : vector<16xf32>
        %swap3A_493 = arith.index_cast %add3A_416 : i32 to index
        %swap3A_494 = arith.constant 112 : index
        %swap3A_495 = tpu.vector_load %arg25[%swap3A_493, %swap3A_494] {strides = array<i32>} : memref<80x256xf32, #tpu.memory_space<vmem>>, vector<16xf32>,
        tpu.vector_store %arg25[%swap3A_493, %swap3A_494], %mul3A_492 {strides = array<i32>} : memref<80x256xf32, #tpu.memory_space<vmem>>, vector<16xf32>,
        %get3A_496 = arith.index_cast %add3A_416 : i32 to index
        %get3A_497 = arith.constant 128 : index
        %get3A_498 = tpu.vector_load %arg24[%get3A_496, %get3A_497] {strides = array<i32>} : memref<80x256xbf16, #tpu.memory_space<vmem>>, vector<32xbf16>,
        %bitcast3A_499 = vector.bitcast %get3A_498 : vector<32xbf16> to vector<16xi32>
        %shift_left3A_500 = arith.constant 16 : i32
        %shift_left3A_501 = vector.broadcast %shift_left3A_500 : i32 to vector<16xi32>
        %shift_left3A_502 = arith.shli %bitcast3A_499, %shift_left3A_501 : vector<16xi32>
        %bitcast3A_503 = vector.bitcast %shift_left3A_502 : vector<16xi32> to vector<16xf32>
        %and3A_504 = arith.constant -65536 : i32
        %and3A_505 = vector.broadcast %and3A_504 : i32 to vector<16xi32>
        %and3A_506 = arith.andi %bitcast3A_499, %and3A_505 : vector<16xi32>
        %bitcast3A_507 = vector.bitcast %and3A_506 : vector<16xi32> to vector<16xf32>
        %mul3A_508 = arith.mulf %bitcast3A_503, %gather3A_418 : vector<16xf32>
        %swap3A_509 = arith.index_cast %add3A_416 : i32 to index
        %swap3A_510 = arith.constant 128 : index
        %swap3A_511 = tpu.vector_load %arg25[%swap3A_509, %swap3A_510] {strides = array<i32>} : memref<80x256xf32, #tpu.memory_space<vmem>>, vector<16xf32>,
        tpu.vector_store %arg25[%swap3A_509, %swap3A_510], %mul3A_508 {strides = array<i32>} : memref<80x256xf32, #tpu.memory_space<vmem>>, vector<16xf32>,
        %mul3A_512 = arith.mulf %bitcast3A_507, %gather3A_418 : vector<16xf32>
        %swap3A_513 = arith.index_cast %add3A_416 : i32 to index
        %swap3A_514 = arith.constant 144 : index
        %swap3A_515 = tpu.vector_load %arg25[%swap3A_513, %swap3A_514] {strides = array<i32>} : memref<80x256xf32, #tpu.memory_space<vmem>>, vector<16xf32>,
        tpu.vector_store %arg25[%swap3A_513, %swap3A_514], %mul3A_512 {strides = array<i32>} : memref<80x256xf32, #tpu.memory_space<vmem>>, vector<16xf32>,
        %get3A_516 = arith.index_cast %add3A_416 : i32 to index
        %get3A_517 = arith.constant 160 : index
        %get3A_518 = tpu.vector_load %arg24[%get3A_516, %get3A_517] {strides = array<i32>} : memref<80x256xbf16, #tpu.memory_space<vmem>>, vector<32xbf16>,
        %bitcast3A_519 = vector.bitcast %get3A_518 : vector<32xbf16> to vector<16xi32>
        %shift_left3A_520 = arith.constant 16 : i32
        %shift_left3A_521 = vector.broadcast %shift_left3A_520 : i32 to vector<16xi32>
        %shift_left3A_522 = arith.shli %bitcast3A_519, %shift_left3A_521 : vector<16xi32>
        %bitcast3A_523 = vector.bitcast %shift_left3A_522 : vector<16xi32> to vector<16xf32>
        %and3A_524 = arith.constant -65536 : i32
        %and3A_525 = vector.broadcast %and3A_524 : i32 to vector<16xi32>
        %and3A_526 = arith.andi %bitcast3A_519, %and3A_525 : vector<16xi32>
        %bitcast3A_527 = vector.bitcast %and3A_526 : vector<16xi32> to vector<16xf32>
        %mul3A_528 = arith.mulf %bitcast3A_523, %gather3A_418 : vector<16xf32>
        %swap3A_529 = arith.index_cast %add3A_416 : i32 to index
        %swap3A_530 = arith.constant 160 : index
        %swap3A_531 = tpu.vector_load %arg25[%swap3A_529, %swap3A_530] {strides = array<i32>} : memref<80x256xf32, #tpu.memory_space<vmem>>, vector<16xf32>,
        tpu.vector_store %arg25[%swap3A_529, %swap3A_530], %mul3A_528 {strides = array<i32>} : memref<80x256xf32, #tpu.memory_space<vmem>>, vector<16xf32>,
        %mul3A_532 = arith.mulf %bitcast3A_527, %gather3A_418 : vector<16xf32>
        %swap3A_533 = arith.index_cast %add3A_416 : i32 to index
        %swap3A_534 = arith.constant 176 : index
        %swap3A_535 = tpu.vector_load %arg25[%swap3A_533, %swap3A_534] {strides = array<i32>} : memref<80x256xf32, #tpu.memory_space<vmem>>, vector<16xf32>,
        tpu.vector_store %arg25[%swap3A_533, %swap3A_534], %mul3A_532 {strides = array<i32>} : memref<80x256xf32, #tpu.memory_space<vmem>>, vector<16xf32>,
        %get3A_536 = arith.index_cast %add3A_416 : i32 to index
        %get3A_537 = arith.constant 192 : index
        %get3A_538 = tpu.vector_load %arg24[%get3A_536, %get3A_537] {strides = array<i32>} : memref<80x256xbf16, #tpu.memory_space<vmem>>, vector<32xbf16>,
        %bitcast3A_539 = vector.bitcast %get3A_538 : vector<32xbf16> to vector<16xi32>
        %shift_left3A_540 = arith.constant 16 : i32
        %shift_left3A_541 = vector.broadcast %shift_left3A_540 : i32 to vector<16xi32>
        %shift_left3A_542 = arith.shli %bitcast3A_539, %shift_left3A_541 : vector<16xi32>
        %bitcast3A_543 = vector.bitcast %shift_left3A_542 : vector<16xi32> to vector<16xf32>
        %and3A_544 = arith.constant -65536 : i32
        %and3A_545 = vector.broadcast %and3A_544 : i32 to vector<16xi32>
        %and3A_546 = arith.andi %bitcast3A_539, %and3A_545 : vector<16xi32>
        %bitcast3A_547 = vector.bitcast %and3A_546 : vector<16xi32> to vector<16xf32>
        %mul3A_548 = arith.mulf %bitcast3A_543, %gather3A_418 : vector<16xf32>
        %swap3A_549 = arith.index_cast %add3A_416 : i32 to index
        %swap3A_550 = arith.constant 192 : index
        %swap3A_551 = tpu.vector_load %arg25[%swap3A_549, %swap3A_550] {strides = array<i32>} : memref<80x256xf32, #tpu.memory_space<vmem>>, vector<16xf32>,
        tpu.vector_store %arg25[%swap3A_549, %swap3A_550], %mul3A_548 {strides = array<i32>} : memref<80x256xf32, #tpu.memory_space<vmem>>, vector<16xf32>,
        %mul3A_552 = arith.mulf %bitcast3A_547, %gather3A_418 : vector<16xf32>
        %swap3A_553 = arith.index_cast %add3A_416 : i32 to index
        %swap3A_554 = arith.constant 208 : index
        %swap3A_555 = tpu.vector_load %arg25[%swap3A_553, %swap3A_554] {strides = array<i32>} : memref<80x256xf32, #tpu.memory_space<vmem>>, vector<16xf32>,
        tpu.vector_store %arg25[%swap3A_553, %swap3A_554], %mul3A_552 {strides = array<i32>} : memref<80x256xf32, #tpu.memory_space<vmem>>, vector<16xf32>,
        %get3A_556 = arith.index_cast %add3A_416 : i32 to index
        %get3A_557 = arith.constant 224 : index
        %get3A_558 = tpu.vector_load %arg24[%get3A_556, %get3A_557] {strides = array<i32>} : memref<80x256xbf16, #tpu.memory_space<vmem>>, vector<32xbf16>,
        %bitcast3A_559 = vector.bitcast %get3A_558 : vector<32xbf16> to vector<16xi32>
        %shift_left3A_560 = arith.constant 16 : i32
        %shift_left3A_561 = vector.broadcast %shift_left3A_560 : i32 to vector<16xi32>
        %shift_left3A_562 = arith.shli %bitcast3A_559, %shift_left3A_561 : vector<16xi32>
        %bitcast3A_563 = vector.bitcast %shift_left3A_562 : vector<16xi32> to vector<16xf32>
        %and3A_564 = arith.constant -65536 : i32
        %and3A_565 = vector.broadcast %and3A_564 : i32 to vector<16xi32>
        %and3A_566 = arith.andi %bitcast3A_559, %and3A_565 : vector<16xi32>
        %bitcast3A_567 = vector.bitcast %and3A_566 : vector<16xi32> to vector<16xf32>
        %mul3A_568 = arith.mulf %bitcast3A_563, %gather3A_418 : vector<16xf32>
        %swap3A_569 = arith.index_cast %add3A_416 : i32 to index
        %swap3A_570 = arith.constant 224 : index
        %swap3A_571 = tpu.vector_load %arg25[%swap3A_569, %swap3A_570] {strides = array<i32>} : memref<80x256xf32, #tpu.memory_space<vmem>>, vector<16xf32>,
        tpu.vector_store %arg25[%swap3A_569, %swap3A_570], %mul3A_568 {strides = array<i32>} : memref<80x256xf32, #tpu.memory_space<vmem>>, vector<16xf32>,
        %mul3A_572 = arith.mulf %bitcast3A_567, %gather3A_418 : vector<16xf32>
        %swap3A_573 = arith.index_cast %add3A_416 : i32 to index
        %swap3A_574 = arith.constant 240 : index
        %swap3A_575 = tpu.vector_load %arg25[%swap3A_573, %swap3A_574] {strides = array<i32>} : memref<80x256xf32, #tpu.memory_space<vmem>>, vector<16xf32>,
        tpu.vector_store %arg25[%swap3A_573, %swap3A_574], %mul3A_572 {strides = array<i32>} : memref<80x256xf32, #tpu.memory_space<vmem>>, vector<16xf32>,
        %mul3A_576 = arith.constant 2 : i32
        %mul3A_577 = arith.muli %scan3A_411, %mul3A_576 : i32
        %add3A_578 = arith.constant 1 : i32
        %add3A_579 = arith.addi %mul3A_577, %add3A_578 : i32
        %broadcast_in_dim3A_580 = vector.broadcast %add3A_579 : i32 to vector<16xi32>
        %gather3A_581 = tpu.vector_load_idx %arg22[%broadcast_in_dim3A_580] : memref<80xf32, #tpu.memory_space<vmem>>[vector<16xi32>], vector<16xf32>,
        %get3A_582 = arith.index_cast %add3A_579 : i32 to index
        %get3A_583 = arith.constant 0 : index
        %get3A_584 = tpu.vector_load %arg24[%get3A_582, %get3A_583] {strides = array<i32>} : memref<80x256xbf16, #tpu.memory_space<vmem>>, vector<32xbf16>,
        %bitcast3A_585 = vector.bitcast %get3A_584 : vector<32xbf16> to vector<16xi32>
        %shift_left3A_586 = arith.constant 16 : i32
        %shift_left3A_587 = vector.broadcast %shift_left3A_586 : i32 to vector<16xi32>
        %shift_left3A_588 = arith.shli %bitcast3A_585, %shift_left3A_587 : vector<16xi32>
        %bitcast3A_589 = vector.bitcast %shift_left3A_588 : vector<16xi32> to vector<16xf32>
        %and3A_590 = arith.constant -65536 : i32
        %and3A_591 = vector.broadcast %and3A_590 : i32 to vector<16xi32>
        %and3A_592 = arith.andi %bitcast3A_585, %and3A_591 : vector<16xi32>
        %bitcast3A_593 = vector.bitcast %and3A_592 : vector<16xi32> to vector<16xf32>
        %mul3A_594 = arith.mulf %bitcast3A_589, %gather3A_581 : vector<16xf32>
        %swap3A_595 = arith.index_cast %add3A_579 : i32 to index
        %swap3A_596 = arith.constant 0 : index
        %swap3A_597 = tpu.vector_load %arg25[%swap3A_595, %swap3A_596] {strides = array<i32>} : memref<80x256xf32, #tpu.memory_space<vmem>>, vector<16xf32>,
        tpu.vector_store %arg25[%swap3A_595, %swap3A_596], %mul3A_594 {strides = array<i32>} : memref<80x256xf32, #tpu.memory_space<vmem>>, vector<16xf32>,
        %mul3A_598 = arith.mulf %bitcast3A_593, %gather3A_581 : vector<16xf32>
        %swap3A_599 = arith.index_cast %add3A_579 : i32 to index
        %swap3A_600 = arith.constant 16 : index
        %swap3A_601 = tpu.vector_load %arg25[%swap3A_599, %swap3A_600] {strides = array<i32>} : memref<80x256xf32, #tpu.memory_space<vmem>>, vector<16xf32>,
        tpu.vector_store %arg25[%swap3A_599, %swap3A_600], %mul3A_598 {strides = array<i32>} : memref<80x256xf32, #tpu.memory_space<vmem>>, vector<16xf32>,
        %get3A_602 = arith.index_cast %add3A_579 : i32 to index
        %get3A_603 = arith.constant 32 : index
        %get3A_604 = tpu.vector_load %arg24[%get3A_602, %get3A_603] {strides = array<i32>} : memref<80x256xbf16, #tpu.memory_space<vmem>>, vector<32xbf16>,
        %bitcast3A_605 = vector.bitcast %get3A_604 : vector<32xbf16> to vector<16xi32>
        %shift_left3A_606 = arith.constant 16 : i32
        %shift_left3A_607 = vector.broadcast %shift_left3A_606 : i32 to vector<16xi32>
        %shift_left3A_608 = arith.shli %bitcast3A_605, %shift_left3A_607 : vector<16xi32>
        %bitcast3A_609 = vector.bitcast %shift_left3A_608 : vector<16xi32> to vector<16xf32>
        %and3A_610 = arith.constant -65536 : i32
        %and3A_611 = vector.broadcast %and3A_610 : i32 to vector<16xi32>
        %and3A_612 = arith.andi %bitcast3A_605, %and3A_611 : vector<16xi32>
        %bitcast3A_613 = vector.bitcast %and3A_612 : vector<16xi32> to vector<16xf32>
        %mul3A_614 = arith.mulf %bitcast3A_609, %gather3A_581 : vector<16xf32>
        %swap3A_615 = arith.index_cast %add3A_579 : i32 to index
        %swap3A_616 = arith.constant 32 : index
        %swap3A_617 = tpu.vector_load %arg25[%swap3A_615, %swap3A_616] {strides = array<i32>} : memref<80x256xf32, #tpu.memory_space<vmem>>, vector<16xf32>,
        tpu.vector_store %arg25[%swap3A_615, %swap3A_616], %mul3A_614 {strides = array<i32>} : memref<80x256xf32, #tpu.memory_space<vmem>>, vector<16xf32>,
        %mul3A_618 = arith.mulf %bitcast3A_613, %gather3A_581 : vector<16xf32>
        %swap3A_619 = arith.index_cast %add3A_579 : i32 to index
        %swap3A_620 = arith.constant 48 : index
        %swap3A_621 = tpu.vector_load %arg25[%swap3A_619, %swap3A_620] {strides = array<i32>} : memref<80x256xf32, #tpu.memory_space<vmem>>, vector<16xf32>,
        tpu.vector_store %arg25[%swap3A_619, %swap3A_620], %mul3A_618 {strides = array<i32>} : memref<80x256xf32, #tpu.memory_space<vmem>>, vector<16xf32>,
        %get3A_622 = arith.index_cast %add3A_579 : i32 to index
        %get3A_623 = arith.constant 64 : index
        %get3A_624 = tpu.vector_load %arg24[%get3A_622, %get3A_623] {strides = array<i32>} : memref<80x256xbf16, #tpu.memory_space<vmem>>, vector<32xbf16>,
        %bitcast3A_625 = vector.bitcast %get3A_624 : vector<32xbf16> to vector<16xi32>
        %shift_left3A_626 = arith.constant 16 : i32
        %shift_left3A_627 = vector.broadcast %shift_left3A_626 : i32 to vector<16xi32>
        %shift_left3A_628 = arith.shli %bitcast3A_625, %shift_left3A_627 : vector<16xi32>
        %bitcast3A_629 = vector.bitcast %shift_left3A_628 : vector<16xi32> to vector<16xf32>
        %and3A_630 = arith.constant -65536 : i32
        %and3A_631 = vector.broadcast %and3A_630 : i32 to vector<16xi32>
        %and3A_632 = arith.andi %bitcast3A_625, %and3A_631 : vector<16xi32>
        %bitcast3A_633 = vector.bitcast %and3A_632 : vector<16xi32> to vector<16xf32>
        %mul3A_634 = arith.mulf %bitcast3A_629, %gather3A_581 : vector<16xf32>
        %swap3A_635 = arith.index_cast %add3A_579 : i32 to index
        %swap3A_636 = arith.constant 64 : index
        %swap3A_637 = tpu.vector_load %arg25[%swap3A_635, %swap3A_636] {strides = array<i32>} : memref<80x256xf32, #tpu.memory_space<vmem>>, vector<16xf32>,
        tpu.vector_store %arg25[%swap3A_635, %swap3A_636], %mul3A_634 {strides = array<i32>} : memref<80x256xf32, #tpu.memory_space<vmem>>, vector<16xf32>,
        %mul3A_638 = arith.mulf %bitcast3A_633, %gather3A_581 : vector<16xf32>
        %swap3A_639 = arith.index_cast %add3A_579 : i32 to index
        %swap3A_640 = arith.constant 80 : index
        %swap3A_641 = tpu.vector_load %arg25[%swap3A_639, %swap3A_640] {strides = array<i32>} : memref<80x256xf32, #tpu.memory_space<vmem>>, vector<16xf32>,
        tpu.vector_store %arg25[%swap3A_639, %swap3A_640], %mul3A_638 {strides = array<i32>} : memref<80x256xf32, #tpu.memory_space<vmem>>, vector<16xf32>,
        %get3A_642 = arith.index_cast %add3A_579 : i32 to index
        %get3A_643 = arith.constant 96 : index
        %get3A_644 = tpu.vector_load %arg24[%get3A_642, %get3A_643] {strides = array<i32>} : memref<80x256xbf16, #tpu.memory_space<vmem>>, vector<32xbf16>,
        %bitcast3A_645 = vector.bitcast %get3A_644 : vector<32xbf16> to vector<16xi32>
        %shift_left3A_646 = arith.constant 16 : i32
        %shift_left3A_647 = vector.broadcast %shift_left3A_646 : i32 to vector<16xi32>
        %shift_left3A_648 = arith.shli %bitcast3A_645, %shift_left3A_647 : vector<16xi32>
        %bitcast3A_649 = vector.bitcast %shift_left3A_648 : vector<16xi32> to vector<16xf32>
        %and3A_650 = arith.constant -65536 : i32
        %and3A_651 = vector.broadcast %and3A_650 : i32 to vector<16xi32>
        %and3A_652 = arith.andi %bitcast3A_645, %and3A_651 : vector<16xi32>
        %bitcast3A_653 = vector.bitcast %and3A_652 : vector<16xi32> to vector<16xf32>
        %mul3A_654 = arith.mulf %bitcast3A_649, %gather3A_581 : vector<16xf32>
        %swap3A_655 = arith.index_cast %add3A_579 : i32 to index
        %swap3A_656 = arith.constant 96 : index
        %swap3A_657 = tpu.vector_load %arg25[%swap3A_655, %swap3A_656] {strides = array<i32>} : memref<80x256xf32, #tpu.memory_space<vmem>>, vector<16xf32>,
        tpu.vector_store %arg25[%swap3A_655, %swap3A_656], %mul3A_654 {strides = array<i32>} : memref<80x256xf32, #tpu.memory_space<vmem>>, vector<16xf32>,
        %mul3A_658 = arith.mulf %bitcast3A_653, %gather3A_581 : vector<16xf32>
        %swap3A_659 = arith.index_cast %add3A_579 : i32 to index
        %swap3A_660 = arith.constant 112 : index
        %swap3A_661 = tpu.vector_load %arg25[%swap3A_659, %swap3A_660] {strides = array<i32>} : memref<80x256xf32, #tpu.memory_space<vmem>>, vector<16xf32>,
        tpu.vector_store %arg25[%swap3A_659, %swap3A_660], %mul3A_658 {strides = array<i32>} : memref<80x256xf32, #tpu.memory_space<vmem>>, vector<16xf32>,
        %get3A_662 = arith.index_cast %add3A_579 : i32 to index
        %get3A_663 = arith.constant 128 : index
        %get3A_664 = tpu.vector_load %arg24[%get3A_662, %get3A_663] {strides = array<i32>} : memref<80x256xbf16, #tpu.memory_space<vmem>>, vector<32xbf16>,
        %bitcast3A_665 = vector.bitcast %get3A_664 : vector<32xbf16> to vector<16xi32>
        %shift_left3A_666 = arith.constant 16 : i32
        %shift_left3A_667 = vector.broadcast %shift_left3A_666 : i32 to vector<16xi32>
        %shift_left3A_668 = arith.shli %bitcast3A_665, %shift_left3A_667 : vector<16xi32>
        %bitcast3A_669 = vector.bitcast %shift_left3A_668 : vector<16xi32> to vector<16xf32>
        %and3A_670 = arith.constant -65536 : i32
        %and3A_671 = vector.broadcast %and3A_670 : i32 to vector<16xi32>
        %and3A_672 = arith.andi %bitcast3A_665, %and3A_671 : vector<16xi32>
        %bitcast3A_673 = vector.bitcast %and3A_672 : vector<16xi32> to vector<16xf32>
        %mul3A_674 = arith.mulf %bitcast3A_669, %gather3A_581 : vector<16xf32>
        %swap3A_675 = arith.index_cast %add3A_579 : i32 to index
        %swap3A_676 = arith.constant 128 : index
        %swap3A_677 = tpu.vector_load %arg25[%swap3A_675, %swap3A_676] {strides = array<i32>} : memref<80x256xf32, #tpu.memory_space<vmem>>, vector<16xf32>,
        tpu.vector_store %arg25[%swap3A_675, %swap3A_676], %mul3A_674 {strides = array<i32>} : memref<80x256xf32, #tpu.memory_space<vmem>>, vector<16xf32>,
        %mul3A_678 = arith.mulf %bitcast3A_673, %gather3A_581 : vector<16xf32>
        %swap3A_679 = arith.index_cast %add3A_579 : i32 to index
        %swap3A_680 = arith.constant 144 : index
        %swap3A_681 = tpu.vector_load %arg25[%swap3A_679, %swap3A_680] {strides = array<i32>} : memref<80x256xf32, #tpu.memory_space<vmem>>, vector<16xf32>,
        tpu.vector_store %arg25[%swap3A_679, %swap3A_680], %mul3A_678 {strides = array<i32>} : memref<80x256xf32, #tpu.memory_space<vmem>>, vector<16xf32>,
        %get3A_682 = arith.index_cast %add3A_579 : i32 to index
        %get3A_683 = arith.constant 160 : index
        %get3A_684 = tpu.vector_load %arg24[%get3A_682, %get3A_683] {strides = array<i32>} : memref<80x256xbf16, #tpu.memory_space<vmem>>, vector<32xbf16>,
        %bitcast3A_685 = vector.bitcast %get3A_684 : vector<32xbf16> to vector<16xi32>
        %shift_left3A_686 = arith.constant 16 : i32
        %shift_left3A_687 = vector.broadcast %shift_left3A_686 : i32 to vector<16xi32>
        %shift_left3A_688 = arith.shli %bitcast3A_685, %shift_left3A_687 : vector<16xi32>
        %bitcast3A_689 = vector.bitcast %shift_left3A_688 : vector<16xi32> to vector<16xf32>
        %and3A_690 = arith.constant -65536 : i32
        %and3A_691 = vector.broadcast %and3A_690 : i32 to vector<16xi32>
        %and3A_692 = arith.andi %bitcast3A_685, %and3A_691 : vector<16xi32>
        %bitcast3A_693 = vector.bitcast %and3A_692 : vector<16xi32> to vector<16xf32>
        %mul3A_694 = arith.mulf %bitcast3A_689, %gather3A_581 : vector<16xf32>
        %swap3A_695 = arith.index_cast %add3A_579 : i32 to index
        %swap3A_696 = arith.constant 160 : index
        %swap3A_697 = tpu.vector_load %arg25[%swap3A_695, %swap3A_696] {strides = array<i32>} : memref<80x256xf32, #tpu.memory_space<vmem>>, vector<16xf32>,
        tpu.vector_store %arg25[%swap3A_695, %swap3A_696], %mul3A_694 {strides = array<i32>} : memref<80x256xf32, #tpu.memory_space<vmem>>, vector<16xf32>,
        %mul3A_698 = arith.mulf %bitcast3A_693, %gather3A_581 : vector<16xf32>
        %swap3A_699 = arith.index_cast %add3A_579 : i32 to index
        %swap3A_700 = arith.constant 176 : index
        %swap3A_701 = tpu.vector_load %arg25[%swap3A_699, %swap3A_700] {strides = array<i32>} : memref<80x256xf32, #tpu.memory_space<vmem>>, vector<16xf32>,
        tpu.vector_store %arg25[%swap3A_699, %swap3A_700], %mul3A_698 {strides = array<i32>} : memref<80x256xf32, #tpu.memory_space<vmem>>, vector<16xf32>,
        %get3A_702 = arith.index_cast %add3A_579 : i32 to index
        %get3A_703 = arith.constant 192 : index
        %get3A_704 = tpu.vector_load %arg24[%get3A_702, %get3A_703] {strides = array<i32>} : memref<80x256xbf16, #tpu.memory_space<vmem>>, vector<32xbf16>,
        %bitcast3A_705 = vector.bitcast %get3A_704 : vector<32xbf16> to vector<16xi32>
        %shift_left3A_706 = arith.constant 16 : i32
        %shift_left3A_707 = vector.broadcast %shift_left3A_706 : i32 to vector<16xi32>
        %shift_left3A_708 = arith.shli %bitcast3A_705, %shift_left3A_707 : vector<16xi32>
        %bitcast3A_709 = vector.bitcast %shift_left3A_708 : vector<16xi32> to vector<16xf32>
        %and3A_710 = arith.constant -65536 : i32
        %and3A_711 = vector.broadcast %and3A_710 : i32 to vector<16xi32>
        %and3A_712 = arith.andi %bitcast3A_705, %and3A_711 : vector<16xi32>
        %bitcast3A_713 = vector.bitcast %and3A_712 : vector<16xi32> to vector<16xf32>
        %mul3A_714 = arith.mulf %bitcast3A_709, %gather3A_581 : vector<16xf32>
        %swap3A_715 = arith.index_cast %add3A_579 : i32 to index
        %swap3A_716 = arith.constant 192 : index
        %swap3A_717 = tpu.vector_load %arg25[%swap3A_715, %swap3A_716] {strides = array<i32>} : memref<80x256xf32, #tpu.memory_space<vmem>>, vector<16xf32>,
        tpu.vector_store %arg25[%swap3A_715, %swap3A_716], %mul3A_714 {strides = array<i32>} : memref<80x256xf32, #tpu.memory_space<vmem>>, vector<16xf32>,
        %mul3A_718 = arith.mulf %bitcast3A_713, %gather3A_581 : vector<16xf32>
        %swap3A_719 = arith.index_cast %add3A_579 : i32 to index
        %swap3A_720 = arith.constant 208 : index
        %swap3A_721 = tpu.vector_load %arg25[%swap3A_719, %swap3A_720] {strides = array<i32>} : memref<80x256xf32, #tpu.memory_space<vmem>>, vector<16xf32>,
        tpu.vector_store %arg25[%swap3A_719, %swap3A_720], %mul3A_718 {strides = array<i32>} : memref<80x256xf32, #tpu.memory_space<vmem>>, vector<16xf32>,
        %get3A_722 = arith.index_cast %add3A_579 : i32 to index
        %get3A_723 = arith.constant 224 : index
        %get3A_724 = tpu.vector_load %arg24[%get3A_722, %get3A_723] {strides = array<i32>} : memref<80x256xbf16, #tpu.memory_space<vmem>>, vector<32xbf16>,
        %bitcast3A_725 = vector.bitcast %get3A_724 : vector<32xbf16> to vector<16xi32>
        %shift_left3A_726 = arith.constant 16 : i32
        %shift_left3A_727 = vector.broadcast %shift_left3A_726 : i32 to vector<16xi32>
        %shift_left3A_728 = arith.shli %bitcast3A_725, %shift_left3A_727 : vector<16xi32>
        %bitcast3A_729 = vector.bitcast %shift_left3A_728 : vector<16xi32> to vector<16xf32>
        %and3A_730 = arith.constant -65536 : i32
        %and3A_731 = vector.broadcast %and3A_730 : i32 to vector<16xi32>
        %and3A_732 = arith.andi %bitcast3A_725, %and3A_731 : vector<16xi32>
        %bitcast3A_733 = vector.bitcast %and3A_732 : vector<16xi32> to vector<16xf32>
        %mul3A_734 = arith.mulf %bitcast3A_729, %gather3A_581 : vector<16xf32>
        %swap3A_735 = arith.index_cast %add3A_579 : i32 to index
        %swap3A_736 = arith.constant 224 : index
        %swap3A_737 = tpu.vector_load %arg25[%swap3A_735, %swap3A_736] {strides = array<i32>} : memref<80x256xf32, #tpu.memory_space<vmem>>, vector<16xf32>,
        tpu.vector_store %arg25[%swap3A_735, %swap3A_736], %mul3A_734 {strides = array<i32>} : memref<80x256xf32, #tpu.memory_space<vmem>>, vector<16xf32>,
        %mul3A_738 = arith.mulf %bitcast3A_733, %gather3A_581 : vector<16xf32>
        %swap3A_739 = arith.index_cast %add3A_579 : i32 to index
        %swap3A_740 = arith.constant 240 : index
        %swap3A_741 = tpu.vector_load %arg25[%swap3A_739, %swap3A_740] {strides = array<i32>} : memref<80x256xf32, #tpu.memory_space<vmem>>, vector<16xf32>,
        tpu.vector_store %arg25[%swap3A_739, %swap3A_740], %mul3A_738 {strides = array<i32>} : memref<80x256xf32, #tpu.memory_space<vmem>>, vector<16xf32>,
        %scan3A_742 = arith.constant 0 : i32
        scf.yield %scan3A_742 : i32
      }
      %scan3A_242 = arith.constant 40 : i32
      %dma_start3A_243 = arith.constant 0 : i32
      %dma_start3A_244 = arith.constant 0 : i32
      %dma_start3A_245 = tpu.memref_slice %arg33[%dma_start3A_243, %dma_start3A_244] : memref<2048x256xf32, #tpu.memory_space<vmem_shared>> -> memref<2048x256xf32, #tpu.memory_space<vmem_shared>>
      tpu.enqueue_indirect_dma source(%arg25 : memref<80x256xf32, #tpu.memory_space<vmem>>) target(%dma_start3A_245 : memref<2048x256xf32, #tpu.memory_space<vmem_shared>>) offsets(%arg21 : memref<80xi32, #tpu.memory_space<vmem>>) semaphore(%arg39 : memref<!tpu.dma_semaphore, #tpu.memory_space<semaphore_mem>>) {add = true}
      %dma_start3A_246 = arith.constant 0 : i32
      %dma_start3A_247 = arith.constant 0 : i32
      %dma_start3A_248 = tpu.memref_slice %arg34[%dma_start3A_246, %dma_start3A_247] : memref<2048x16xf32, #tpu.memory_space<vmem_shared>> -> memref<2048x16xf32, #tpu.memory_space<vmem_shared>>
      tpu.enqueue_indirect_dma source(%arg23 : memref<80x16xf32, #tpu.memory_space<vmem>>) target(%dma_start3A_248 : memref<2048x16xf32, #tpu.memory_space<vmem_shared>>) offsets(%arg21 : memref<80xi32, #tpu.memory_space<vmem>>) semaphore(%arg39 : memref<!tpu.dma_semaphore, #tpu.memory_space<semaphore_mem>>) {add = true}
      %mul3A_249 = arith.constant 2 : i32
      %mul3A_250 = arith.muli %scan3A_96, %mul3A_249 : i32
      %add3A_251 = arith.constant 1 : i32
      %add3A_252 = arith.addi %mul3A_250, %add3A_251 : i32
      %get3A_253 = arith.constant 0 : index
      %get3A_254 = tpu.vector_load %arg26[%get3A_253] {strides = array<i32>} : memref<80xi32, #tpu.memory_space<vmem>>, vector<16xi32>,
      %get3A_255 = arith.constant 0 : index
      %get3A_256 = tpu.vector_load %arg27[%get3A_255] {strides = array<i32>} : memref<80xi32, #tpu.memory_space<vmem>>, vector<16xi32>,
      %gather3A_257 = tpu.vector_load_idx %arg15[%get3A_256] : memref<2000xf32, #tpu.memory_space<vmem>>[vector<16xi32>], vector<16xf32>,
      %gather3A_258 = tpu.vector_load_idx %arg13[%get3A_254] : memref<10000xf32, #tpu.memory_space<vmem>>[vector<16xi32>], vector<16xf32>,
      %add3A_259 = arith.addf %gather3A_257, %gather3A_258 : vector<16xf32>
      %ge3A_260 = arith.constant 0.000000e+00 : f32
      %ge3A_261 = vector.broadcast %ge3A_260 : f32 to vector<16xf32>
      %ge3A_262 = arith.cmpf oge, %add3A_259, %ge3A_261 : vector<16xf32>
      %mul3A_263 = arith.constant 2.000000e-01 : f32
      %mul3A_264 = vector.broadcast %mul3A_263 : f32 to vector<16xf32>
      %mul3A_265 = arith.mulf %add3A_259, %mul3A_264 : vector<16xf32>
      %select_n3A_266 = arith.select %ge3A_262, %add3A_259, %mul3A_265 : vector<16xi1>, vector<16xf32>
      %sub3A_267 = arith.subf %select_n3A_266, %max3A_38 : vector<16xf32>
      %exp3A_268 = math.exp %sub3A_267 : vector<16xf32>
      %swap3A_269 = arith.constant 0 : index
      %swap3A_270 = tpu.vector_load %arg29[%swap3A_269] {strides = array<i32>} : memref<80xf32, #tpu.memory_space<vmem>>, vector<16xf32>,
      tpu.vector_store %arg29[%swap3A_269], %exp3A_268 {strides = array<i32>} : memref<80xf32, #tpu.memory_space<vmem>>, vector<16xf32>,
      %add3A_271 = arith.constant 0 : i32
      %add3A_272 = vector.broadcast %add3A_271 : i32 to vector<16xi32>
      %add3A_273 = arith.addi %add3A_272, %iota3A : vector<16xi32>
      tpu.vector_store_idx %arg30[%add3A_273, %broadcast_in_dim3A_40], %exp3A_268 : memref<80x16xf32, #tpu.memory_space<vmem>>[vector<16xi32>, vector<16xi32>], vector<16xf32>,
      %swap3A_274 = arith.constant 0 : index
      %swap3A_275 = tpu.vector_load %arg28[%swap3A_274] {strides = array<i32>} : memref<80xi32, #tpu.memory_space<vmem>>, vector<16xi32>,
      tpu.vector_store %arg28[%swap3A_274], %get3A_256 {strides = array<i32>} : memref<80xi32, #tpu.memory_space<vmem>>, vector<16xi32>,
      %get3A_276 = arith.constant 16 : index
      %get3A_277 = tpu.vector_load %arg26[%get3A_276] {strides = array<i32>} : memref<80xi32, #tpu.memory_space<vmem>>, vector<16xi32>,
      %get3A_278 = arith.constant 16 : index
      %get3A_279 = tpu.vector_load %arg27[%get3A_278] {strides = array<i32>} : memref<80xi32, #tpu.memory_space<vmem>>, vector<16xi32>,
      %gather3A_280 = tpu.vector_load_idx %arg15[%get3A_279] : memref<2000xf32, #tpu.memory_space<vmem>>[vector<16xi32>], vector<16xf32>,
      %gather3A_281 = tpu.vector_load_idx %arg13[%get3A_277] : memref<10000xf32, #tpu.memory_space<vmem>>[vector<16xi32>], vector<16xf32>,
      %add3A_282 = arith.addf %gather3A_280, %gather3A_281 : vector<16xf32>
      %ge3A_283 = arith.constant 0.000000e+00 : f32
      %ge3A_284 = vector.broadcast %ge3A_283 : f32 to vector<16xf32>
      %ge3A_285 = arith.cmpf oge, %add3A_282, %ge3A_284 : vector<16xf32>
      %mul3A_286 = arith.constant 2.000000e-01 : f32
      %mul3A_287 = vector.broadcast %mul3A_286 : f32 to vector<16xf32>
      %mul3A_288 = arith.mulf %add3A_282, %mul3A_287 : vector<16xf32>
      %select_n3A_289 = arith.select %ge3A_285, %add3A_282, %mul3A_288 : vector<16xi1>, vector<16xf32>
      %sub3A_290 = arith.subf %select_n3A_289, %max3A_38 : vector<16xf32>
      %exp3A_291 = math.exp %sub3A_290 : vector<16xf32>
      %swap3A_292 = arith.constant 16 : index
      %swap3A_293 = tpu.vector_load %arg29[%swap3A_292] {strides = array<i32>} : memref<80xf32, #tpu.memory_space<vmem>>, vector<16xf32>,
      tpu.vector_store %arg29[%swap3A_292], %exp3A_291 {strides = array<i32>} : memref<80xf32, #tpu.memory_space<vmem>>, vector<16xf32>,
      %add3A_294 = arith.constant 16 : i32
      %add3A_295 = vector.broadcast %add3A_294 : i32 to vector<16xi32>
      %add3A_296 = arith.addi %add3A_295, %iota3A : vector<16xi32>
      tpu.vector_store_idx %arg30[%add3A_296, %broadcast_in_dim3A_40], %exp3A_291 : memref<80x16xf32, #tpu.memory_space<vmem>>[vector<16xi32>, vector<16xi32>], vector<16xf32>,
      %swap3A_297 = arith.constant 16 : index
      %swap3A_298 = tpu.vector_load %arg28[%swap3A_297] {strides = array<i32>} : memref<80xi32, #tpu.memory_space<vmem>>, vector<16xi32>,
      tpu.vector_store %arg28[%swap3A_297], %get3A_279 {strides = array<i32>} : memref<80xi32, #tpu.memory_space<vmem>>, vector<16xi32>,
      %get3A_299 = arith.constant 32 : index
      %get3A_300 = tpu.vector_load %arg26[%get3A_299] {strides = array<i32>} : memref<80xi32, #tpu.memory_space<vmem>>, vector<16xi32>,
      %get3A_301 = arith.constant 32 : index
      %get3A_302 = tpu.vector_load %arg27[%get3A_301] {strides = array<i32>} : memref<80xi32, #tpu.memory_space<vmem>>, vector<16xi32>,
      %gather3A_303 = tpu.vector_load_idx %arg15[%get3A_302] : memref<2000xf32, #tpu.memory_space<vmem>>[vector<16xi32>], vector<16xf32>,
      %gather3A_304 = tpu.vector_load_idx %arg13[%get3A_300] : memref<10000xf32, #tpu.memory_space<vmem>>[vector<16xi32>], vector<16xf32>,
      %add3A_305 = arith.addf %gather3A_303, %gather3A_304 : vector<16xf32>
      %ge3A_306 = arith.constant 0.000000e+00 : f32
      %ge3A_307 = vector.broadcast %ge3A_306 : f32 to vector<16xf32>
      %ge3A_308 = arith.cmpf oge, %add3A_305, %ge3A_307 : vector<16xf32>
      %mul3A_309 = arith.constant 2.000000e-01 : f32
      %mul3A_310 = vector.broadcast %mul3A_309 : f32 to vector<16xf32>
      %mul3A_311 = arith.mulf %add3A_305, %mul3A_310 : vector<16xf32>
      %select_n3A_312 = arith.select %ge3A_308, %add3A_305, %mul3A_311 : vector<16xi1>, vector<16xf32>
      %sub3A_313 = arith.subf %select_n3A_312, %max3A_38 : vector<16xf32>
      %exp3A_314 = math.exp %sub3A_313 : vector<16xf32>
      %swap3A_315 = arith.constant 32 : index
      %swap3A_316 = tpu.vector_load %arg29[%swap3A_315] {strides = array<i32>} : memref<80xf32, #tpu.memory_space<vmem>>, vector<16xf32>,
      tpu.vector_store %arg29[%swap3A_315], %exp3A_314 {strides = array<i32>} : memref<80xf32, #tpu.memory_space<vmem>>, vector<16xf32>,
      %add3A_317 = arith.constant 32 : i32
      %add3A_318 = vector.broadcast %add3A_317 : i32 to vector<16xi32>
      %add3A_319 = arith.addi %add3A_318, %iota3A : vector<16xi32>
      tpu.vector_store_idx %arg30[%add3A_319, %broadcast_in_dim3A_40], %exp3A_314 : memref<80x16xf32, #tpu.memory_space<vmem>>[vector<16xi32>, vector<16xi32>], vector<16xf32>,
      %swap3A_320 = arith.constant 32 : index
      %swap3A_321 = tpu.vector_load %arg28[%swap3A_320] {strides = array<i32>} : memref<80xi32, #tpu.memory_space<vmem>>, vector<16xi32>,
      tpu.vector_store %arg28[%swap3A_320], %get3A_302 {strides = array<i32>} : memref<80xi32, #tpu.memory_space<vmem>>, vector<16xi32>,
      %get3A_322 = arith.constant 48 : index
      %get3A_323 = tpu.vector_load %arg26[%get3A_322] {strides = array<i32>} : memref<80xi32, #tpu.memory_space<vmem>>, vector<16xi32>,
      %get3A_324 = arith.constant 48 : index
      %get3A_325 = tpu.vector_load %arg27[%get3A_324] {strides = array<i32>} : memref<80xi32, #tpu.memory_space<vmem>>, vector<16xi32>,
      %gather3A_326 = tpu.vector_load_idx %arg15[%get3A_325] : memref<2000xf32, #tpu.memory_space<vmem>>[vector<16xi32>], vector<16xf32>,
      %gather3A_327 = tpu.vector_load_idx %arg13[%get3A_323] : memref<10000xf32, #tpu.memory_space<vmem>>[vector<16xi32>], vector<16xf32>,
      %add3A_328 = arith.addf %gather3A_326, %gather3A_327 : vector<16xf32>
      %ge3A_329 = arith.constant 0.000000e+00 : f32
      %ge3A_330 = vector.broadcast %ge3A_329 : f32 to vector<16xf32>
      %ge3A_331 = arith.cmpf oge, %add3A_328, %ge3A_330 : vector<16xf32>
      %mul3A_332 = arith.constant 2.000000e-01 : f32
      %mul3A_333 = vector.broadcast %mul3A_332 : f32 to vector<16xf32>
      %mul3A_334 = arith.mulf %add3A_328, %mul3A_333 : vector<16xf32>
      %select_n3A_335 = arith.select %ge3A_331, %add3A_328, %mul3A_334 : vector<16xi1>, vector<16xf32>
      %sub3A_336 = arith.subf %select_n3A_335, %max3A_38 : vector<16xf32>
      %exp3A_337 = math.exp %sub3A_336 : vector<16xf32>
      %swap3A_338 = arith.constant 48 : index
      %swap3A_339 = tpu.vector_load %arg29[%swap3A_338] {strides = array<i32>} : memref<80xf32, #tpu.memory_space<vmem>>, vector<16xf32>,
      tpu.vector_store %arg29[%swap3A_338], %exp3A_337 {strides = array<i32>} : memref<80xf32, #tpu.memory_space<vmem>>, vector<16xf32>,
      %add3A_340 = arith.constant 48 : i32
      %add3A_341 = vector.broadcast %add3A_340 : i32 to vector<16xi32>
      %add3A_342 = arith.addi %add3A_341, %iota3A : vector<16xi32>
      tpu.vector_store_idx %arg30[%add3A_342, %broadcast_in_dim3A_40], %exp3A_337 : memref<80x16xf32, #tpu.memory_space<vmem>>[vector<16xi32>, vector<16xi32>], vector<16xf32>,
      %swap3A_343 = arith.constant 48 : index
      %swap3A_344 = tpu.vector_load %arg28[%swap3A_343] {strides = array<i32>} : memref<80xi32, #tpu.memory_space<vmem>>, vector<16xi32>,
      tpu.vector_store %arg28[%swap3A_343], %get3A_325 {strides = array<i32>} : memref<80xi32, #tpu.memory_space<vmem>>, vector<16xi32>,
      %get3A_345 = arith.constant 64 : index
      %get3A_346 = tpu.vector_load %arg26[%get3A_345] {strides = array<i32>} : memref<80xi32, #tpu.memory_space<vmem>>, vector<16xi32>,
      %get3A_347 = arith.constant 64 : index
      %get3A_348 = tpu.vector_load %arg27[%get3A_347] {strides = array<i32>} : memref<80xi32, #tpu.memory_space<vmem>>, vector<16xi32>,
      %gather3A_349 = tpu.vector_load_idx %arg15[%get3A_348] : memref<2000xf32, #tpu.memory_space<vmem>>[vector<16xi32>], vector<16xf32>,
      %gather3A_350 = tpu.vector_load_idx %arg13[%get3A_346] : memref<10000xf32, #tpu.memory_space<vmem>>[vector<16xi32>], vector<16xf32>,
      %add3A_351 = arith.addf %gather3A_349, %gather3A_350 : vector<16xf32>
      %ge3A_352 = arith.constant 0.000000e+00 : f32
      %ge3A_353 = vector.broadcast %ge3A_352 : f32 to vector<16xf32>
      %ge3A_354 = arith.cmpf oge, %add3A_351, %ge3A_353 : vector<16xf32>
      %mul3A_355 = arith.constant 2.000000e-01 : f32
      %mul3A_356 = vector.broadcast %mul3A_355 : f32 to vector<16xf32>
      %mul3A_357 = arith.mulf %add3A_351, %mul3A_356 : vector<16xf32>
      %select_n3A_358 = arith.select %ge3A_354, %add3A_351, %mul3A_357 : vector<16xi1>, vector<16xf32>
      %sub3A_359 = arith.subf %select_n3A_358, %max3A_38 : vector<16xf32>
      %exp3A_360 = math.exp %sub3A_359 : vector<16xf32>
      %swap3A_361 = arith.constant 64 : index
      %swap3A_362 = tpu.vector_load %arg29[%swap3A_361] {strides = array<i32>} : memref<80xf32, #tpu.memory_space<vmem>>, vector<16xf32>,
      tpu.vector_store %arg29[%swap3A_361], %exp3A_360 {strides = array<i32>} : memref<80xf32, #tpu.memory_space<vmem>>, vector<16xf32>,
      %add3A_363 = arith.constant 64 : i32
      %add3A_364 = vector.broadcast %add3A_363 : i32 to vector<16xi32>
      %add3A_365 = arith.addi %add3A_364, %iota3A : vector<16xi32>
      tpu.vector_store_idx %arg30[%add3A_365, %broadcast_in_dim3A_40], %exp3A_360 : memref<80x16xf32, #tpu.memory_space<vmem>>[vector<16xi32>, vector<16xi32>], vector<16xf32>,
      %swap3A_366 = arith.constant 64 : index
      %swap3A_367 = tpu.vector_load %arg28[%swap3A_366] {strides = array<i32>} : memref<80xi32, #tpu.memory_space<vmem>>, vector<16xi32>,
      tpu.vector_store %arg28[%swap3A_366], %get3A_348 {strides = array<i32>} : memref<80xi32, #tpu.memory_space<vmem>>, vector<16xi32>,
      %dma_wait3A_368 = arith.constant 0 : i32
      %dma_wait3A_369 = arith.constant 0 : i32
      %dma_wait3A_370 = tpu.memref_slice %arg9[%dma_wait3A_368, %dma_wait3A_369] : memref<10000x256xbf16, #tpu.memory_space<hbm>> -> memref<10000x256xbf16, #tpu.memory_space<hbm>>
      tpu.wait_indirect_dma semaphore(%arg38 : memref<!tpu.dma_semaphore, #tpu.memory_space<semaphore_mem>>) src(%dma_wait3A_370 : memref<10000x256xbf16, #tpu.memory_space<hbm>>) dst(%arg31 : memref<80x256xbf16, #tpu.memory_space<vmem>>)
      %add3A_371 = arith.constant 2 : i32
      %add3A_372 = arith.addi %add3A_252, %add3A_371 : i32
      %mul3A_373 = arith.constant 80 : i32
      %mul3A_374 = arith.muli %add3A_372, %mul3A_373 : i32
      %add3A_375 = arith.addi %mul3A_42, %mul3A_374 : i32
      %dma_start3A_376 = tpu.memref_slice %arg2[%add3A_375] : memref<320512xi32, #tpu.memory_space<hbm>> -> memref<80xi32, #tpu.memory_space<hbm>>
      %dma_start3A_377 = tpu.memref_slice %arg2[%add3A_375] : memref<320512xi32, #tpu.memory_space<hbm>> -> memref<80xi32, #tpu.memory_space<hbm>>
      tpu.enqueue_dma source(%dma_start3A_377 : memref<80xi32, #tpu.memory_space<hbm>>) target(%arg26 : memref<80xi32, #tpu.memory_space<vmem>>) target_semaphore(%arg36 : memref<!tpu.dma_semaphore, #tpu.memory_space<semaphore_mem>>)
      %dma_start3A_378 = tpu.memref_slice %arg3[%add3A_375] : memref<320512xi32, #tpu.memory_space<hbm>> -> memref<80xi32, #tpu.memory_space<hbm>>
      %dma_start3A_379 = tpu.memref_slice %arg3[%add3A_375] : memref<320512xi32, #tpu.memory_space<hbm>> -> memref<80xi32, #tpu.memory_space<hbm>>
      tpu.enqueue_dma source(%dma_start3A_379 : memref<80xi32, #tpu.memory_space<hbm>>) target(%arg27 : memref<80xi32, #tpu.memory_space<vmem>>) target_semaphore(%arg36 : memref<!tpu.dma_semaphore, #tpu.memory_space<semaphore_mem>>)
      %dma_wait3A_380 = arith.constant 0 : i32
      %dma_wait3A_381 = arith.constant 0 : i32
      %dma_wait3A_382 = tpu.memref_slice %arg33[%dma_wait3A_380, %dma_wait3A_381] : memref<2048x256xf32, #tpu.memory_space<vmem_shared>> -> memref<2048x256xf32, #tpu.memory_space<vmem_shared>>
      tpu.wait_indirect_dma semaphore(%arg39 : memref<!tpu.dma_semaphore, #tpu.memory_space<semaphore_mem>>) src(%arg25 : memref<80x256xf32, #tpu.memory_space<vmem>>) dst(%dma_wait3A_382 : memref<2048x256xf32, #tpu.memory_space<vmem_shared>>)
      %dma_wait3A_383 = arith.constant 0 : i32
      %dma_wait3A_384 = arith.constant 0 : i32
      %dma_wait3A_385 = tpu.memref_slice %arg34[%dma_wait3A_383, %dma_wait3A_384] : memref<2048x16xf32, #tpu.memory_space<vmem_shared>> -> memref<2048x16xf32, #tpu.memory_space<vmem_shared>>
      tpu.wait_indirect_dma semaphore(%arg39 : memref<!tpu.dma_semaphore, #tpu.memory_space<semaphore_mem>>) src(%arg23 : memref<80x16xf32, #tpu.memory_space<vmem>>) dst(%dma_wait3A_385 : memref<2048x16xf32, #tpu.memory_space<vmem_shared>>)
      %dma_wait3A_386 = arith.constant 0 : i32
      %dma_wait3A_387 = tpu.memref_slice %arg2[%dma_wait3A_386] : memref<320512xi32, #tpu.memory_space<hbm>> -> memref<80xi32, #tpu.memory_space<hbm>>
      %dma_wait3A_388 = arith.constant 0 : i32
      %dma_wait3A_389 = tpu.memref_slice %arg2[%dma_wait3A_388] : memref<320512xi32, #tpu.memory_space<hbm>> -> memref<80xi32, #tpu.memory_space<hbm>>
      tpu.wait_dma2 semaphore(%arg35 : memref<!tpu.dma_semaphore, #tpu.memory_space<semaphore_mem>>) src(%dma_wait3A_389 : memref<80xi32, #tpu.memory_space<hbm>>) dst(%arg19 : memref<80xi32, #tpu.memory_space<vmem>>)
      %dma_wait3A_390 = arith.constant 0 : i32
      %dma_wait3A_391 = tpu.memref_slice %arg3[%dma_wait3A_390] : memref<320512xi32, #tpu.memory_space<hbm>> -> memref<80xi32, #tpu.memory_space<hbm>>
      %dma_wait3A_392 = arith.constant 0 : i32
      %dma_wait3A_393 = tpu.memref_slice %arg3[%dma_wait3A_392] : memref<320512xi32, #tpu.memory_space<hbm>> -> memref<80xi32, #tpu.memory_space<hbm>>
      tpu.wait_dma2 semaphore(%arg35 : memref<!tpu.dma_semaphore, #tpu.memory_space<semaphore_mem>>) src(%dma_wait3A_393 : memref<80xi32, #tpu.memory_space<hbm>>) dst(%arg20 : memref<80xi32, #tpu.memory_space<vmem>>)
      %dma_start3A_394 = arith.constant 0 : i32
      %dma_start3A_395 = arith.constant 0 : i32
      %dma_start3A_396 = tpu.memref_slice %arg9[%dma_start3A_394, %dma_start3A_395] : memref<10000x256xbf16, #tpu.memory_space<hbm>> -> memref<10000x256xbf16, #tpu.memory_space<hbm>>
      tpu.enqueue_indirect_dma source(%dma_start3A_396 : memref<10000x256xbf16, #tpu.memory_space<hbm>>) target(%arg24 : memref<80x256xbf16, #tpu.memory_space<vmem>>) offsets(%arg19 : memref<80xi32, #tpu.memory_space<vmem>>) semaphore(%arg37 : memref<!tpu.dma_semaphore, #tpu.memory_space<semaphore_mem>>)
      %scan3A_397 = arith.constant 0 : i32
      %scan3A_398 = arith.constant 0 : i32
      %scan3A_399 = arith.constant 40 : i32
      %scan3A_400 = arith.addi %scan3A_398, %scan3A_399 : i32
      %scan3A_401 = arith.constant 1 : i32
      %scan3A_402 = scf.for %scan3A_411 = %scan3A_398 to %scan3A_400 step %scan3A_401 iter_args(%scan3A_412 = %scan3A_397) -> (i32)  : i32 {
        %mul3A_413 = arith.constant 2 : i32
        %mul3A_414 = arith.muli %scan3A_411, %mul3A_413 : i32
        %add3A_415 = arith.constant 0 : i32
        %add3A_416 = arith.addi %mul3A_414, %add3A_415 : i32
        %broadcast_in_dim3A_417 = vector.broadcast %add3A_416 : i32 to vector<16xi32>
        %gather3A_418 = tpu.vector_load_idx %arg29[%broadcast_in_dim3A_417] : memref<80xf32, #tpu.memory_space<vmem>>[vector<16xi32>], vector<16xf32>,
        %get3A_419 = arith.index_cast %add3A_416 : i32 to index
        %get3A_420 = arith.constant 0 : index
        %get3A_421 = tpu.vector_load %arg31[%get3A_419, %get3A_420] {strides = array<i32>} : memref<80x256xbf16, #tpu.memory_space<vmem>>, vector<32xbf16>,
        %bitcast3A = vector.bitcast %get3A_421 : vector<32xbf16> to vector<16xi32>
        %shift_left3A = arith.constant 16 : i32
        %shift_left3A_422 = vector.broadcast %shift_left3A : i32 to vector<16xi32>
        %shift_left3A_423 = arith.shli %bitcast3A, %shift_left3A_422 : vector<16xi32>
        %bitcast3A_424 = vector.bitcast %shift_left3A_423 : vector<16xi32> to vector<16xf32>
        %and3A = arith.constant -65536 : i32
        %and3A_425 = vector.broadcast %and3A : i32 to vector<16xi32>
        %and3A_426 = arith.andi %bitcast3A, %and3A_425 : vector<16xi32>
        %bitcast3A_427 = vector.bitcast %and3A_426 : vector<16xi32> to vector<16xf32>
        %mul3A_428 = arith.mulf %bitcast3A_424, %gather3A_418 : vector<16xf32>
        %swap3A_429 = arith.index_cast %add3A_416 : i32 to index
        %swap3A_430 = arith.constant 0 : index
        %swap3A_431 = tpu.vector_load %arg32[%swap3A_429, %swap3A_430] {strides = array<i32>} : memref<80x256xf32, #tpu.memory_space<vmem>>, vector<16xf32>,
        tpu.vector_store %arg32[%swap3A_429, %swap3A_430], %mul3A_428 {strides = array<i32>} : memref<80x256xf32, #tpu.memory_space<vmem>>, vector<16xf32>,
        %mul3A_432 = arith.mulf %bitcast3A_427, %gather3A_418 : vector<16xf32>
        %swap3A_433 = arith.index_cast %add3A_416 : i32 to index
        %swap3A_434 = arith.constant 16 : index
        %swap3A_435 = tpu.vector_load %arg32[%swap3A_433, %swap3A_434] {strides = array<i32>} : memref<80x256xf32, #tpu.memory_space<vmem>>, vector<16xf32>,
        tpu.vector_store %arg32[%swap3A_433, %swap3A_434], %mul3A_432 {strides = array<i32>} : memref<80x256xf32, #tpu.memory_space<vmem>>, vector<16xf32>,
        %get3A_436 = arith.index_cast %add3A_416 : i32 to index
        %get3A_437 = arith.constant 32 : index
        %get3A_438 = tpu.vector_load %arg31[%get3A_436, %get3A_437] {strides = array<i32>} : memref<80x256xbf16, #tpu.memory_space<vmem>>, vector<32xbf16>,
        %bitcast3A_439 = vector.bitcast %get3A_438 : vector<32xbf16> to vector<16xi32>
        %shift_left3A_440 = arith.constant 16 : i32
        %shift_left3A_441 = vector.broadcast %shift_left3A_440 : i32 to vector<16xi32>
        %shift_left3A_442 = arith.shli %bitcast3A_439, %shift_left3A_441 : vector<16xi32>
        %bitcast3A_443 = vector.bitcast %shift_left3A_442 : vector<16xi32> to vector<16xf32>
        %and3A_444 = arith.constant -65536 : i32
        %and3A_445 = vector.broadcast %and3A_444 : i32 to vector<16xi32>
        %and3A_446 = arith.andi %bitcast3A_439, %and3A_445 : vector<16xi32>
        %bitcast3A_447 = vector.bitcast %and3A_446 : vector<16xi32> to vector<16xf32>
        %mul3A_448 = arith.mulf %bitcast3A_443, %gather3A_418 : vector<16xf32>
        %swap3A_449 = arith.index_cast %add3A_416 : i32 to index
        %swap3A_450 = arith.constant 32 : index
        %swap3A_451 = tpu.vector_load %arg32[%swap3A_449, %swap3A_450] {strides = array<i32>} : memref<80x256xf32, #tpu.memory_space<vmem>>, vector<16xf32>,
        tpu.vector_store %arg32[%swap3A_449, %swap3A_450], %mul3A_448 {strides = array<i32>} : memref<80x256xf32, #tpu.memory_space<vmem>>, vector<16xf32>,
        %mul3A_452 = arith.mulf %bitcast3A_447, %gather3A_418 : vector<16xf32>
        %swap3A_453 = arith.index_cast %add3A_416 : i32 to index
        %swap3A_454 = arith.constant 48 : index
        %swap3A_455 = tpu.vector_load %arg32[%swap3A_453, %swap3A_454] {strides = array<i32>} : memref<80x256xf32, #tpu.memory_space<vmem>>, vector<16xf32>,
        tpu.vector_store %arg32[%swap3A_453, %swap3A_454], %mul3A_452 {strides = array<i32>} : memref<80x256xf32, #tpu.memory_space<vmem>>, vector<16xf32>,
        %get3A_456 = arith.index_cast %add3A_416 : i32 to index
        %get3A_457 = arith.constant 64 : index
        %get3A_458 = tpu.vector_load %arg31[%get3A_456, %get3A_457] {strides = array<i32>} : memref<80x256xbf16, #tpu.memory_space<vmem>>, vector<32xbf16>,
        %bitcast3A_459 = vector.bitcast %get3A_458 : vector<32xbf16> to vector<16xi32>
        %shift_left3A_460 = arith.constant 16 : i32
        %shift_left3A_461 = vector.broadcast %shift_left3A_460 : i32 to vector<16xi32>
        %shift_left3A_462 = arith.shli %bitcast3A_459, %shift_left3A_461 : vector<16xi32>
        %bitcast3A_463 = vector.bitcast %shift_left3A_462 : vector<16xi32> to vector<16xf32>
        %and3A_464 = arith.constant -65536 : i32
        %and3A_465 = vector.broadcast %and3A_464 : i32 to vector<16xi32>
        %and3A_466 = arith.andi %bitcast3A_459, %and3A_465 : vector<16xi32>
        %bitcast3A_467 = vector.bitcast %and3A_466 : vector<16xi32> to vector<16xf32>
        %mul3A_468 = arith.mulf %bitcast3A_463, %gather3A_418 : vector<16xf32>
        %swap3A_469 = arith.index_cast %add3A_416 : i32 to index
        %swap3A_470 = arith.constant 64 : index
        %swap3A_471 = tpu.vector_load %arg32[%swap3A_469, %swap3A_470] {strides = array<i32>} : memref<80x256xf32, #tpu.memory_space<vmem>>, vector<16xf32>,
        tpu.vector_store %arg32[%swap3A_469, %swap3A_470], %mul3A_468 {strides = array<i32>} : memref<80x256xf32, #tpu.memory_space<vmem>>, vector<16xf32>,
        %mul3A_472 = arith.mulf %bitcast3A_467, %gather3A_418 : vector<16xf32>
        %swap3A_473 = arith.index_cast %add3A_416 : i32 to index
        %swap3A_474 = arith.constant 80 : index
        %swap3A_475 = tpu.vector_load %arg32[%swap3A_473, %swap3A_474] {strides = array<i32>} : memref<80x256xf32, #tpu.memory_space<vmem>>, vector<16xf32>,
        tpu.vector_store %arg32[%swap3A_473, %swap3A_474], %mul3A_472 {strides = array<i32>} : memref<80x256xf32, #tpu.memory_space<vmem>>, vector<16xf32>,
        %get3A_476 = arith.index_cast %add3A_416 : i32 to index
        %get3A_477 = arith.constant 96 : index
        %get3A_478 = tpu.vector_load %arg31[%get3A_476, %get3A_477] {strides = array<i32>} : memref<80x256xbf16, #tpu.memory_space<vmem>>, vector<32xbf16>,
        %bitcast3A_479 = vector.bitcast %get3A_478 : vector<32xbf16> to vector<16xi32>
        %shift_left3A_480 = arith.constant 16 : i32
        %shift_left3A_481 = vector.broadcast %shift_left3A_480 : i32 to vector<16xi32>
        %shift_left3A_482 = arith.shli %bitcast3A_479, %shift_left3A_481 : vector<16xi32>
        %bitcast3A_483 = vector.bitcast %shift_left3A_482 : vector<16xi32> to vector<16xf32>
        %and3A_484 = arith.constant -65536 : i32
        %and3A_485 = vector.broadcast %and3A_484 : i32 to vector<16xi32>
        %and3A_486 = arith.andi %bitcast3A_479, %and3A_485 : vector<16xi32>
        %bitcast3A_487 = vector.bitcast %and3A_486 : vector<16xi32> to vector<16xf32>
        %mul3A_488 = arith.mulf %bitcast3A_483, %gather3A_418 : vector<16xf32>
        %swap3A_489 = arith.index_cast %add3A_416 : i32 to index
        %swap3A_490 = arith.constant 96 : index
        %swap3A_491 = tpu.vector_load %arg32[%swap3A_489, %swap3A_490] {strides = array<i32>} : memref<80x256xf32, #tpu.memory_space<vmem>>, vector<16xf32>,
        tpu.vector_store %arg32[%swap3A_489, %swap3A_490], %mul3A_488 {strides = array<i32>} : memref<80x256xf32, #tpu.memory_space<vmem>>, vector<16xf32>,
        %mul3A_492 = arith.mulf %bitcast3A_487, %gather3A_418 : vector<16xf32>
        %swap3A_493 = arith.index_cast %add3A_416 : i32 to index
        %swap3A_494 = arith.constant 112 : index
        %swap3A_495 = tpu.vector_load %arg32[%swap3A_493, %swap3A_494] {strides = array<i32>} : memref<80x256xf32, #tpu.memory_space<vmem>>, vector<16xf32>,
        tpu.vector_store %arg32[%swap3A_493, %swap3A_494], %mul3A_492 {strides = array<i32>} : memref<80x256xf32, #tpu.memory_space<vmem>>, vector<16xf32>,
        %get3A_496 = arith.index_cast %add3A_416 : i32 to index
        %get3A_497 = arith.constant 128 : index
        %get3A_498 = tpu.vector_load %arg31[%get3A_496, %get3A_497] {strides = array<i32>} : memref<80x256xbf16, #tpu.memory_space<vmem>>, vector<32xbf16>,
        %bitcast3A_499 = vector.bitcast %get3A_498 : vector<32xbf16> to vector<16xi32>
        %shift_left3A_500 = arith.constant 16 : i32
        %shift_left3A_501 = vector.broadcast %shift_left3A_500 : i32 to vector<16xi32>
        %shift_left3A_502 = arith.shli %bitcast3A_499, %shift_left3A_501 : vector<16xi32>
        %bitcast3A_503 = vector.bitcast %shift_left3A_502 : vector<16xi32> to vector<16xf32>
        %and3A_504 = arith.constant -65536 : i32
        %and3A_505 = vector.broadcast %and3A_504 : i32 to vector<16xi32>
        %and3A_506 = arith.andi %bitcast3A_499, %and3A_505 : vector<16xi32>
        %bitcast3A_507 = vector.bitcast %and3A_506 : vector<16xi32> to vector<16xf32>
        %mul3A_508 = arith.mulf %bitcast3A_503, %gather3A_418 : vector<16xf32>
        %swap3A_509 = arith.index_cast %add3A_416 : i32 to index
        %swap3A_510 = arith.constant 128 : index
        %swap3A_511 = tpu.vector_load %arg32[%swap3A_509, %swap3A_510] {strides = array<i32>} : memref<80x256xf32, #tpu.memory_space<vmem>>, vector<16xf32>,
        tpu.vector_store %arg32[%swap3A_509, %swap3A_510], %mul3A_508 {strides = array<i32>} : memref<80x256xf32, #tpu.memory_space<vmem>>, vector<16xf32>,
        %mul3A_512 = arith.mulf %bitcast3A_507, %gather3A_418 : vector<16xf32>
        %swap3A_513 = arith.index_cast %add3A_416 : i32 to index
        %swap3A_514 = arith.constant 144 : index
        %swap3A_515 = tpu.vector_load %arg32[%swap3A_513, %swap3A_514] {strides = array<i32>} : memref<80x256xf32, #tpu.memory_space<vmem>>, vector<16xf32>,
        tpu.vector_store %arg32[%swap3A_513, %swap3A_514], %mul3A_512 {strides = array<i32>} : memref<80x256xf32, #tpu.memory_space<vmem>>, vector<16xf32>,
        %get3A_516 = arith.index_cast %add3A_416 : i32 to index
        %get3A_517 = arith.constant 160 : index
        %get3A_518 = tpu.vector_load %arg31[%get3A_516, %get3A_517] {strides = array<i32>} : memref<80x256xbf16, #tpu.memory_space<vmem>>, vector<32xbf16>,
        %bitcast3A_519 = vector.bitcast %get3A_518 : vector<32xbf16> to vector<16xi32>
        %shift_left3A_520 = arith.constant 16 : i32
        %shift_left3A_521 = vector.broadcast %shift_left3A_520 : i32 to vector<16xi32>
        %shift_left3A_522 = arith.shli %bitcast3A_519, %shift_left3A_521 : vector<16xi32>
        %bitcast3A_523 = vector.bitcast %shift_left3A_522 : vector<16xi32> to vector<16xf32>
        %and3A_524 = arith.constant -65536 : i32
        %and3A_525 = vector.broadcast %and3A_524 : i32 to vector<16xi32>
        %and3A_526 = arith.andi %bitcast3A_519, %and3A_525 : vector<16xi32>
        %bitcast3A_527 = vector.bitcast %and3A_526 : vector<16xi32> to vector<16xf32>
        %mul3A_528 = arith.mulf %bitcast3A_523, %gather3A_418 : vector<16xf32>
        %swap3A_529 = arith.index_cast %add3A_416 : i32 to index
        %swap3A_530 = arith.constant 160 : index
        %swap3A_531 = tpu.vector_load %arg32[%swap3A_529, %swap3A_530] {strides = array<i32>} : memref<80x256xf32, #tpu.memory_space<vmem>>, vector<16xf32>,
        tpu.vector_store %arg32[%swap3A_529, %swap3A_530], %mul3A_528 {strides = array<i32>} : memref<80x256xf32, #tpu.memory_space<vmem>>, vector<16xf32>,
        %mul3A_532 = arith.mulf %bitcast3A_527, %gather3A_418 : vector<16xf32>
        %swap3A_533 = arith.index_cast %add3A_416 : i32 to index
        %swap3A_534 = arith.constant 176 : index
        %swap3A_535 = tpu.vector_load %arg32[%swap3A_533, %swap3A_534] {strides = array<i32>} : memref<80x256xf32, #tpu.memory_space<vmem>>, vector<16xf32>,
        tpu.vector_store %arg32[%swap3A_533, %swap3A_534], %mul3A_532 {strides = array<i32>} : memref<80x256xf32, #tpu.memory_space<vmem>>, vector<16xf32>,
        %get3A_536 = arith.index_cast %add3A_416 : i32 to index
        %get3A_537 = arith.constant 192 : index
        %get3A_538 = tpu.vector_load %arg31[%get3A_536, %get3A_537] {strides = array<i32>} : memref<80x256xbf16, #tpu.memory_space<vmem>>, vector<32xbf16>,
        %bitcast3A_539 = vector.bitcast %get3A_538 : vector<32xbf16> to vector<16xi32>
        %shift_left3A_540 = arith.constant 16 : i32
        %shift_left3A_541 = vector.broadcast %shift_left3A_540 : i32 to vector<16xi32>
        %shift_left3A_542 = arith.shli %bitcast3A_539, %shift_left3A_541 : vector<16xi32>
        %bitcast3A_543 = vector.bitcast %shift_left3A_542 : vector<16xi32> to vector<16xf32>
        %and3A_544 = arith.constant -65536 : i32
        %and3A_545 = vector.broadcast %and3A_544 : i32 to vector<16xi32>
        %and3A_546 = arith.andi %bitcast3A_539, %and3A_545 : vector<16xi32>
        %bitcast3A_547 = vector.bitcast %and3A_546 : vector<16xi32> to vector<16xf32>
        %mul3A_548 = arith.mulf %bitcast3A_543, %gather3A_418 : vector<16xf32>
        %swap3A_549 = arith.index_cast %add3A_416 : i32 to index
        %swap3A_550 = arith.constant 192 : index
        %swap3A_551 = tpu.vector_load %arg32[%swap3A_549, %swap3A_550] {strides = array<i32>} : memref<80x256xf32, #tpu.memory_space<vmem>>, vector<16xf32>,
        tpu.vector_store %arg32[%swap3A_549, %swap3A_550], %mul3A_548 {strides = array<i32>} : memref<80x256xf32, #tpu.memory_space<vmem>>, vector<16xf32>,
        %mul3A_552 = arith.mulf %bitcast3A_547, %gather3A_418 : vector<16xf32>
        %swap3A_553 = arith.index_cast %add3A_416 : i32 to index
        %swap3A_554 = arith.constant 208 : index
        %swap3A_555 = tpu.vector_load %arg32[%swap3A_553, %swap3A_554] {strides = array<i32>} : memref<80x256xf32, #tpu.memory_space<vmem>>, vector<16xf32>,
        tpu.vector_store %arg32[%swap3A_553, %swap3A_554], %mul3A_552 {strides = array<i32>} : memref<80x256xf32, #tpu.memory_space<vmem>>, vector<16xf32>,
        %get3A_556 = arith.index_cast %add3A_416 : i32 to index
        %get3A_557 = arith.constant 224 : index
        %get3A_558 = tpu.vector_load %arg31[%get3A_556, %get3A_557] {strides = array<i32>} : memref<80x256xbf16, #tpu.memory_space<vmem>>, vector<32xbf16>,
        %bitcast3A_559 = vector.bitcast %get3A_558 : vector<32xbf16> to vector<16xi32>
        %shift_left3A_560 = arith.constant 16 : i32
        %shift_left3A_561 = vector.broadcast %shift_left3A_560 : i32 to vector<16xi32>
        %shift_left3A_562 = arith.shli %bitcast3A_559, %shift_left3A_561 : vector<16xi32>
        %bitcast3A_563 = vector.bitcast %shift_left3A_562 : vector<16xi32> to vector<16xf32>
        %and3A_564 = arith.constant -65536 : i32
        %and3A_565 = vector.broadcast %and3A_564 : i32 to vector<16xi32>
        %and3A_566 = arith.andi %bitcast3A_559, %and3A_565 : vector<16xi32>
        %bitcast3A_567 = vector.bitcast %and3A_566 : vector<16xi32> to vector<16xf32>
        %mul3A_568 = arith.mulf %bitcast3A_563, %gather3A_418 : vector<16xf32>
        %swap3A_569 = arith.index_cast %add3A_416 : i32 to index
        %swap3A_570 = arith.constant 224 : index
        %swap3A_571 = tpu.vector_load %arg32[%swap3A_569, %swap3A_570] {strides = array<i32>} : memref<80x256xf32, #tpu.memory_space<vmem>>, vector<16xf32>,
        tpu.vector_store %arg32[%swap3A_569, %swap3A_570], %mul3A_568 {strides = array<i32>} : memref<80x256xf32, #tpu.memory_space<vmem>>, vector<16xf32>,
        %mul3A_572 = arith.mulf %bitcast3A_567, %gather3A_418 : vector<16xf32>
        %swap3A_573 = arith.index_cast %add3A_416 : i32 to index
        %swap3A_574 = arith.constant 240 : index
        %swap3A_575 = tpu.vector_load %arg32[%swap3A_573, %swap3A_574] {strides = array<i32>} : memref<80x256xf32, #tpu.memory_space<vmem>>, vector<16xf32>,
        tpu.vector_store %arg32[%swap3A_573, %swap3A_574], %mul3A_572 {strides = array<i32>} : memref<80x256xf32, #tpu.memory_space<vmem>>, vector<16xf32>,
        %mul3A_576 = arith.constant 2 : i32
        %mul3A_577 = arith.muli %scan3A_411, %mul3A_576 : i32
        %add3A_578 = arith.constant 1 : i32
        %add3A_579 = arith.addi %mul3A_577, %add3A_578 : i32
        %broadcast_in_dim3A_580 = vector.broadcast %add3A_579 : i32 to vector<16xi32>
        %gather3A_581 = tpu.vector_load_idx %arg29[%broadcast_in_dim3A_580] : memref<80xf32, #tpu.memory_space<vmem>>[vector<16xi32>], vector<16xf32>,
        %get3A_582 = arith.index_cast %add3A_579 : i32 to index
        %get3A_583 = arith.constant 0 : index
        %get3A_584 = tpu.vector_load %arg31[%get3A_582, %get3A_583] {strides = array<i32>} : memref<80x256xbf16, #tpu.memory_space<vmem>>, vector<32xbf16>,
        %bitcast3A_585 = vector.bitcast %get3A_584 : vector<32xbf16> to vector<16xi32>
        %shift_left3A_586 = arith.constant 16 : i32
        %shift_left3A_587 = vector.broadcast %shift_left3A_586 : i32 to vector<16xi32>
        %shift_left3A_588 = arith.shli %bitcast3A_585, %shift_left3A_587 : vector<16xi32>
        %bitcast3A_589 = vector.bitcast %shift_left3A_588 : vector<16xi32> to vector<16xf32>
        %and3A_590 = arith.constant -65536 : i32
        %and3A_591 = vector.broadcast %and3A_590 : i32 to vector<16xi32>
        %and3A_592 = arith.andi %bitcast3A_585, %and3A_591 : vector<16xi32>
        %bitcast3A_593 = vector.bitcast %and3A_592 : vector<16xi32> to vector<16xf32>
        %mul3A_594 = arith.mulf %bitcast3A_589, %gather3A_581 : vector<16xf32>
        %swap3A_595 = arith.index_cast %add3A_579 : i32 to index
        %swap3A_596 = arith.constant 0 : index
        %swap3A_597 = tpu.vector_load %arg32[%swap3A_595, %swap3A_596] {strides = array<i32>} : memref<80x256xf32, #tpu.memory_space<vmem>>, vector<16xf32>,
        tpu.vector_store %arg32[%swap3A_595, %swap3A_596], %mul3A_594 {strides = array<i32>} : memref<80x256xf32, #tpu.memory_space<vmem>>, vector<16xf32>,
        %mul3A_598 = arith.mulf %bitcast3A_593, %gather3A_581 : vector<16xf32>
        %swap3A_599 = arith.index_cast %add3A_579 : i32 to index
        %swap3A_600 = arith.constant 16 : index
        %swap3A_601 = tpu.vector_load %arg32[%swap3A_599, %swap3A_600] {strides = array<i32>} : memref<80x256xf32, #tpu.memory_space<vmem>>, vector<16xf32>,
        tpu.vector_store %arg32[%swap3A_599, %swap3A_600], %mul3A_598 {strides = array<i32>} : memref<80x256xf32, #tpu.memory_space<vmem>>, vector<16xf32>,
        %get3A_602 = arith.index_cast %add3A_579 : i32 to index
        %get3A_603 = arith.constant 32 : index
        %get3A_604 = tpu.vector_load %arg31[%get3A_602, %get3A_603] {strides = array<i32>} : memref<80x256xbf16, #tpu.memory_space<vmem>>, vector<32xbf16>,
        %bitcast3A_605 = vector.bitcast %get3A_604 : vector<32xbf16> to vector<16xi32>
        %shift_left3A_606 = arith.constant 16 : i32
        %shift_left3A_607 = vector.broadcast %shift_left3A_606 : i32 to vector<16xi32>
        %shift_left3A_608 = arith.shli %bitcast3A_605, %shift_left3A_607 : vector<16xi32>
        %bitcast3A_609 = vector.bitcast %shift_left3A_608 : vector<16xi32> to vector<16xf32>
        %and3A_610 = arith.constant -65536 : i32
        %and3A_611 = vector.broadcast %and3A_610 : i32 to vector<16xi32>
        %and3A_612 = arith.andi %bitcast3A_605, %and3A_611 : vector<16xi32>
        %bitcast3A_613 = vector.bitcast %and3A_612 : vector<16xi32> to vector<16xf32>
        %mul3A_614 = arith.mulf %bitcast3A_609, %gather3A_581 : vector<16xf32>
        %swap3A_615 = arith.index_cast %add3A_579 : i32 to index
        %swap3A_616 = arith.constant 32 : index
        %swap3A_617 = tpu.vector_load %arg32[%swap3A_615, %swap3A_616] {strides = array<i32>} : memref<80x256xf32, #tpu.memory_space<vmem>>, vector<16xf32>,
        tpu.vector_store %arg32[%swap3A_615, %swap3A_616], %mul3A_614 {strides = array<i32>} : memref<80x256xf32, #tpu.memory_space<vmem>>, vector<16xf32>,
        %mul3A_618 = arith.mulf %bitcast3A_613, %gather3A_581 : vector<16xf32>
        %swap3A_619 = arith.index_cast %add3A_579 : i32 to index
        %swap3A_620 = arith.constant 48 : index
        %swap3A_621 = tpu.vector_load %arg32[%swap3A_619, %swap3A_620] {strides = array<i32>} : memref<80x256xf32, #tpu.memory_space<vmem>>, vector<16xf32>,
        tpu.vector_store %arg32[%swap3A_619, %swap3A_620], %mul3A_618 {strides = array<i32>} : memref<80x256xf32, #tpu.memory_space<vmem>>, vector<16xf32>,
        %get3A_622 = arith.index_cast %add3A_579 : i32 to index
        %get3A_623 = arith.constant 64 : index
        %get3A_624 = tpu.vector_load %arg31[%get3A_622, %get3A_623] {strides = array<i32>} : memref<80x256xbf16, #tpu.memory_space<vmem>>, vector<32xbf16>,
        %bitcast3A_625 = vector.bitcast %get3A_624 : vector<32xbf16> to vector<16xi32>
        %shift_left3A_626 = arith.constant 16 : i32
        %shift_left3A_627 = vector.broadcast %shift_left3A_626 : i32 to vector<16xi32>
        %shift_left3A_628 = arith.shli %bitcast3A_625, %shift_left3A_627 : vector<16xi32>
        %bitcast3A_629 = vector.bitcast %shift_left3A_628 : vector<16xi32> to vector<16xf32>
        %and3A_630 = arith.constant -65536 : i32
        %and3A_631 = vector.broadcast %and3A_630 : i32 to vector<16xi32>
        %and3A_632 = arith.andi %bitcast3A_625, %and3A_631 : vector<16xi32>
        %bitcast3A_633 = vector.bitcast %and3A_632 : vector<16xi32> to vector<16xf32>
        %mul3A_634 = arith.mulf %bitcast3A_629, %gather3A_581 : vector<16xf32>
        %swap3A_635 = arith.index_cast %add3A_579 : i32 to index
        %swap3A_636 = arith.constant 64 : index
        %swap3A_637 = tpu.vector_load %arg32[%swap3A_635, %swap3A_636] {strides = array<i32>} : memref<80x256xf32, #tpu.memory_space<vmem>>, vector<16xf32>,
        tpu.vector_store %arg32[%swap3A_635, %swap3A_636], %mul3A_634 {strides = array<i32>} : memref<80x256xf32, #tpu.memory_space<vmem>>, vector<16xf32>,
        %mul3A_638 = arith.mulf %bitcast3A_633, %gather3A_581 : vector<16xf32>
        %swap3A_639 = arith.index_cast %add3A_579 : i32 to index
        %swap3A_640 = arith.constant 80 : index
        %swap3A_641 = tpu.vector_load %arg32[%swap3A_639, %swap3A_640] {strides = array<i32>} : memref<80x256xf32, #tpu.memory_space<vmem>>, vector<16xf32>,
        tpu.vector_store %arg32[%swap3A_639, %swap3A_640], %mul3A_638 {strides = array<i32>} : memref<80x256xf32, #tpu.memory_space<vmem>>, vector<16xf32>,
        %get3A_642 = arith.index_cast %add3A_579 : i32 to index
        %get3A_643 = arith.constant 96 : index
        %get3A_644 = tpu.vector_load %arg31[%get3A_642, %get3A_643] {strides = array<i32>} : memref<80x256xbf16, #tpu.memory_space<vmem>>, vector<32xbf16>,
        %bitcast3A_645 = vector.bitcast %get3A_644 : vector<32xbf16> to vector<16xi32>
        %shift_left3A_646 = arith.constant 16 : i32
        %shift_left3A_647 = vector.broadcast %shift_left3A_646 : i32 to vector<16xi32>
        %shift_left3A_648 = arith.shli %bitcast3A_645, %shift_left3A_647 : vector<16xi32>
        %bitcast3A_649 = vector.bitcast %shift_left3A_648 : vector<16xi32> to vector<16xf32>
        %and3A_650 = arith.constant -65536 : i32
        %and3A_651 = vector.broadcast %and3A_650 : i32 to vector<16xi32>
        %and3A_652 = arith.andi %bitcast3A_645, %and3A_651 : vector<16xi32>
        %bitcast3A_653 = vector.bitcast %and3A_652 : vector<16xi32> to vector<16xf32>
        %mul3A_654 = arith.mulf %bitcast3A_649, %gather3A_581 : vector<16xf32>
        %swap3A_655 = arith.index_cast %add3A_579 : i32 to index
        %swap3A_656 = arith.constant 96 : index
        %swap3A_657 = tpu.vector_load %arg32[%swap3A_655, %swap3A_656] {strides = array<i32>} : memref<80x256xf32, #tpu.memory_space<vmem>>, vector<16xf32>,
        tpu.vector_store %arg32[%swap3A_655, %swap3A_656], %mul3A_654 {strides = array<i32>} : memref<80x256xf32, #tpu.memory_space<vmem>>, vector<16xf32>,
        %mul3A_658 = arith.mulf %bitcast3A_653, %gather3A_581 : vector<16xf32>
        %swap3A_659 = arith.index_cast %add3A_579 : i32 to index
        %swap3A_660 = arith.constant 112 : index
        %swap3A_661 = tpu.vector_load %arg32[%swap3A_659, %swap3A_660] {strides = array<i32>} : memref<80x256xf32, #tpu.memory_space<vmem>>, vector<16xf32>,
        tpu.vector_store %arg32[%swap3A_659, %swap3A_660], %mul3A_658 {strides = array<i32>} : memref<80x256xf32, #tpu.memory_space<vmem>>, vector<16xf32>,
        %get3A_662 = arith.index_cast %add3A_579 : i32 to index
        %get3A_663 = arith.constant 128 : index
        %get3A_664 = tpu.vector_load %arg31[%get3A_662, %get3A_663] {strides = array<i32>} : memref<80x256xbf16, #tpu.memory_space<vmem>>, vector<32xbf16>,
        %bitcast3A_665 = vector.bitcast %get3A_664 : vector<32xbf16> to vector<16xi32>
        %shift_left3A_666 = arith.constant 16 : i32
        %shift_left3A_667 = vector.broadcast %shift_left3A_666 : i32 to vector<16xi32>
        %shift_left3A_668 = arith.shli %bitcast3A_665, %shift_left3A_667 : vector<16xi32>
        %bitcast3A_669 = vector.bitcast %shift_left3A_668 : vector<16xi32> to vector<16xf32>
        %and3A_670 = arith.constant -65536 : i32
        %and3A_671 = vector.broadcast %and3A_670 : i32 to vector<16xi32>
        %and3A_672 = arith.andi %bitcast3A_665, %and3A_671 : vector<16xi32>
        %bitcast3A_673 = vector.bitcast %and3A_672 : vector<16xi32> to vector<16xf32>
        %mul3A_674 = arith.mulf %bitcast3A_669, %gather3A_581 : vector<16xf32>
        %swap3A_675 = arith.index_cast %add3A_579 : i32 to index
        %swap3A_676 = arith.constant 128 : index
        %swap3A_677 = tpu.vector_load %arg32[%swap3A_675, %swap3A_676] {strides = array<i32>} : memref<80x256xf32, #tpu.memory_space<vmem>>, vector<16xf32>,
        tpu.vector_store %arg32[%swap3A_675, %swap3A_676], %mul3A_674 {strides = array<i32>} : memref<80x256xf32, #tpu.memory_space<vmem>>, vector<16xf32>,
        %mul3A_678 = arith.mulf %bitcast3A_673, %gather3A_581 : vector<16xf32>
        %swap3A_679 = arith.index_cast %add3A_579 : i32 to index
        %swap3A_680 = arith.constant 144 : index
        %swap3A_681 = tpu.vector_load %arg32[%swap3A_679, %swap3A_680] {strides = array<i32>} : memref<80x256xf32, #tpu.memory_space<vmem>>, vector<16xf32>,
        tpu.vector_store %arg32[%swap3A_679, %swap3A_680], %mul3A_678 {strides = array<i32>} : memref<80x256xf32, #tpu.memory_space<vmem>>, vector<16xf32>,
        %get3A_682 = arith.index_cast %add3A_579 : i32 to index
        %get3A_683 = arith.constant 160 : index
        %get3A_684 = tpu.vector_load %arg31[%get3A_682, %get3A_683] {strides = array<i32>} : memref<80x256xbf16, #tpu.memory_space<vmem>>, vector<32xbf16>,
        %bitcast3A_685 = vector.bitcast %get3A_684 : vector<32xbf16> to vector<16xi32>
        %shift_left3A_686 = arith.constant 16 : i32
        %shift_left3A_687 = vector.broadcast %shift_left3A_686 : i32 to vector<16xi32>
        %shift_left3A_688 = arith.shli %bitcast3A_685, %shift_left3A_687 : vector<16xi32>
        %bitcast3A_689 = vector.bitcast %shift_left3A_688 : vector<16xi32> to vector<16xf32>
        %and3A_690 = arith.constant -65536 : i32
        %and3A_691 = vector.broadcast %and3A_690 : i32 to vector<16xi32>
        %and3A_692 = arith.andi %bitcast3A_685, %and3A_691 : vector<16xi32>
        %bitcast3A_693 = vector.bitcast %and3A_692 : vector<16xi32> to vector<16xf32>
        %mul3A_694 = arith.mulf %bitcast3A_689, %gather3A_581 : vector<16xf32>
        %swap3A_695 = arith.index_cast %add3A_579 : i32 to index
        %swap3A_696 = arith.constant 160 : index
        %swap3A_697 = tpu.vector_load %arg32[%swap3A_695, %swap3A_696] {strides = array<i32>} : memref<80x256xf32, #tpu.memory_space<vmem>>, vector<16xf32>,
        tpu.vector_store %arg32[%swap3A_695, %swap3A_696], %mul3A_694 {strides = array<i32>} : memref<80x256xf32, #tpu.memory_space<vmem>>, vector<16xf32>,
        %mul3A_698 = arith.mulf %bitcast3A_693, %gather3A_581 : vector<16xf32>
        %swap3A_699 = arith.index_cast %add3A_579 : i32 to index
        %swap3A_700 = arith.constant 176 : index
        %swap3A_701 = tpu.vector_load %arg32[%swap3A_699, %swap3A_700] {strides = array<i32>} : memref<80x256xf32, #tpu.memory_space<vmem>>, vector<16xf32>,
        tpu.vector_store %arg32[%swap3A_699, %swap3A_700], %mul3A_698 {strides = array<i32>} : memref<80x256xf32, #tpu.memory_space<vmem>>, vector<16xf32>,
        %get3A_702 = arith.index_cast %add3A_579 : i32 to index
        %get3A_703 = arith.constant 192 : index
        %get3A_704 = tpu.vector_load %arg31[%get3A_702, %get3A_703] {strides = array<i32>} : memref<80x256xbf16, #tpu.memory_space<vmem>>, vector<32xbf16>,
        %bitcast3A_705 = vector.bitcast %get3A_704 : vector<32xbf16> to vector<16xi32>
        %shift_left3A_706 = arith.constant 16 : i32
        %shift_left3A_707 = vector.broadcast %shift_left3A_706 : i32 to vector<16xi32>
        %shift_left3A_708 = arith.shli %bitcast3A_705, %shift_left3A_707 : vector<16xi32>
        %bitcast3A_709 = vector.bitcast %shift_left3A_708 : vector<16xi32> to vector<16xf32>
        %and3A_710 = arith.constant -65536 : i32
        %and3A_711 = vector.broadcast %and3A_710 : i32 to vector<16xi32>
        %and3A_712 = arith.andi %bitcast3A_705, %and3A_711 : vector<16xi32>
        %bitcast3A_713 = vector.bitcast %and3A_712 : vector<16xi32> to vector<16xf32>
        %mul3A_714 = arith.mulf %bitcast3A_709, %gather3A_581 : vector<16xf32>
        %swap3A_715 = arith.index_cast %add3A_579 : i32 to index
        %swap3A_716 = arith.constant 192 : index
        %swap3A_717 = tpu.vector_load %arg32[%swap3A_715, %swap3A_716] {strides = array<i32>} : memref<80x256xf32, #tpu.memory_space<vmem>>, vector<16xf32>,
        tpu.vector_store %arg32[%swap3A_715, %swap3A_716], %mul3A_714 {strides = array<i32>} : memref<80x256xf32, #tpu.memory_space<vmem>>, vector<16xf32>,
        %mul3A_718 = arith.mulf %bitcast3A_713, %gather3A_581 : vector<16xf32>
        %swap3A_719 = arith.index_cast %add3A_579 : i32 to index
        %swap3A_720 = arith.constant 208 : index
        %swap3A_721 = tpu.vector_load %arg32[%swap3A_719, %swap3A_720] {strides = array<i32>} : memref<80x256xf32, #tpu.memory_space<vmem>>, vector<16xf32>,
        tpu.vector_store %arg32[%swap3A_719, %swap3A_720], %mul3A_718 {strides = array<i32>} : memref<80x256xf32, #tpu.memory_space<vmem>>, vector<16xf32>,
        %get3A_722 = arith.index_cast %add3A_579 : i32 to index
        %get3A_723 = arith.constant 224 : index
        %get3A_724 = tpu.vector_load %arg31[%get3A_722, %get3A_723] {strides = array<i32>} : memref<80x256xbf16, #tpu.memory_space<vmem>>, vector<32xbf16>,
        %bitcast3A_725 = vector.bitcast %get3A_724 : vector<32xbf16> to vector<16xi32>
        %shift_left3A_726 = arith.constant 16 : i32
        %shift_left3A_727 = vector.broadcast %shift_left3A_726 : i32 to vector<16xi32>
        %shift_left3A_728 = arith.shli %bitcast3A_725, %shift_left3A_727 : vector<16xi32>
        %bitcast3A_729 = vector.bitcast %shift_left3A_728 : vector<16xi32> to vector<16xf32>
        %and3A_730 = arith.constant -65536 : i32
        %and3A_731 = vector.broadcast %and3A_730 : i32 to vector<16xi32>
        %and3A_732 = arith.andi %bitcast3A_725, %and3A_731 : vector<16xi32>
        %bitcast3A_733 = vector.bitcast %and3A_732 : vector<16xi32> to vector<16xf32>
        %mul3A_734 = arith.mulf %bitcast3A_729, %gather3A_581 : vector<16xf32>
        %swap3A_735 = arith.index_cast %add3A_579 : i32 to index
        %swap3A_736 = arith.constant 224 : index
        %swap3A_737 = tpu.vector_load %arg32[%swap3A_735, %swap3A_736] {strides = array<i32>} : memref<80x256xf32, #tpu.memory_space<vmem>>, vector<16xf32>,
        tpu.vector_store %arg32[%swap3A_735, %swap3A_736], %mul3A_734 {strides = array<i32>} : memref<80x256xf32, #tpu.memory_space<vmem>>, vector<16xf32>,
        %mul3A_738 = arith.mulf %bitcast3A_733, %gather3A_581 : vector<16xf32>
        %swap3A_739 = arith.index_cast %add3A_579 : i32 to index
        %swap3A_740 = arith.constant 240 : index
        %swap3A_741 = tpu.vector_load %arg32[%swap3A_739, %swap3A_740] {strides = array<i32>} : memref<80x256xf32, #tpu.memory_space<vmem>>, vector<16xf32>,
        tpu.vector_store %arg32[%swap3A_739, %swap3A_740], %mul3A_738 {strides = array<i32>} : memref<80x256xf32, #tpu.memory_space<vmem>>, vector<16xf32>,
        %scan3A_742 = arith.constant 0 : i32
        scf.yield %scan3A_742 : i32
      }
      %scan3A_403 = arith.constant 40 : i32
      %dma_start3A_404 = arith.constant 0 : i32
      %dma_start3A_405 = arith.constant 0 : i32
      %dma_start3A_406 = tpu.memref_slice %arg33[%dma_start3A_404, %dma_start3A_405] : memref<2048x256xf32, #tpu.memory_space<vmem_shared>> -> memref<2048x256xf32, #tpu.memory_space<vmem_shared>>
      tpu.enqueue_indirect_dma source(%arg32 : memref<80x256xf32, #tpu.memory_space<vmem>>) target(%dma_start3A_406 : memref<2048x256xf32, #tpu.memory_space<vmem_shared>>) offsets(%arg28 : memref<80xi32, #tpu.memory_space<vmem>>) semaphore(%arg40 : memref<!tpu.dma_semaphore, #tpu.memory_space<semaphore_mem>>) {add = true}
      %dma_start3A_407 = arith.constant 0 : i32
      %dma_start3A_408 = arith.constant 0 : i32
      %dma_start3A_409 = tpu.memref_slice %arg34[%dma_start3A_407, %dma_start3A_408] : memref<2048x16xf32, #tpu.memory_space<vmem_shared>> -> memref<2048x16xf32, #tpu.memory_space<vmem_shared>>
      tpu.enqueue_indirect_dma source(%arg30 : memref<80x16xf32, #tpu.memory_space<vmem>>) target(%dma_start3A_409 : memref<2048x16xf32, #tpu.memory_space<vmem_shared>>) offsets(%arg28 : memref<80xi32, #tpu.memory_space<vmem>>) semaphore(%arg40 : memref<!tpu.dma_semaphore, #tpu.memory_space<semaphore_mem>>) {add = true}
      %scan3A_410 = arith.constant 0 : i32
      scf.yield %scan3A_410 : i32
    }
    %scan3A_70 = arith.constant 62 : i32
    %dma_wait3A_71 = arith.constant 0 : i32
    %dma_wait3A_72 = arith.constant 0 : i32
    %dma_wait3A_73 = tpu.memref_slice %arg9[%dma_wait3A_71, %dma_wait3A_72] : memref<10000x256xbf16, #tpu.memory_space<hbm>> -> memref<10000x256xbf16, #tpu.memory_space<hbm>>
    tpu.wait_indirect_dma semaphore(%arg37 : memref<!tpu.dma_semaphore, #tpu.memory_space<semaphore_mem>>) src(%dma_wait3A_73 : memref<10000x256xbf16, #tpu.memory_space<hbm>>) dst(%arg24 : memref<80x256xbf16, #tpu.memory_space<vmem>>)
    %dma_wait3A_74 = arith.constant 0 : i32
    %dma_wait3A_75 = tpu.memref_slice %arg2[%dma_wait3A_74] : memref<320512xi32, #tpu.memory_space<hbm>> -> memref<80xi32, #tpu.memory_space<hbm>>
    %dma_wait3A_76 = arith.constant 0 : i32
    %dma_wait3A_77 = tpu.memref_slice %arg2[%dma_wait3A_76] : memref<320512xi32, #tpu.memory_space<hbm>> -> memref<80xi32, #tpu.memory_space<hbm>>
    tpu.wait_dma2 semaphore(%arg36 : memref<!tpu.dma_semaphore, #tpu.memory_space<semaphore_mem>>) src(%dma_wait3A_77 : memref<80xi32, #tpu.memory_space<hbm>>) dst(%arg26 : memref<80xi32, #tpu.memory_space<vmem>>)
    %dma_wait3A_78 = arith.constant 0 : i32
    %dma_wait3A_79 = tpu.memref_slice %arg3[%dma_wait3A_78] : memref<320512xi32, #tpu.memory_space<hbm>> -> memref<80xi32, #tpu.memory_space<hbm>>
    %dma_wait3A_80 = arith.constant 0 : i32
    %dma_wait3A_81 = tpu.memref_slice %arg3[%dma_wait3A_80] : memref<320512xi32, #tpu.memory_space<hbm>> -> memref<80xi32, #tpu.memory_space<hbm>>
    tpu.wait_dma2 semaphore(%arg36 : memref<!tpu.dma_semaphore, #tpu.memory_space<semaphore_mem>>) src(%dma_wait3A_81 : memref<80xi32, #tpu.memory_space<hbm>>) dst(%arg27 : memref<80xi32, #tpu.memory_space<vmem>>)
    %dma_wait3A_82 = arith.constant 0 : i32
    %dma_wait3A_83 = arith.constant 0 : i32
    %dma_wait3A_84 = tpu.memref_slice %arg33[%dma_wait3A_82, %dma_wait3A_83] : memref<2048x256xf32, #tpu.memory_space<vmem_shared>> -> memref<2048x256xf32, #tpu.memory_space<vmem_shared>>
    tpu.wait_indirect_dma semaphore(%arg40 : memref<!tpu.dma_semaphore, #tpu.memory_space<semaphore_mem>>) src(%arg32 : memref<80x256xf32, #tpu.memory_space<vmem>>) dst(%dma_wait3A_84 : memref<2048x256xf32, #tpu.memory_space<vmem_shared>>)
    %dma_wait3A_85 = arith.constant 0 : i32
    %dma_wait3A_86 = arith.constant 0 : i32
    %dma_wait3A_87 = tpu.memref_slice %arg34[%dma_wait3A_85, %dma_wait3A_86] : memref<2048x16xf32, #tpu.memory_space<vmem_shared>> -> memref<2048x16xf32, #tpu.memory_space<vmem_shared>>
    tpu.wait_indirect_dma semaphore(%arg40 : memref<!tpu.dma_semaphore, #tpu.memory_space<semaphore_mem>>) src(%arg30 : memref<80x16xf32, #tpu.memory_space<vmem>>) dst(%dma_wait3A_87 : memref<2048x16xf32, #tpu.memory_space<vmem_shared>>)
    %barrier3A_88 = arith.constant 0 : index
    tpu.barrier barrier_id(%barrier3A_88)
    %mul3A_89 = arith.constant 2048 : i32
    %mul3A_90 = arith.muli %arg0, %mul3A_89 : i32
    %add3A_91 = arith.addi %mul3A_90, %mul3A_23 : i32
    "tpu.region"() ({
      %run_scoped3A = tpu.sem_alloc : memref<!tpu.dma_semaphore, #tpu.memory_space<semaphore_mem>>
      %dma_start3A_96 = arith.constant 0 : i32
      %dma_start3A_97 = tpu.memref_slice %arg33[%mul3A_23, %dma_start3A_96] : memref<2048x256xf32, #tpu.memory_space<vmem_shared>> -> memref<80x256xf32, #tpu.memory_space<vmem_shared>>
      %dma_start3A_98 = arith.constant 0 : i32
      %dma_start3A_99 = tpu.memref_slice %arg33[%mul3A_23, %dma_start3A_98] : memref<2048x256xf32, #tpu.memory_space<vmem_shared>> -> memref<80x256xf32, #tpu.memory_space<vmem_shared>>
      tpu.enqueue_dma source(%dma_start3A_99 : memref<80x256xf32, #tpu.memory_space<vmem_shared>>) target(%arg25 : memref<80x256xf32, #tpu.memory_space<vmem>>) target_semaphore(%run_scoped3A : memref<!tpu.dma_semaphore, #tpu.memory_space<semaphore_mem>>)
      %dma_wait3A_100 = arith.constant 0 : i32
      %dma_wait3A_101 = tpu.memref_slice %arg33[%mul3A_23, %dma_wait3A_100] : memref<2048x256xf32, #tpu.memory_space<vmem_shared>> -> memref<80x256xf32, #tpu.memory_space<vmem_shared>>
      %dma_wait3A_102 = arith.constant 0 : i32
      %dma_wait3A_103 = tpu.memref_slice %arg33[%mul3A_23, %dma_wait3A_102] : memref<2048x256xf32, #tpu.memory_space<vmem_shared>> -> memref<80x256xf32, #tpu.memory_space<vmem_shared>>
      tpu.wait_dma2 semaphore(%run_scoped3A : memref<!tpu.dma_semaphore, #tpu.memory_space<semaphore_mem>>) src(%dma_wait3A_103 : memref<80x256xf32, #tpu.memory_space<vmem_shared>>) dst(%arg25 : memref<80x256xf32, #tpu.memory_space<vmem>>)
      tpu.yield
    }) : () -> ()
    "tpu.region"() ({
      %run_scoped3A = tpu.sem_alloc : memref<!tpu.dma_semaphore, #tpu.memory_space<semaphore_mem>>
      %dma_start3A_96 = arith.constant 0 : i32
      %dma_start3A_97 = tpu.memref_slice %arg10[%add3A_91, %dma_start3A_96] : memref<4096x256xf32, #tpu.memory_space<hbm>> -> memref<80x256xf32, #tpu.memory_space<hbm>>
      %dma_start3A_98 = arith.constant 0 : i32
      %dma_start3A_99 = tpu.memref_slice %arg10[%add3A_91, %dma_start3A_98] : memref<4096x256xf32, #tpu.memory_space<hbm>> -> memref<80x256xf32, #tpu.memory_space<hbm>>
      tpu.enqueue_dma source(%arg25 : memref<80x256xf32, #tpu.memory_space<vmem>>) target(%dma_start3A_99 : memref<80x256xf32, #tpu.memory_space<hbm>>) target_semaphore(%run_scoped3A : memref<!tpu.dma_semaphore, #tpu.memory_space<semaphore_mem>>)
      %dma_wait3A_100 = arith.constant 0 : i32
      %dma_wait3A_101 = tpu.memref_slice %arg10[%add3A_91, %dma_wait3A_100] : memref<4096x256xf32, #tpu.memory_space<hbm>> -> memref<80x256xf32, #tpu.memory_space<hbm>>
      %dma_wait3A_102 = arith.constant 0 : i32
      %dma_wait3A_103 = tpu.memref_slice %arg10[%add3A_91, %dma_wait3A_102] : memref<4096x256xf32, #tpu.memory_space<hbm>> -> memref<80x256xf32, #tpu.memory_space<hbm>>
      tpu.wait_dma2 semaphore(%run_scoped3A : memref<!tpu.dma_semaphore, #tpu.memory_space<semaphore_mem>>) src(%arg25 : memref<80x256xf32, #tpu.memory_space<vmem>>) dst(%dma_wait3A_103 : memref<80x256xf32, #tpu.memory_space<hbm>>)
      tpu.yield
    }) : () -> ()
    %add3A_92 = arith.constant 80 : i32
    %add3A_93 = arith.addi %mul3A_23, %add3A_92 : i32
    "tpu.region"() ({
      %run_scoped3A = tpu.sem_alloc : memref<!tpu.dma_semaphore, #tpu.memory_space<semaphore_mem>>
      %dma_start3A_96 = arith.constant 0 : i32
      %dma_start3A_97 = arith.constant 0 : i32
      %dma_start3A_98 = tpu.memref_slice %arg32[%dma_start3A_96, %dma_start3A_97] : memref<80x256xf32, #tpu.memory_space<vmem>> -> memref<48x256xf32, #tpu.memory_space<vmem>>
      %dma_start3A_99 = arith.constant 0 : i32
      %dma_start3A_100 = tpu.memref_slice %arg33[%add3A_93, %dma_start3A_99] : memref<2048x256xf32, #tpu.memory_space<vmem_shared>> -> memref<48x256xf32, #tpu.memory_space<vmem_shared>>
      %dma_start3A_101 = arith.constant 0 : i32
      %dma_start3A_102 = arith.constant 0 : i32
      %dma_start3A_103 = tpu.memref_slice %arg32[%dma_start3A_101, %dma_start3A_102] : memref<80x256xf32, #tpu.memory_space<vmem>> -> memref<48x256xf32, #tpu.memory_space<vmem>>
      %dma_start3A_104 = arith.constant 0 : i32
      %dma_start3A_105 = tpu.memref_slice %arg33[%add3A_93, %dma_start3A_104] : memref<2048x256xf32, #tpu.memory_space<vmem_shared>> -> memref<48x256xf32, #tpu.memory_space<vmem_shared>>
      tpu.enqueue_dma source(%dma_start3A_105 : memref<48x256xf32, #tpu.memory_space<vmem_shared>>) target(%dma_start3A_103 : memref<48x256xf32, #tpu.memory_space<vmem>>) target_semaphore(%run_scoped3A : memref<!tpu.dma_semaphore, #tpu.memory_space<semaphore_mem>>)
      %dma_wait3A_106 = arith.constant 0 : i32
      %dma_wait3A_107 = arith.constant 0 : i32
      %dma_wait3A_108 = tpu.memref_slice %arg32[%dma_wait3A_106, %dma_wait3A_107] : memref<80x256xf32, #tpu.memory_space<vmem>> -> memref<48x256xf32, #tpu.memory_space<vmem>>
      %dma_wait3A_109 = arith.constant 0 : i32
      %dma_wait3A_110 = tpu.memref_slice %arg33[%add3A_93, %dma_wait3A_109] : memref<2048x256xf32, #tpu.memory_space<vmem_shared>> -> memref<48x256xf32, #tpu.memory_space<vmem_shared>>
      %dma_wait3A_111 = arith.constant 0 : i32
      %dma_wait3A_112 = arith.constant 0 : i32
      %dma_wait3A_113 = tpu.memref_slice %arg32[%dma_wait3A_111, %dma_wait3A_112] : memref<80x256xf32, #tpu.memory_space<vmem>> -> memref<48x256xf32, #tpu.memory_space<vmem>>
      %dma_wait3A_114 = arith.constant 0 : i32
      %dma_wait3A_115 = tpu.memref_slice %arg33[%add3A_93, %dma_wait3A_114] : memref<2048x256xf32, #tpu.memory_space<vmem_shared>> -> memref<48x256xf32, #tpu.memory_space<vmem_shared>>
      tpu.wait_dma2 semaphore(%run_scoped3A : memref<!tpu.dma_semaphore, #tpu.memory_space<semaphore_mem>>) src(%dma_wait3A_115 : memref<48x256xf32, #tpu.memory_space<vmem_shared>>) dst(%dma_wait3A_113 : memref<48x256xf32, #tpu.memory_space<vmem>>)
      tpu.yield
    }) : () -> ()
    %add3A_94 = arith.constant 80 : i32
    %add3A_95 = arith.addi %add3A_91, %add3A_94 : i32
    "tpu.region"() ({
      %run_scoped3A = tpu.sem_alloc : memref<!tpu.dma_semaphore, #tpu.memory_space<semaphore_mem>>
      %dma_start3A_96 = arith.constant 0 : i32
      %dma_start3A_97 = arith.constant 0 : i32
      %dma_start3A_98 = tpu.memref_slice %arg32[%dma_start3A_96, %dma_start3A_97] : memref<80x256xf32, #tpu.memory_space<vmem>> -> memref<48x256xf32, #tpu.memory_space<vmem>>
      %dma_start3A_99 = arith.constant 0 : i32
      %dma_start3A_100 = tpu.memref_slice %arg10[%add3A_95, %dma_start3A_99] : memref<4096x256xf32, #tpu.memory_space<hbm>> -> memref<48x256xf32, #tpu.memory_space<hbm>>
      %dma_start3A_101 = arith.constant 0 : i32
      %dma_start3A_102 = tpu.memref_slice %arg10[%add3A_95, %dma_start3A_101] : memref<4096x256xf32, #tpu.memory_space<hbm>> -> memref<48x256xf32, #tpu.memory_space<hbm>>
      %dma_start3A_103 = arith.constant 0 : i32
      %dma_start3A_104 = arith.constant 0 : i32
      %dma_start3A_105 = tpu.memref_slice %arg32[%dma_start3A_103, %dma_start3A_104] : memref<80x256xf32, #tpu.memory_space<vmem>> -> memref<48x256xf32, #tpu.memory_space<vmem>>
      tpu.enqueue_dma source(%dma_start3A_105 : memref<48x256xf32, #tpu.memory_space<vmem>>) target(%dma_start3A_102 : memref<48x256xf32, #tpu.memory_space<hbm>>) target_semaphore(%run_scoped3A : memref<!tpu.dma_semaphore, #tpu.memory_space<semaphore_mem>>)
      %dma_wait3A_106 = arith.constant 0 : i32
      %dma_wait3A_107 = arith.constant 0 : i32
      %dma_wait3A_108 = tpu.memref_slice %arg32[%dma_wait3A_106, %dma_wait3A_107] : memref<80x256xf32, #tpu.memory_space<vmem>> -> memref<48x256xf32, #tpu.memory_space<vmem>>
      %dma_wait3A_109 = arith.constant 0 : i32
      %dma_wait3A_110 = tpu.memref_slice %arg10[%add3A_95, %dma_wait3A_109] : memref<4096x256xf32, #tpu.memory_space<hbm>> -> memref<48x256xf32, #tpu.memory_space<hbm>>
      %dma_wait3A_111 = arith.constant 0 : i32
      %dma_wait3A_112 = tpu.memref_slice %arg10[%add3A_95, %dma_wait3A_111] : memref<4096x256xf32, #tpu.memory_space<hbm>> -> memref<48x256xf32, #tpu.memory_space<hbm>>
      %dma_wait3A_113 = arith.constant 0 : i32
      %dma_wait3A_114 = arith.constant 0 : i32
      %dma_wait3A_115 = tpu.memref_slice %arg32[%dma_wait3A_113, %dma_wait3A_114] : memref<80x256xf32, #tpu.memory_space<vmem>> -> memref<48x256xf32, #tpu.memory_space<vmem>>
      tpu.wait_dma2 semaphore(%run_scoped3A : memref<!tpu.dma_semaphore, #tpu.memory_space<semaphore_mem>>) src(%dma_wait3A_115 : memref<48x256xf32, #tpu.memory_space<vmem>>) dst(%dma_wait3A_112 : memref<48x256xf32, #tpu.memory_space<hbm>>)
      tpu.yield
    }) : () -> ()
    "tpu.region"() ({
      %run_scoped3A = tpu.sem_alloc : memref<!tpu.dma_semaphore, #tpu.memory_space<semaphore_mem>>
      %dma_start3A_96 = arith.constant 0 : i32
      %dma_start3A_97 = tpu.memref_slice %arg34[%mul3A_23, %dma_start3A_96] : memref<2048x16xf32, #tpu.memory_space<vmem_shared>> -> memref<128x16xf32, #tpu.memory_space<vmem_shared>>
      %dma_start3A_98 = arith.constant 0 : i32
      %dma_start3A_99 = tpu.memref_slice %arg34[%mul3A_23, %dma_start3A_98] : memref<2048x16xf32, #tpu.memory_space<vmem_shared>> -> memref<128x16xf32, #tpu.memory_space<vmem_shared>>
      tpu.enqueue_dma source(%dma_start3A_99 : memref<128x16xf32, #tpu.memory_space<vmem_shared>>) target(%arg16 : memref<128x16xf32, #tpu.memory_space<vmem>>) target_semaphore(%run_scoped3A : memref<!tpu.dma_semaphore, #tpu.memory_space<semaphore_mem>>)
      %dma_wait3A_100 = arith.constant 0 : i32
      %dma_wait3A_101 = tpu.memref_slice %arg34[%mul3A_23, %dma_wait3A_100] : memref<2048x16xf32, #tpu.memory_space<vmem_shared>> -> memref<128x16xf32, #tpu.memory_space<vmem_shared>>
      %dma_wait3A_102 = arith.constant 0 : i32
      %dma_wait3A_103 = tpu.memref_slice %arg34[%mul3A_23, %dma_wait3A_102] : memref<2048x16xf32, #tpu.memory_space<vmem_shared>> -> memref<128x16xf32, #tpu.memory_space<vmem_shared>>
      tpu.wait_dma2 semaphore(%run_scoped3A : memref<!tpu.dma_semaphore, #tpu.memory_space<semaphore_mem>>) src(%dma_wait3A_103 : memref<128x16xf32, #tpu.memory_space<vmem_shared>>) dst(%arg16 : memref<128x16xf32, #tpu.memory_space<vmem>>)
      tpu.yield
    }) : () -> ()
    "tpu.region"() ({
      %run_scoped3A = tpu.sem_alloc : memref<!tpu.dma_semaphore, #tpu.memory_space<semaphore_mem>>
      %dma_start3A_96 = arith.constant 0 : i32
      %dma_start3A_97 = tpu.memref_slice %arg11[%add3A_91, %dma_start3A_96] : memref<4096x16xf32, #tpu.memory_space<hbm>> -> memref<128x16xf32, #tpu.memory_space<hbm>>
      %dma_start3A_98 = arith.constant 0 : i32
      %dma_start3A_99 = tpu.memref_slice %arg11[%add3A_91, %dma_start3A_98] : memref<4096x16xf32, #tpu.memory_space<hbm>> -> memref<128x16xf32, #tpu.memory_space<hbm>>
      tpu.enqueue_dma source(%arg16 : memref<128x16xf32, #tpu.memory_space<vmem>>) target(%dma_start3A_99 : memref<128x16xf32, #tpu.memory_space<hbm>>) target_semaphore(%run_scoped3A : memref<!tpu.dma_semaphore, #tpu.memory_space<semaphore_mem>>)
      %dma_wait3A_100 = arith.constant 0 : i32
      %dma_wait3A_101 = tpu.memref_slice %arg11[%add3A_91, %dma_wait3A_100] : memref<4096x16xf32, #tpu.memory_space<hbm>> -> memref<128x16xf32, #tpu.memory_space<hbm>>
      %dma_wait3A_102 = arith.constant 0 : i32
      %dma_wait3A_103 = tpu.memref_slice %arg11[%add3A_91, %dma_wait3A_102] : memref<4096x16xf32, #tpu.memory_space<hbm>> -> memref<128x16xf32, #tpu.memory_space<hbm>>
      tpu.wait_dma2 semaphore(%run_scoped3A : memref<!tpu.dma_semaphore, #tpu.memory_space<semaphore_mem>>) src(%arg16 : memref<128x16xf32, #tpu.memory_space<vmem>>) dst(%dma_wait3A_103 : memref<128x16xf32, #tpu.memory_space<hbm>>)
      tpu.yield
    }) : () -> ()
    return
  }
}

module attributes {stable_mosaic.version = 14 : i64} {
  func.func @_k1_body(%arg0: i32, %arg1: memref<2000x128xf32, #tpu.memory_space<vmem>>, %arg2: memref<128x256xf32, #tpu.memory_space<vmem>>, %arg3: memref<1x256xf32, #tpu.memory_space<vmem>>, %arg4: memref<1x256xf32, #tpu.memory_space<vmem>>, %arg5: memref<2000x256xf32, #tpu.memory_space<vmem>>, %arg6: memref<1x1x2000xf32, #tpu.memory_space<vmem>>, %arg7: memref<1x1x2000xf32, #tpu.memory_space<vmem>>, %arg8: memref<1x128xf32, #tpu.memory_space<vmem>>, %arg9: memref<1x128xf32, #tpu.memory_space<vmem>>) attributes {dimension_semantics = [#tpu.dimension_semantics<arbitrary>], iteration_bounds = array<i64: 5>, scalar_prefetch = 0 : i64, scratch_operands = 0 : i64, tpu.core_type = #tpu.core_type<tc>, window_params = [{transform_indices = @transform_0, window_bounds = array<i64: 2000, 128>}, {pipeline_mode = #tpu.pipeline_mode<synchronous>, transform_indices = @transform_1, window_bounds = array<i64: 128, 256>}, {pipeline_mode = #tpu.pipeline_mode<synchronous>, transform_indices = @transform_2, window_bounds = array<i64: 1, 256>}, {pipeline_mode = #tpu.pipeline_mode<synchronous>, transform_indices = @transform_3, window_bounds = array<i64: 1, 256>}, {transform_indices = @transform_4, window_bounds = array<i64: 2000, 256>}, {transform_indices = @transform_5, window_bounds = array<i64: 1, 1, 2000>}, {transform_indices = @transform_6, window_bounds = array<i64: 1, 1, 2000>}, {pipeline_mode = #tpu.pipeline_mode<synchronous>, transform_indices = @transform_7, window_bounds = array<i64: 1, 128>}, {pipeline_mode = #tpu.pipeline_mode<synchronous>, transform_indices = @transform_8, window_bounds = array<i64: 1, 128>}]} {
    %get3A = arith.constant 0 : index
    %get3A_0 = arith.constant 0 : index
    %get3A_1 = vector.load %arg1[%get3A, %get3A_0] : memref<2000x128xf32, #tpu.memory_space<vmem>>, vector<2000x128xf32>
    %get3A_2 = arith.constant 0 : index
    %get3A_3 = arith.constant 0 : index
    %get3A_4 = vector.load %arg2[%get3A_2, %get3A_3] : memref<128x256xf32, #tpu.memory_space<vmem>>, vector<128x256xf32>
    %dot_general3A = arith.constant dense<0.000000e+00> : vector<2000x256xf32>
    %dot_general3A_5 = tpu.matmul %get3A_1, %get3A_4, %dot_general3A {dimension_numbers = #tpu.dot_dimension_numbers<[1], [0], [0], [1], [0, 0, 1, 1], [], []>, transpose_lhs_hint = false} : vector<2000x128xf32>, vector<128x256xf32>, vector<2000x256xf32> -> vector<2000x256xf32>
    %swap3A = arith.constant 0 : index
    %swap3A_6 = arith.constant 0 : index
    %swap3A_7 = vector.load %arg5[%swap3A, %swap3A_6] : memref<2000x256xf32, #tpu.memory_space<vmem>>, vector<2000x256xf32>
    tpu.vector_store %arg5[%swap3A, %swap3A_6], %dot_general3A_5 {strides = array<i32>} : memref<2000x256xf32, #tpu.memory_space<vmem>>, vector<2000x256xf32>,
    %get3A_8 = arith.constant 0 : index
    %get3A_9 = arith.constant 0 : index
    %get3A_10 = vector.load %arg3[%get3A_8, %get3A_9] : memref<1x256xf32, #tpu.memory_space<vmem>>, vector<1x256xf32>
    %get3A_11 = vector.shape_cast %get3A_10 : vector<1x256xf32> to vector<256xf32>
    %dot_general3A_12 = arith.constant dense<0.000000e+00> : vector<2000xf32>
    %dot_general3A_13 = tpu.matmul %dot_general3A_5, %get3A_11, %dot_general3A_12 {dimension_numbers = #tpu.dot_dimension_numbers<[1], [0], [0], [], [0, 0], [], []>, transpose_lhs_hint = false} : vector<2000x256xf32>, vector<256xf32>, vector<2000xf32> -> vector<2000xf32>
    %get3A_14 = arith.constant 0 : index
    %get3A_15 = arith.constant 0 : index
    %get3A_16 = vector.load %arg4[%get3A_14, %get3A_15] : memref<1x256xf32, #tpu.memory_space<vmem>>, vector<1x256xf32>
    %get3A_17 = vector.shape_cast %get3A_16 : vector<1x256xf32> to vector<256xf32>
    %dot_general3A_18 = arith.constant dense<0.000000e+00> : vector<2000xf32>
    %dot_general3A_19 = tpu.matmul %dot_general3A_5, %get3A_17, %dot_general3A_18 {dimension_numbers = #tpu.dot_dimension_numbers<[1], [0], [0], [], [0, 0], [], []>, transpose_lhs_hint = false} : vector<2000x256xf32>, vector<256xf32>, vector<2000xf32> -> vector<2000xf32>
    %broadcast_in_dim3A = vector.shape_cast %dot_general3A_13 : vector<2000xf32> to vector<1x1x2000xf32>
    %swap3A_20 = arith.constant 0 : index
    %swap3A_21 = arith.constant 0 : index
    %swap3A_22 = arith.constant 0 : index
    %swap3A_23 = vector.load %arg6[%swap3A_20, %swap3A_21, %swap3A_22] : memref<1x1x2000xf32, #tpu.memory_space<vmem>>, vector<1x1x2000xf32>
    tpu.vector_store %arg6[%swap3A_20, %swap3A_21, %swap3A_22], %broadcast_in_dim3A {strides = array<i32>} : memref<1x1x2000xf32, #tpu.memory_space<vmem>>, vector<1x1x2000xf32>,
    %broadcast_in_dim3A_24 = vector.shape_cast %dot_general3A_19 : vector<2000xf32> to vector<1x1x2000xf32>
    %swap3A_25 = arith.constant 0 : index
    %swap3A_26 = arith.constant 0 : index
    %swap3A_27 = arith.constant 0 : index
    %swap3A_28 = vector.load %arg7[%swap3A_25, %swap3A_26, %swap3A_27] : memref<1x1x2000xf32, #tpu.memory_space<vmem>>, vector<1x1x2000xf32>
    tpu.vector_store %arg7[%swap3A_25, %swap3A_26, %swap3A_27], %broadcast_in_dim3A_24 {strides = array<i32>} : memref<1x1x2000xf32, #tpu.memory_space<vmem>>, vector<1x1x2000xf32>,
    %eq3A = arith.constant 0 : i32
    %eq3A_29 = arith.cmpi eq, %arg0, %eq3A : i32
    %convert_element_type3A = arith.extui %eq3A_29 : i1 to i32
    %cond3A = arith.constant 0 : i32
    %cond3A_30 = arith.cmpi ne, %convert_element_type3A, %cond3A : i32
    scf.if %cond3A_30 {
      %broadcast_in_dim3A_55 = arith.constant -3.000000e+38 : f32
      %broadcast_in_dim3A_56 = vector.broadcast %broadcast_in_dim3A_55 : f32 to vector<1x128xf32>
      %swap3A_57 = arith.constant 0 : index
      %swap3A_58 = arith.constant 0 : index
      %swap3A_59 = vector.load %arg8[%swap3A_57, %swap3A_58] : memref<1x128xf32, #tpu.memory_space<vmem>>, vector<1x128xf32>
      tpu.vector_store %arg8[%swap3A_57, %swap3A_58], %broadcast_in_dim3A_56 {strides = array<i32>} : memref<1x128xf32, #tpu.memory_space<vmem>>, vector<1x128xf32>,
      %broadcast_in_dim3A_60 = arith.constant -3.000000e+38 : f32
      %broadcast_in_dim3A_61 = vector.broadcast %broadcast_in_dim3A_60 : f32 to vector<1x128xf32>
      %swap3A_62 = arith.constant 0 : index
      %swap3A_63 = arith.constant 0 : index
      %swap3A_64 = vector.load %arg9[%swap3A_62, %swap3A_63] : memref<1x128xf32, #tpu.memory_space<vmem>>, vector<1x128xf32>
      tpu.vector_store %arg9[%swap3A_62, %swap3A_63], %broadcast_in_dim3A_61 {strides = array<i32>} : memref<1x128xf32, #tpu.memory_space<vmem>>, vector<1x128xf32>,
    } else {
    }
    %get3A_31 = arith.constant 0 : index
    %get3A_32 = arith.constant 0 : index
    %get3A_33 = vector.load %arg8[%get3A_31, %get3A_32] : memref<1x128xf32, #tpu.memory_space<vmem>>, vector<1x128xf32>
    %reduce_max3A = vector.shape_cast %dot_general3A_13 : vector<2000xf32> to vector<1x2000xf32>
    %reduce_max3A_34 = arith.constant dense<0xFF800000> : vector<1xf32>
    %reduce_max3A_35 = vector.multi_reduction <maximumf>, %reduce_max3A, %reduce_max3A_34 [1] : vector<1x2000xf32> to vector<1xf32>
    %reduce_max3A_36 = vector.shape_cast %reduce_max3A_35 : vector<1xf32> to vector<1x1xf32>
    %reduce_max3A_37 = vector.extract %reduce_max3A_36[0, 0] : f32 from vector<1x1xf32>
    %max3A = vector.broadcast %reduce_max3A_37 : f32 to vector<1x128xf32>
    %max3A_38 = arith.maximumf %get3A_33, %max3A : vector<1x128xf32>
    %swap3A_39 = arith.constant 0 : index
    %swap3A_40 = arith.constant 0 : index
    %swap3A_41 = vector.load %arg8[%swap3A_39, %swap3A_40] : memref<1x128xf32, #tpu.memory_space<vmem>>, vector<1x128xf32>
    tpu.vector_store %arg8[%swap3A_39, %swap3A_40], %max3A_38 {strides = array<i32>} : memref<1x128xf32, #tpu.memory_space<vmem>>, vector<1x128xf32>,
    %get3A_42 = arith.constant 0 : index
    %get3A_43 = arith.constant 0 : index
    %get3A_44 = vector.load %arg9[%get3A_42, %get3A_43] : memref<1x128xf32, #tpu.memory_space<vmem>>, vector<1x128xf32>
    %reduce_max3A_45 = vector.shape_cast %dot_general3A_19 : vector<2000xf32> to vector<1x2000xf32>
    %reduce_max3A_46 = arith.constant dense<0xFF800000> : vector<1xf32>
    %reduce_max3A_47 = vector.multi_reduction <maximumf>, %reduce_max3A_45, %reduce_max3A_46 [1] : vector<1x2000xf32> to vector<1xf32>
    %reduce_max3A_48 = vector.shape_cast %reduce_max3A_47 : vector<1xf32> to vector<1x1xf32>
    %reduce_max3A_49 = vector.extract %reduce_max3A_48[0, 0] : f32 from vector<1x1xf32>
    %max3A_50 = vector.broadcast %reduce_max3A_49 : f32 to vector<1x128xf32>
    %max3A_51 = arith.maximumf %get3A_44, %max3A_50 : vector<1x128xf32>
    %swap3A_52 = arith.constant 0 : index
    %swap3A_53 = arith.constant 0 : index
    %swap3A_54 = vector.load %arg9[%swap3A_52, %swap3A_53] : memref<1x128xf32, #tpu.memory_space<vmem>>, vector<1x128xf32>
    tpu.vector_store %arg9[%swap3A_52, %swap3A_53], %max3A_51 {strides = array<i32>} : memref<1x128xf32, #tpu.memory_space<vmem>>, vector<1x128xf32>,
    return
  }
  func.func @transform_0(%arg0: i32) -> (i32, i32) {
    %c0_i32 = arith.constant 0 : i32
    %c0_i32_0 = arith.constant 0 : i32
    return %arg0, %c0_i32 : i32, i32
  }
  func.func @transform_1(%arg0: i32) -> (i32, i32) {
    %c0_i32 = arith.constant 0 : i32
    %c0_i32_0 = arith.constant 0 : i32
    %c0_i32_1 = arith.constant 0 : i32
    return %c0_i32, %c0_i32_0 : i32, i32
  }
  func.func @transform_2(%arg0: i32) -> (i32, i32) {
    %c0_i32 = arith.constant 0 : i32
    %c0_i32_0 = arith.constant 0 : i32
    %c0_i32_1 = arith.constant 0 : i32
    return %c0_i32, %c0_i32_0 : i32, i32
  }
  func.func @transform_3(%arg0: i32) -> (i32, i32) {
    %c0_i32 = arith.constant 0 : i32
    %c0_i32_0 = arith.constant 0 : i32
    %c0_i32_1 = arith.constant 0 : i32
    return %c0_i32, %c0_i32_0 : i32, i32
  }
  func.func @transform_4(%arg0: i32) -> (i32, i32) {
    %c0_i32 = arith.constant 0 : i32
    %c0_i32_0 = arith.constant 0 : i32
    return %arg0, %c0_i32 : i32, i32
  }
  func.func @transform_5(%arg0: i32) -> (i32, i32, i32) {
    %c0_i32 = arith.constant 0 : i32
    %c0_i32_0 = arith.constant 0 : i32
    %c0_i32_1 = arith.constant 0 : i32
    return %arg0, %c0_i32, %c0_i32_0 : i32, i32, i32
  }
  func.func @transform_6(%arg0: i32) -> (i32, i32, i32) {
    %c0_i32 = arith.constant 0 : i32
    %c0_i32_0 = arith.constant 0 : i32
    %c0_i32_1 = arith.constant 0 : i32
    return %arg0, %c0_i32, %c0_i32_0 : i32, i32, i32
  }
  func.func @transform_7(%arg0: i32) -> (i32, i32) {
    %c0_i32 = arith.constant 0 : i32
    %c0_i32_0 = arith.constant 0 : i32
    %c0_i32_1 = arith.constant 0 : i32
    return %c0_i32, %c0_i32_0 : i32, i32
  }
  func.func @transform_8(%arg0: i32) -> (i32, i32) {
    %c0_i32 = arith.constant 0 : i32
    %c0_i32_0 = arith.constant 0 : i32
    %c0_i32_1 = arith.constant 0 : i32
    return %c0_i32, %c0_i32_0 : i32, i32
  }
}

module attributes {stable_mosaic.version = 14 : i64} {
  func.func @_k3_body(%arg0: memref<2x2048x256xf32, #tpu.memory_space<vmem>>, %arg1: memref<2x2048x16xf32, #tpu.memory_space<vmem>>, %arg2: memref<1x256xf32, #tpu.memory_space<vmem>>, %arg3: memref<256x3xf32, #tpu.memory_space<vmem>>, %arg4: memref<1x3xf32, #tpu.memory_space<vmem>>, %arg5: memref<2000x3xf32, #tpu.memory_space<vmem>>) attributes {dimension_semantics = [], scalar_prefetch = 0 : i64, scratch_operands = 0 : i64, tpu.core_type = #tpu.core_type<tc>} {
    %get3A = arith.constant 0 : index
    %get3A_0 = arith.constant 0 : index
    %get3A_1 = arith.constant 0 : index
    %get3A_2 = vector.load %arg0[%get3A, %get3A_0, %get3A_1] : memref<2x2048x256xf32, #tpu.memory_space<vmem>>, vector<1x2000x256xf32>
    %get3A_3 = vector.shape_cast %get3A_2 : vector<1x2000x256xf32> to vector<2000x256xf32>
    %get3A_4 = arith.constant 1 : index
    %get3A_5 = arith.constant 0 : index
    %get3A_6 = arith.constant 0 : index
    %get3A_7 = vector.load %arg0[%get3A_4, %get3A_5, %get3A_6] : memref<2x2048x256xf32, #tpu.memory_space<vmem>>, vector<1x2000x256xf32>
    %get3A_8 = vector.shape_cast %get3A_7 : vector<1x2000x256xf32> to vector<2000x256xf32>
    %add3A = arith.addf %get3A_3, %get3A_8 : vector<2000x256xf32>
    %get3A_9 = arith.constant 0 : index
    %get3A_10 = arith.constant 0 : index
    %get3A_11 = arith.constant 0 : index
    %get3A_12 = vector.load %arg1[%get3A_9, %get3A_10, %get3A_11] : memref<2x2048x16xf32, #tpu.memory_space<vmem>>, vector<1x2000x16xf32>
    %get3A_13 = vector.shape_cast %get3A_12 : vector<1x2000x16xf32> to vector<2000x16xf32>
    %get3A_14 = arith.constant 1 : index
    %get3A_15 = arith.constant 0 : index
    %get3A_16 = arith.constant 0 : index
    %get3A_17 = vector.load %arg1[%get3A_14, %get3A_15, %get3A_16] : memref<2x2048x16xf32, #tpu.memory_space<vmem>>, vector<1x2000x16xf32>
    %get3A_18 = vector.shape_cast %get3A_17 : vector<1x2000x16xf32> to vector<2000x16xf32>
    %add3A_19 = arith.addf %get3A_13, %get3A_18 : vector<2000x16xf32>
    %slice3A = vector.extract_strided_slice %add3A_19 {offsets = [0, 0], sizes = [2000, 1], strides = [1, 1]} : vector<2000x16xf32> to vector<2000x1xf32>
    %add3A_20 = arith.constant 1.000000e-16 : f32
    %add3A_21 = vector.broadcast %add3A_20 : f32 to vector<2000x1xf32>
    %add3A_22 = arith.addf %slice3A, %add3A_21 : vector<2000x1xf32>
    %div3A = vector.broadcast %add3A_22 : vector<2000x1xf32> to vector<2000x256xf32>
    %div3A_23 = arith.divf %add3A, %div3A : vector<2000x256xf32>
    %get3A_24 = arith.constant 0 : index
    %get3A_25 = arith.constant 0 : index
    %get3A_26 = vector.load %arg2[%get3A_24, %get3A_25] : memref<1x256xf32, #tpu.memory_space<vmem>>, vector<1x256xf32>
    %add3A_27 = vector.broadcast %get3A_26 : vector<1x256xf32> to vector<2000x256xf32>
    %add3A_28 = arith.addf %div3A_23, %add3A_27 : vector<2000x256xf32>
    %get3A_29 = arith.constant 0 : index
    %get3A_30 = arith.constant 0 : index
    %get3A_31 = vector.load %arg3[%get3A_29, %get3A_30] : memref<256x3xf32, #tpu.memory_space<vmem>>, vector<256x3xf32>
    %dot_general3A = arith.constant dense<0.000000e+00> : vector<2000x3xf32>
    %dot_general3A_32 = tpu.matmul %add3A_28, %get3A_31, %dot_general3A {dimension_numbers = #tpu.dot_dimension_numbers<[1], [0], [0], [1], [0, 0, 1, 1], [], []>, transpose_lhs_hint = false} : vector<2000x256xf32>, vector<256x3xf32>, vector<2000x3xf32> -> vector<2000x3xf32>
    %get3A_33 = arith.constant 0 : index
    %get3A_34 = arith.constant 0 : index
    %get3A_35 = vector.load %arg4[%get3A_33, %get3A_34] : memref<1x3xf32, #tpu.memory_space<vmem>>, vector<1x3xf32>
    %add3A_36 = vector.broadcast %get3A_35 : vector<1x3xf32> to vector<2000x3xf32>
    %add3A_37 = arith.addf %dot_general3A_32, %add3A_36 : vector<2000x3xf32>
    %reduce_max3A = arith.constant dense<0xFF800000> : vector<2000xf32>
    %reduce_max3A_38 = vector.multi_reduction <maximumf>, %add3A_37, %reduce_max3A [1] : vector<2000x3xf32> to vector<2000xf32>
    %broadcast_in_dim3A = vector.shape_cast %reduce_max3A_38 : vector<2000xf32> to vector<2000x1xf32>
    %sub3A = vector.broadcast %broadcast_in_dim3A : vector<2000x1xf32> to vector<2000x3xf32>
    %sub3A_39 = arith.subf %add3A_37, %sub3A : vector<2000x3xf32>
    %exp3A = math.exp %sub3A_39 : vector<2000x3xf32>
    %reduce_sum3A = arith.constant dense<0.000000e+00> : vector<2000xf32>
    %reduce_sum3A_40 = vector.multi_reduction <add>, %exp3A, %reduce_sum3A [1] : vector<2000x3xf32> to vector<2000xf32>
    %broadcast_in_dim3A_41 = vector.shape_cast %reduce_sum3A_40 : vector<2000xf32> to vector<2000x1xf32>
    %log3A = math.log %broadcast_in_dim3A_41 : vector<2000x1xf32>
    %sub3A_42 = vector.broadcast %log3A : vector<2000x1xf32> to vector<2000x3xf32>
    %sub3A_43 = arith.subf %sub3A_39, %sub3A_42 : vector<2000x3xf32>
    %swap3A = arith.constant 0 : index
    %swap3A_44 = arith.constant 0 : index
    %swap3A_45 = vector.load %arg5[%swap3A, %swap3A_44] : memref<2000x3xf32, #tpu.memory_space<vmem>>, vector<2000x3xf32>
    tpu.vector_store %arg5[%swap3A, %swap3A_44], %sub3A_43 {strides = array<i32>} : memref<2000x3xf32, #tpu.memory_space<vmem>>, vector<2000x3xf32>,
    return
  }
}

</mosaic_0001>

<sc_bundles>
// kernel: kernel.5.cloned.1.call-start
scs
__scs_entry_jumppad:
0x0: {  	(pc) =	sbr.rel $0x88, $3  }
0x1: {  	(tag) =	ssettag $0x0;
	lr =	simm.s32 $0x1  }
0x2: {  	[smem:$0x3F99] =	sst lr;
	_ =	strace $0xD0000000  }
0x3: {  	_ = 	snop  }
0x4: {  	_ = 	snop  }
0x5: {  	_ = 	snop  }
0x6: {  	_ = 	snop  }
0x7: {  	_ = 	snop  }
__scs_overlays_trampoline_lowered:
0x8: {  	[smem:$0x3FA8] =	sst s0  }
0x9: {  	[smem:$0x3FA9] =	sst s1  }
0xa: {  	[smem:$0x3FAA] =	sst s2  }
0xb: {  	[smem:$0x3FAB] =	sst s3  }
0xc: {  	[smem:$0x3FAC] =	sst s4  }
0xd: {  	[smem:$0x3FAD] =	sst s5  }
0xe: {  	[smem:$0x3FAE] =	sst s6  }
0xf: {  	[smem:$0x3FAF] =	sst s7  }
0x10: {  	[smem:$0x3FB0] =	sst s8  }
0x11: {  	[smem:$0x3FB1] =	sst s9;
	s0 =	simm.s32 @!p0 $0x0  }
0x12: {  	s1 =	sld [smem:$0x3F97];
	s0 =	simm.s32 @p0 $0x1  }
0x13: {  	[smem:$0x3FB2] =	sst s0;
	s0 =	simm.s32 @!p1 $0x0  }
0x14: {  	s2 =	sld [smem:$0x3F96];
	s0 =	simm.s32 @p1 $0x1  }
0x15: {  	[smem:$0x3FB3] =	sst s0;
	s0 =	simm.s32 @!p2 $0x0  }
0x16: {  	s3 =	sld [smem:$0x3FDB];
	s0 =	simm.s32 @p2 $0x1  }
0x17: {  	s4 =	simm.s32 $0x1BF5;
	[smem:$0x3FB5] =	sst s0  }
0x18: {  	s0 =	sld [smem:$0x3F98];
	_ =	swait.ge [sflag:s4], $0x0  }
0x19: {  	s7 =	sld [smem:$0x3F99]  }
0x1a: {  	s8 =	sadd.s32 $0xFFFFE003, lr  }
0x1b: {  	s9 =	sadd.s32 $0xFFFFFEF7, lr;
	s5 =	simm.s32 $0xFFFFFFFF;
	p2 =	slt.u32 s8, $0xFFFFF086  }
0x1c: {  	p1 =	slt.u32 s9, $0xF7A;
	s5 =	simm.s32 @!p2 $0x0  }
0x1d: {  	s5 =	simm.s32 @p1 $0x1;
	p0 =	seq.s32 s7, s2  }
0x1e: {  	s7 =	smul.u32 @!p0 $0xF7A, s2;
	p2 =	seq.s32 @!p0 s5, $0x0  }
0x1f: {  	s9 =	smul.u32 $0xF7A, s1;
	s8 =	simm.s32 @!p0 $0x1BF5;
	p2 =	por !p2, p0  }
0x20: {  	[sflag:s8] =	ssyncset.s32 @!p0 $0xFFFFF086;
	s6 =	sadd.s32 @!p0 s3, s7;
	s7 =	simm.s32 @!p0 $0x108  }
0x21: {  	s3 =	sadd.s32 s3, s9;
	s6 =	sadd.s32 @!p0 $0x88, s6;
	s7 =	simm.s32 @p2 $0x1082  }
0x22: {  	[simem:s7], [sflag:s8] =	dma.local @!p0 [hbm:s6], $0xF7A  }
0x23: {  	s9 =	sor.u32 $0xD0000000, s2;
	s6 =	simm.s32 $0x108;
	_ =	swait.ge @!p0 [sflag:s8], $0x0  }
0x24: {  	s3 =	sadd.s32 $0x88, s3;
	s6 =	simm.s32 @!p1 $0x1082;
	[sflag:s4] =	ssyncset.s32 $0xFFFFF086  }
0x25: {  	[simem:s6], [sflag:s4] =	dma.local [hbm:s3], $0xF7A  }
0x26: {  	[smem:$0x3F99] =	sst s1;
	(tag) =	ssettag s2;
	_ =	strace s9  }
0x27: {  	s1 =	sld [smem:$0x3FA9]  }
0x28: {  	s2 =	sld [smem:$0x3FAA]  }
0x29: {  	s4 =	sld [smem:$0x3FAC]  }
0x2a: {  	p0 =	seq.s32 s5, $0x0;
	s5 =	sld [smem:$0x3FAD]  }
0x2b: {  	s6 =	sld [smem:$0x3FAE]  }
0x2c: {  	s7 =	sld [smem:$0x3FAF]  }
0x2d: {  	s3 =	simm.s32 $0x108;
	s8 =	sld [smem:$0x3FB0]  }
0x2e: {  	s3 =	simm.s32 @!p0 $0x1082;
	s9 =	sld [smem:$0x3FB1]  }
0x2f: {  	lr =	sadd.s32 s0, s3;
	s0 =	sld [smem:$0x3FA8]  }
0x30: {  	s3 =	sld [smem:$0x3FAB]  }
0x31: {  	[smem:$0x3FB4] =	sst s10  }
0x32: {  	s10 =	sld [smem:$0x3FB2];
	_ =	sdelay $0x3  }
0x33: {  	p0 =	seq.s32 s10, $0x1;
	s10 =	sld [smem:$0x3FB4];
	_ =	sdelay $0x3  }
0x34: {  	[smem:$0x3FB4] =	sst s10  }
0x35: {  	s10 =	sld [smem:$0x3FB3];
	_ =	sdelay $0x3  }
0x36: {  	p1 =	seq.s32 s10, $0x1;
	s10 =	sld [smem:$0x3FB4];
	_ =	sdelay $0x3  }
0x37: {  	[smem:$0x3FB4] =	sst s10  }
0x38: {  	s10 =	sld [smem:$0x3FB5]  }
0x39: {  	_ = 	snop;
	(pc) =	sbr.ind lr, $3  }
0x3a: {  	_ = 	snop  }
0x3b: {  	_ = 	snop  }
0x3c: {  	p2 =	seq.s32 s10, $0x1;
	s10 =	sld [smem:$0x3FB4]  }
0x3d: {  	_ =	shalt  }
0x3e: {  	_ =	shalt  }
0x3f: {  	_ =	shalt  }
0x40: {  	_ =	shalt  }
0x41: {  	_ =	shalt  }
0x42: {  	_ =	shalt  }
0x43: {  	_ =	shalt  }
0x44: {  	_ =	shalt  }
0x45: {  	_ =	shalt  }
0x46: {  	_ =	shalt  }
0x47: {  	_ =	shalt  }
0x48: {  	_ =	shalt  }
0x49: {  	_ =	shalt  }
0x4a: {  	_ =	shalt  }
0x4b: {  	_ =	shalt  }
0x4c: {  	_ =	shalt  }
0x4d: {  	_ =	shalt  }
0x4e: {  	_ =	shalt  }
0x4f: {  	_ =	shalt  }
0x50: {  	_ =	shalt  }
0x51: {  	_ =	shalt  }
0x52: {  	_ =	shalt  }
0x53: {  	_ =	shalt  }
0x54: {  	_ =	shalt  }
0x55: {  	_ =	shalt  }
0x56: {  	_ =	shalt  }
0x57: {  	_ =	shalt  }
0x58: {  	_ =	shalt  }
0x59: {  	_ =	shalt  }
0x5a: {  	_ =	shalt  }
0x5b: {  	_ =	shalt  }
0x5c: {  	_ =	shalt  }
0x5d: {  	_ =	shalt  }
0x5e: {  	_ =	shalt  }
0x5f: {  	_ =	shalt  }
0x60: {  	_ =	shalt  }
0x61: {  	_ =	shalt  }
0x62: {  	_ =	shalt  }
0x63: {  	_ =	shalt  }
0x64: {  	_ =	shalt  }
0x65: {  	_ =	shalt  }
0x66: {  	_ =	shalt  }
0x67: {  	_ =	shalt  }
0x68: {  	_ =	shalt  }
0x69: {  	_ =	shalt  }
0x6a: {  	_ =	shalt  }
0x6b: {  	_ =	shalt  }
0x6c: {  	_ =	shalt  }
0x6d: {  	_ =	shalt  }
0x6e: {  	_ =	shalt  }
0x6f: {  	_ =	shalt  }
0x70: {  	_ =	shalt  }
0x71: {  	_ =	shalt  }
0x72: {  	_ =	shalt  }
0x73: {  	_ =	shalt  }
0x74: {  	_ =	shalt  }
0x75: {  	_ =	shalt  }
0x76: {  	_ =	shalt  }
0x77: {  	_ =	shalt  }
0x78: {  	_ =	shalt  }
0x79: {  	_ =	shalt  }
0x7a: {  	_ =	shalt  }
0x7b: {  	_ =	shalt  }
0x7c: {  	_ =	shalt  }
0x7d: {  	_ =	shalt  }
0x7e: {  	_ =	shalt  }
0x7f: {  	_ =	shalt  }
0x80: {  	_ =	shalt  }
0x81: {  	_ =	shalt  }
0x82: {  	_ =	shalt  }
0x83: {  	_ =	shalt  }
0x84: {  	_ =	shalt  }
0x85: {  	_ =	shalt  }
0x86: {  	_ =	shalt  }
0x87: {  	_ =	shalt  }
.Lfunc_end0:
.L_simem_size_0:
called_computation_lowered:
.L_overlay_start_0:
0x88: {  	s2 =	sld [smem:$0x3FD9]  }
0x89: {  	s3 =	sld [smem:$0x3FFE];
	_ =	sdelay $0x1  }
0x8a: {  	s1 =	srdreg.scid  }
0x8b: {  	s0 =	sand.u32 $0x1, s1  }
0x8c: {  	s17 =	sshll.u32 s0, $0xA;
	s2 =	sadd.s32 s3, s2  }
0x8d: {  	s2 =	sadd.s32 s2, s17  }
0x8e: {  	[smem:$0x3FC0] =	sst s2  }
0x8f: {  	_ = 	snop  }
0x90: {  	s2 =	sld [smem:$0x3FC8]  }
0x91: {  	s18 =	sld [smem:$0x3FD0];
	(tm) =	ssettm $0x1  }
0x92: {  	s4 =	sld [smem:$0x3FFB];
	_ =	sdelay $0x3  }
0x93: {  	_ =	strace s4  }
0x94: {  	s4 =	sld [smem:$0x3FFC];
	_ =	sdelay $0x3  }
0x95: {  	_ =	strace s4  }
0x96: {  	s4 =	sld [smem:$0x3FFD];
	_ =	sdelay $0x3  }
0x97: {  	_ =	strace s4  }
0x98: {  	_ =	strace $0x8FFFFFFF  }
0x99: {  	s19 =	sld [smem:$0x3FDB];
	_ =	sdelay $0x1  }
0x9a: {  	s5 =	simm.s32 $_scs_section_size  }
0x9b: {  	s6 =	simm.s32 $_size__tile_overlayer_lowered;
	s7 =	simm.s32 $_tile_overlayer_lowered  }
0x9c: {  	s22 =	simm.s32 $0x1BFF;
	s21 =	sshll.u32 s7, $0x1;
	s4 =	sadd.s32 s5, s19  }
0x9d: {  	s8 =	simm.s32 $0x0;
	s20 =	sshll.u32 s6, $0x1;
	s6 =	sadd.s32 s21, s4  }
0x9e: {  	[timem:s8], [sflag:s22] =	dma.local [hbm:s6], s20  }
0x9f: {  	_ =	swait.ge [sflag:s22], s20  }
0xa0: {  	s5 =	ssub.s32 $0x0, s20;
	[sflag:s22] =	ssyncset.done $0x0  }
0xa1: {  	[sflag:s22] =	ssyncadd.s32 s5;
	_ =	sdelay $0x1  }
0xa2: {  	s23 =	simm.s32 $0x1B8B  }
0xa3: {  	_ =	swait.ge [sflag:s23], $0x1  }
0xa4: {  	[sflag:s23] =	ssyncset.done $0x0  }
0xa5: {  	s25 =	simm.s32 $0x1B8E;
	s24 =	sld [smem:$0x3FFE];
	[sflag:s23] =	ssyncadd.s32 $0xFFFFFFFF  }
0xa6: {  	s26 =	simm.s32 $execute0_lowered;
	[smem:$0x3FD2] =	sst s25  }
0xa7: {  	s6 =	sshll.u32 s26, $0x1;
	_ =	strace $0x80000046;
	[dreg:$0x1] =	wrdreg $0xFFFFFFFF  }
0xa8: {  	s28 =	simm.s32 $_size_execute0_lowered;
	s4 =	sadd.s32 s4, s6;
	[dreg:$0x0] =	wrdreg $0x0  }
0xa9: {  	s6 =	sshll.u32 s28, $0x1;
	[dreg:$0x2] =	wrdreg s4  }
0xaa: {  	[dreg:$0x3] =	wrdreg s6  }
0xab: {  	[dreg:$0x4] =	wrdreg $0xC0  }
0xac: {  	_ =	task [dreg:s8], $0x5FFFF  }
0xad: {  	[dreg:$0x1] =	wrdreg $0xFFFFFFFF  }
0xae: {  	[dreg:$0x0] =	wrdreg $0x60  }
0xaf: {  	[dreg:$0x2] =	wrdreg s24  }
0xb0: {  	[dreg:$0x3] =	wrdreg s2  }
0xb1: {  	[dreg:$0x4] =	wrdreg s18  }
0xb2: {  	[dreg:$0x5] =	wrdreg $0x162600  }
0xb3: {  	[dreg:$0x6] =	wrdreg $0x1E2600  }
0xb4: {  	[dreg:$0x7] =	wrdreg $0x9  }
0xb5: {  	_ =	task.clear_ibuf [dreg:s8], $0x8FFFF;
	_ =	strace $0x90000046  }
0xb6: {  	s29 =	simm.s32 $0x9;
	_ =	strace $0x80000048  }
0xb7: {  	_ =	swait.ge [sflag:s29], $0x1  }
0xb8: {  	[sflag:s29] =	ssyncadd.s32 $0xFFFFFFFF  }
0xb9: {  	_ =	strace $0x90000048  }
0xba: {  	_ =	sfence  }
0xbb: {  	s30 =	sld [smem:$0x0];
	_ =	sdelay $0x2  }
0xbc: {  	s31 =	sshll.u32 s1, $0xD;
	s1 =	sshrl.u32 s1, $0x2  }
0xbd: {  	s3 =	sand.u32 $0x4000, s31;
	s1 =	sadd.s32 s1, s30  }
0xbe: {  	s0 =	sor.u32 s3, s0;
	s1 =	sshll.u32 s1, $0x11  }
0xbf: {  	s0 =	sor.u32 s1, s0  }
0xc0: {  	s0 =	sadd.s32 $0x8F2B, s0  }
0xc1: {  	[sflag:s0] =	ssyncadd.remote.s32 $0x1  }
0xc2: {  	_ =	sfence.sel $0xFFFF  }
0xc3: {  	[dreg:$0x0] =	wrdreg $0xFFFFFFFF;
	(pc) =	sbr.abs _section_cstart, $3  }
0xc4: {  	[dreg:$0x1] =	wrdreg $0xFFFFFFFF  }
0xc5: {  	_ =	task.clear_ibuf [dreg:s8], $0x2FFFF;
	_ =	strace $0x9FFFFFFF  }
0xc6: {  	(tm) =	ssettm $0x7FFFFFFF  }
0xc7: {  	_ =	shalt  }
tec
execute0_lowered:
.L_overlay_start_1:
0x0: {  	(tag) =	ssettag $0x1  }
0x1: {  	s0 =	rddreg [dreg:$0x0]  }
0x2: {  	s28 =	rddreg [dreg:$0x3]  }
0x3: {  	s4 =	rddreg [dreg:$0x4];
	s5 =	simm.s32 $0x0;
	s1 =	srdreg.scid  }
0x4: {  	s3 =	stileid.u32;
	s30 =	simm.s32 $0x2710;
	s31 =	simm.s32 $0xE420  }
0x5: {  	s29 =	simm.s32 $0x5;
	[smem:$0x7FF] =	sst s5;
	s7 =	sadd.s32 $0x32800, s0  }
0x6: {  	s8 =	sadd.s32 $0x28A00, s0;
	s1 =	sand.u32 $0x1, s1;
	s2 =	sadd.s32 $0x28400, s0  }
0x7: {  	s13 =	sshll.u32 s3, $0x7;
	s9 =	sadd.s32 $0x27E00, s0;
	s14 =	sadd.s32 $0xA00, s0  }
0x8: {  	s12 =	sadd.s32 $0xC00, s0;
	_ =	strace $0x80000047;
	[dreg:$0x6] =	wrdreg s2  }
0x9: {  	s15 =	sshll.u32 s3, $0x1;
	s18 =	sshll.u32 s3, $0xF;
	[dreg:$0x7] =	wrdreg s9  }
0xa: {  	s19 =	sshll.u32 s3, $0xB;
	s6 =	sshll.u32 s1, $0xB;
	[dreg:$0x8] =	wrdreg s14  }
0xb: {  	s10 =	ssub.s32 $0x2, s1;
	s1 =	sor.u32 s1, s15;
	s19 =	sadd.s32 s19, s4  }
0xc: {  	s14 =	simm.s32 $0xE510;
	s15 =	simm.s32 $0xE4C0;
	s2 =	sor.u32 s13, s6  }
0xd: {  	s16 =	sshrl.u32 s10, $0x1;
	s1 =	smul.u32 $0x2710, s1;
	s13 =	sadd.s32 s18, s28  }
0xe: {  	s18 =	simm.s32 $0x2;
	[dreg:$0xb] =	wrdreg s19;
	s6 =	sshll.u32 s2, $0x5  }
0xf: {  	s2 =	sshll.u32 s2, $0x1;
	s17 =	ssub.s32 s10, s16;
	s3 =	sadd.s32 $0x5000, s13  }
0x10: {  	s16 =	simm.s32 $0x6720;
	[dreg:$0x9] =	wrdreg s13;
	s6 =	sadd.s32 s6, s0  }
0x11: {  	s0 =	sadd.s32 s2, s0;
	s23 =	sadd.s32 $0xA0, s1;
	[dreg:$0xa] =	wrdreg s3  }
0x12: {  	s20 =	sshrl.u32 s1, $0x3;
	s1 =	sadd.s32 $0xF0, s1;
	[dreg:$0x10] =	wrdreg s23  }
0x13: {  	s26 =	smax.u32 s17, $0x1;
	s17 =	simm.s32 $0x3;
	[dreg:$0x15] =	wrdreg s1  }
0x14: {  	s2 =	simm.s32 $0x0;
	s11 =	sadd.s32 s7, s20;
	[dreg:$0x14] =	wrdreg s26  }
0x15: {  	s21 =	sadd.s32 $0xA, s20;
	s10 =	sadd.s32 s8, s20;
	[dreg:$0xc] =	wrdreg s11  }
0x16: {  	s24 =	sadd.s32 $0x3C600, s6;
	s25 =	sadd.s32 $0x3D000, s6;
	[dreg:$0xd] =	wrdreg s10  }
0x17: {  	s0 =	sadd.s32 $0x5C600, s0;
	s20 =	simm.s32 $0x5DC0;
	[dreg:$0x11] =	wrdreg s24  }
0x18: {  	v0 =	vlaneseq.u32;
	s1 =	simm.s32 $0x65E0;
	s23 =	simm.s32 $0x6680;
	[dreg:$0x12] =	wrdreg s25  }
0x19: {  	v0 =	vmul.u32 $0x10, v0;
	s22 =	sadd.s32 s7, s21;
	s9 =	sadd.s32 s8, s21;
	[dreg:$0x13] =	wrdreg s0  }
0x1a: {  	s10 =	simm.s32 $0x7;
	s11 =	simm.s32 $0x55F0;
	s24 =	simm.s32 $0xE560  }
0x1b: {  	v1 =	vimm.f32 $0.0e+00;
	v2 =	vor.u32 $0x100, v0;
	s25 =	simm.s32 $0x4;
	s21 =	simm.s32 $0x11260;
	[dreg:$0xe] =	wrdreg s22  }
0x1c: {  	v3 =	vor.u32 $0x200, v0;
	v4 =	vor.u32 $0x300, v0;
	v5 =	vor.u32 $0x400, v0;
	[dreg:$0xf] =	wrdreg s9;
	s9 =	simm.s32 $0x50;
	s22 =	simm.s32 $0x66D0  }
.LBB2_1:
0x1d: {  	[dreg:$0x16] =	wrdreg s2;
	s0 =	simm.s32 $0x0;
	s2 =	simm.s32 $0x400  }
.LBB2_2:
0x1e: {  	p0 =	sne.s32 s2, $0x13C00;
	[tilespmem:s0+$0x9510] =	vst v1  }
0x1f: {  	[tilespmem:s0+$0x9420] =	vst v1  }
0x20: {  	[tilespmem:s0+$0x9430] =	vst v1  }
0x21: {  	[tilespmem:s0+$0x9440] =	vst v1  }
0x22: {  	[tilespmem:s0+$0x9450] =	vst v1  }
0x23: {  	[tilespmem:s0+$0x9460] =	vst v1  }
0x24: {  	[tilespmem:s0+$0x9470] =	vst v1  }
0x25: {  	[tilespmem:s0+$0x9480] =	vst v1  }
0x26: {  	[tilespmem:s0+$0x9490] =	vst v1  }
0x27: {  	[tilespmem:s0+$0x94A0] =	vst v1  }
0x28: {  	[tilespmem:s0+$0x94B0] =	vst v1  }
.Ltmp0:
0x29: {  	[tilespmem:s0+$0x94C0] =	vst v1;
	(pc) =	sbr.rel @p0 .LBB2_2-.Ltmp0, $4  }
0x2a: {  	[tilespmem:s0+$0x94D0] =	vst v1  }
0x2b: {  	[tilespmem:s0+$0x94E0] =	vst v1  }
0x2c: {  	[tilespmem:s0+$0x94F0] =	vst v1  }
0x2d: {  	[tilespmem:s0+$0x9500] =	vst v1;
	s0 =	sshra.s32 s2, $0x2;
	s2 =	sadd.s32 $0x400, s2  }
0x2e: {  	[tilespmem:s0+$0x9510] =	vst v1  }
0x2f: {  	[tilespmem:s0+$0x9420] =	vst v1  }
0x30: {  	[tilespmem:s0+$0x9430] =	vst v1  }
0x31: {  	[tilespmem:s0+$0x9440] =	vst v1  }
0x32: {  	[tilespmem:s0+$0x9450] =	vst v1  }
0x33: {  	[tilespmem:s0+$0x9460] =	vst v1  }
0x34: {  	[tilespmem:s0+$0x9470] =	vst v1  }
0x35: {  	[tilespmem:s0+$0x9480] =	vst v1  }
0x36: {  	[tilespmem:s0+$0x9490] =	vst v1  }
0x37: {  	[tilespmem:s0+$0x94A0] =	vst v1  }
0x38: {  	[tilespmem:s0+$0x94B0] =	vst v1  }
0x39: {  	[tilespmem:s0+$0x94C0] =	vst v1  }
0x3a: {  	[tilespmem:s0+$0x94D0] =	vst v1  }
0x3b: {  	[tilespmem:s0+$0x94E0] =	vst v1  }
0x3c: {  	[tilespmem:s0+$0x94F0] =	vst v1  }
0x3d: {  	[tilespmem:s0+$0x9500] =	vst v1;
	s0 =	simm.s32 $0x40;
	s2 =	simm.s32 $0x0  }
.LBB2_4:
0x3e: {  	p0 =	sne.s32 s0, $0x1FC0;
	[tilespmem:s2+$0x5DC0] =	vst v1;
	s2 =	smov.u32 s0;
	s0 =	sadd.s32 $0x40, s0  }
.Ltmp1:
0x3f: {  	(pc) =	sbr.rel @p0 .LBB2_4-.Ltmp1, $2  }
0x40: {  	_ =	sdelay $0x2  }
0x41: {  	s2 =	sshra.s32 s2, $0x2  }
0x42: {  	[tilespmem:s2+$0x5DC0] =	vst v1;
	s0 =	simm.s32 $0x40;
	s2 =	simm.s32 $0x0  }
.LBB2_6:
0x43: {  	p0 =	sne.s32 s0, $0x13C0;
	[tilespmem:s2+$0x6720] =	vst v1;
	s6 =	smov.u32 s0;
	s0 =	sadd.s32 $0x40, s0  }
.Ltmp2:
0x44: {  	[tilespmem:s2+$0xE560] =	vst v1;
	(pc) =	sbr.rel @p0 .LBB2_6-.Ltmp2, $2  }
0x45: {  	_ =	sdelay $0x2  }
0x46: {  	s2 =	sshra.s32 s6, $0x2  }
0x47: {  	[tilespmem:s2+$0x6720] =	vst v1  }
0x48: {  	[tilespmem:s2+$0xE560] =	vst v1;
	s0 =	simm.s32 $0x9420  }
0x49: {  	[spmem:s13] =	stream.linear.scatter [tilespmem:s0], [sflag:$0x7], $0x5000, $0x38;
	[tilespmem:$0x1EA60] =	vst v63  }
0x4a: {  	_ =	swait.ge [sflag:s10], $0x5000  }
0x4b: {  	[sflag:s10] =	ssyncset.done $0x0  }
0x4c: {  	[sflag:s10] =	ssyncadd.s32 $0xFFFFB000  }
0x4d: {  	[spmem:s3] =	stream.linear.scatter [tilespmem:s0], [sflag:$0x7], $0x3000, $0x38;
	[tilespmem:$0x1EA60] =	vst v63  }
0x4e: {  	_ =	swait.ge [sflag:s10], $0x3000  }
0x4f: {  	[sflag:s10] =	ssyncset.done $0x0  }
0x50: {  	[sflag:s10] =	ssyncadd.s32 $0xFFFFD000  }
0x51: {  	[spmem:s19] =	stream.linear.scatter [tilespmem:s20], [sflag:$0x7], $0x800, $0x38;
	[tilespmem:$0x1EA60] =	vst v63  }
0x52: {  	_ =	swait.ge [sflag:s10], $0x800  }
0x53: {  	[sflag:s10] =	ssyncset.done $0x0  }
0x54: {  	s0 =	simm.s32 $0x0;
	s20 =	rddreg [dreg:$0x6];
	[sflag:s10] =	ssyncadd.s32 $0xFFFFF800  }
0x55: {  	[tilespmem:s0], [sflag:$0x7] =	stream.linear.gather [hbm4b:s20+s0], $0x2710, $0x38;
	[tilespmem:$0x1EA60] =	vst v63  }
0x56: {  	_ =	swait.ge [sflag:s10], $0x2710  }
0x57: {  	[sflag:s10] =	ssyncset.done $0x0  }
0x58: {  	s26 =	rddreg [dreg:$0x7];
	[sflag:s10] =	ssyncadd.s32 $0xFFFFD8F0  }
0x59: {  	[tilespmem:s30], [sflag:$0x7] =	stream.linear.gather [hbm4b:s26+s0], $0x2710, $0x38;
	[tilespmem:$0x1EA60] =	vst v63  }
0x5a: {  	_ =	swait.ge [sflag:s10], $0x2710  }
0x5b: {  	[sflag:s10] =	ssyncset.done $0x0  }
0x5c: {  	[sflag:s10] =	ssyncadd.s32 $0xFFFFD8F0  }
0x5d: {  	s6 =	simm.s32 $0x4E20;
	s3 =	rddreg [dreg:$0x1]  }
0x5e: {  	[tilespmem:s6], [sflag:$0x7] =	stream.linear.gather [hbm4b:s3+s0], $0x7D0, $0x38;
	[tilespmem:$0x1EA60] =	vst v63  }
0x5f: {  	_ =	swait.ge [sflag:s10], $0x7D0  }
0x60: {  	[sflag:s10] =	ssyncset.done $0x0  }
0x61: {  	[sflag:s10] =	ssyncadd.s32 $0xFFFFF830  }
0x62: {  	s19 =	simm.s32 $0x65C0;
	s13 =	rddreg [dreg:$0x2]  }
0x63: {  	[tilespmem:s19], [sflag:$0x7] =	stream.linear.gather [hbm4b:s13+s0], $0x10, $0x38;
	[tilespmem:$0x1EA60] =	vst v63  }
0x64: {  	_ =	swait.ge [sflag:s10], $0x10  }
0x65: {  	[sflag:s10] =	ssyncset.done $0x0  }
0x66: {  	s26 =	simm.s32 $0x65D0;
	s20 =	rddreg [dreg:$0x8];
	[sflag:s10] =	ssyncadd.s32 $0xFFFFFFF0  }
0x67: {  	[tilespmem:s26], [sflag:$0x7] =	stream.linear.gather [hbm4b:s20+s0], $0x10, $0x38;
	[tilespmem:$0x1EA60] =	vst v63  }
0x68: {  	_ =	swait.ge [sflag:s10], $0x10  }
0x69: {  	[sflag:s10] =	ssyncset.done $0x0  }
0x6a: {  	s0 =	simm.s32 $0x0;
	[sflag:s10] =	ssyncadd.s32 $0xFFFFFFF0  }
0x6b: {  	v6 =	vld [tilespmem:s0+$0x4E20];
	_ =	sdelay $0x7  }
0x6c: {  	s2 =	simm.s32 $0x10;
	s6 =	simm.s32 $0x80;
	v6 =	vld.idx.msk [tilespmem:v6+s5+$0x0], $0xffff  }
.LBB2_8:
0x6d: {  	p0 =	sne.s32 s6, $0x1F00;
	v7 =	vld [tilespmem:s2+$0x4E20];
	_ =	sdelay $0x3  }
.Ltmp3:
0x6e: {  	(pc) =	sbr.rel @p0 .LBB2_8-.Ltmp3, $2  }
0x6f: {  	[tilespmem:s0+$0x55F0] =	vst v6;
	s0 =	smov.u32 s2;
	_ =	sdelay $0x2  }
0x70: {  	s2 =	sshra.s32 s6, $0x2;
	s6 =	sadd.s32 $0x40, s6;
	v6 =	vld.idx.msk [tilespmem:v7+s5+$0x0], $0xffff  }
0x71: {  	v7 =	vld [tilespmem:s2+$0x4E20];
	_ =	sdelay $0x6  }
0x72: {  	[tilespmem:s0+$0x55F0] =	vst v6  }
0x73: {  	v6 =	vld.idx.msk [tilespmem:v7+s5+$0x0], $0xffff;
	_ =	sdelay $0x4  }
0x74: {  	[tilespmem:s2+$0x55F0] =	vst v6  }
0x75: {  	v6 =	vld [tilespmem:$0x65C0]  }
0x76: {  	v7 =	vld [tilespmem:$0x65D0];
	[bflag:$0x0] =	sbarrier.arrive $0xFFFF  }
0x77: {  	s6 =	simm.s32 $0x0;
	s26 =	rddreg [dreg:$0xc]  }
0x78: {  	[tilespmem:s1], [sflag:$0x1] =	stream.linear.gather [hbm4b:s26+s6], $0x50, $0x38;
	[tilespmem:$0x1EA60] =	vst v63  }
0x79: {  	s3 =	simm.s32 $0x6630;
	s2 =	rddreg [dreg:$0xd]  }
0x7a: {  	[tilespmem:s3], [sflag:$0x1] =	stream.linear.gather [hbm4b:s2+s6], $0x50, $0x38;
	[tilespmem:$0x1EA60] =	vst v63  }
0x7b: {  	s10 =	rddreg [dreg:$0xe]  }
0x7c: {  	[tilespmem:s31], [sflag:$0x2] =	stream.linear.gather [hbm4b:s10+s6], $0x50, $0x38;
	[tilespmem:$0x1EA60] =	vst v63  }
0x7d: {  	s19 =	simm.s32 $0xE470;
	s20 =	simm.s32 $0x1;
	s13 =	rddreg [dreg:$0xf]  }
0x7e: {  	[tilespmem:s19], [sflag:$0x2] =	stream.linear.gather [hbm4b:s13+s6], $0x50, $0x38;
	[tilespmem:$0x1EA60] =	vst v63  }
0x7f: {  	_ =	swait.ge [sflag:s20], $0x50  }
0x80: {  	[sflag:s20] =	ssyncset.done $0x0  }
0x81: {  	[sflag:s20] =	ssyncadd.s32 $0xFFFFFFB0  }
0x82: {  	_ =	swait.ge [sflag:s20], $0x50  }
0x83: {  	v6 =	vadd.f32 v7, v6;
	[sflag:s20] =	ssyncset.done $0x0  }
0x84: {  	s26 =	simm.s32 $0x6C20;
	[sflag:s20] =	ssyncadd.s32 $0xFFFFFFB0  }
0x85: {  	v6 =	vmax.f32 v6, $0.0e+00;
	[tilespmem:s26], [sflag:$0x3] =	stream.indirect.gather [hbm4b:s12+s9], $0x80, s1, s9, $0xb8;
	[tilespmem:$0x1EA60] =	vst v63  }
.LBB2_10:
0x86: {  	v7 =	vld [tilespmem:$0x6630]  }
0x87: {  	v8 =	vld [tilespmem:$0x65E0];
	_ =	sdelay $0x6  }
0x88: {  	v9 =	vld.idx.msk [tilespmem:v7+s11+$0x0], $0xffff  }
0x89: {  	v8 =	vld.idx.msk [tilespmem:v8+s30+$0x0], $0xffff;
	_ =	sdelay $0x4  }
0x8a: {  	v8 =	vadd.f32 v8, v9;
	_ =	sdelay $0x1  }
0x8b: {  	v9 =	vmul.f32 $2.000000030e-01, v8  }
0x8c: {  	vm0 =	vge.f32 v8, $0.0e+00  }
0x8d: {  	v8 =	vsel vm0, v8, v9  }
0x8e: {  	v8 =	vsub.f32 v8, v6;
	_ =	sdelay $0x1  }
0x8f: {  	v8 =	vmul.f32 $1.442695020e+00, v8;
	_ =	sdelay $0x1  }
0x90: {  	(erf) = vpow2.f32 v8;
	_ =	sdelay $0x8  }
0x91: {  	v8 =	vpop (erf)  }
0x92: {  	[tilespmem:$0x66D0] =	vst v8  }
0x93: {  	[tilespmem:v0+s16+$0x0] =	vst.idx.msk $0xffff, v8  }
0x94: {  	v8 =	vld [tilespmem:$0x6640]  }
0x95: {  	v9 =	vld [tilespmem:$0x65F0];
	_ =	sdelay $0x5  }
0x96: {  	[tilespmem:$0x6680] =	vst v7  }
0x97: {  	v7 =	vld.idx.msk [tilespmem:v8+s11+$0x0], $0xffff  }
0x98: {  	v9 =	vld.idx.msk [tilespmem:v9+s30+$0x0], $0xffff;
	_ =	sdelay $0x4  }
0x99: {  	v7 =	vadd.f32 v9, v7;
	_ =	sdelay $0x1  }
0x9a: {  	v9 =	vmul.f32 $2.000000030e-01, v7  }
0x9b: {  	vm12 =	vge.f32 v7, $0.0e+00  }
0x9c: {  	v7 =	vsel vm12, v7, v9  }
0x9d: {  	v7 =	vsub.f32 v7, v6;
	_ =	sdelay $0x1  }
0x9e: {  	v7 =	vmul.f32 $1.442695020e+00, v7;
	_ =	sdelay $0x1  }
0x9f: {  	(erf) = vpow2.f32 v7;
	_ =	sdelay $0x8  }
0xa0: {  	v7 =	vpop (erf)  }
0xa1: {  	[tilespmem:$0x66E0] =	vst v7  }
0xa2: {  	[tilespmem:v2+s16+$0x0] =	vst.idx.msk $0xffff, v7  }
0xa3: {  	v7 =	vld [tilespmem:$0x6650]  }
0xa4: {  	v9 =	vld [tilespmem:$0x6600];
	_ =	sdelay $0x5  }
0xa5: {  	[tilespmem:$0x6690] =	vst v8  }
0xa6: {  	v8 =	vld.idx.msk [tilespmem:v7+s11+$0x0], $0xffff  }
0xa7: {  	v9 =	vld.idx.msk [tilespmem:v9+s30+$0x0], $0xffff;
	_ =	sdelay $0x4  }
0xa8: {  	v8 =	vadd.f32 v9, v8;
	_ =	sdelay $0x1  }
0xa9: {  	v9 =	vmul.f32 $2.000000030e-01, v8  }
0xaa: {  	vm13 =	vge.f32 v8, $0.0e+00  }
0xab: {  	v8 =	vsel vm13, v8, v9  }
0xac: {  	v8 =	vsub.f32 v8, v6;
	_ =	sdelay $0x1  }
0xad: {  	v8 =	vmul.f32 $1.442695020e+00, v8;
	_ =	sdelay $0x1  }
0xae: {  	(erf) = vpow2.f32 v8;
	_ =	sdelay $0x8  }
0xaf: {  	v8 =	vpop (erf)  }
0xb0: {  	[tilespmem:$0x66F0] =	vst v8  }
0xb1: {  	[tilespmem:v3+s16+$0x0] =	vst.idx.msk $0xffff, v8  }
0xb2: {  	v8 =	vld [tilespmem:$0x6660]  }
0xb3: {  	v9 =	vld [tilespmem:$0x6610];
	_ =	sdelay $0x5  }
0xb4: {  	[tilespmem:$0x66A0] =	vst v7  }
0xb5: {  	v7 =	vld.idx.msk [tilespmem:v8+s11+$0x0], $0xffff  }
0xb6: {  	v9 =	vld.idx.msk [tilespmem:v9+s30+$0x0], $0xffff;
	_ =	sdelay $0x4  }
0xb7: {  	v7 =	vadd.f32 v9, v7;
	_ =	sdelay $0x1  }
0xb8: {  	v9 =	vmul.f32 $2.000000030e-01, v7  }
0xb9: {  	vm14 =	vge.f32 v7, $0.0e+00  }
0xba: {  	v7 =	vsel vm14, v7, v9  }
0xbb: {  	v7 =	vsub.f32 v7, v6;
	_ =	sdelay $0x1  }
0xbc: {  	v7 =	vmul.f32 $1.442695020e+00, v7;
	_ =	sdelay $0x1  }
0xbd: {  	(erf) = vpow2.f32 v7;
	_ =	sdelay $0x8  }
0xbe: {  	v7 =	vpop (erf)  }
0xbf: {  	[tilespmem:$0x6700] =	vst v7  }
0xc0: {  	[tilespmem:v4+s16+$0x0] =	vst.idx.msk $0xffff, v7  }
0xc1: {  	v7 =	vld [tilespmem:$0x6670]  }
0xc2: {  	v9 =	vld [tilespmem:$0x6620];
	_ =	sdelay $0x5  }
0xc3: {  	[tilespmem:$0x66B0] =	vst v8  }
0xc4: {  	v8 =	vld.idx.msk [tilespmem:v7+s11+$0x0], $0xffff  }
0xc5: {  	v9 =	vld.idx.msk [tilespmem:v9+s30+$0x0], $0xffff;
	_ =	sdelay $0x4  }
0xc6: {  	v8 =	vadd.f32 v9, v8;
	_ =	sdelay $0x1  }
0xc7: {  	v9 =	vmul.f32 $2.000000030e-01, v8  }
0xc8: {  	vm15 =	vge.f32 v8, $0.0e+00  }
0xc9: {  	v8 =	vsel vm15, v8, v9  }
0xca: {  	v8 =	vsub.f32 v8, v6;
	_ =	sdelay $0x1  }
0xcb: {  	v8 =	vmul.f32 $1.442695020e+00, v8;
	_ =	sdelay $0x1  }
0xcc: {  	(erf) = vpow2.f32 v8;
	_ =	sdelay $0x8  }
0xcd: {  	v8 =	vpop (erf)  }
0xce: {  	[tilespmem:$0x6710] =	vst v8  }
0xcf: {  	[tilespmem:v5+s16+$0x0] =	vst.idx.msk $0xffff, v8  }
0xd0: {  	[tilespmem:$0x66C0] =	vst v7  }
0xd1: {  	s19 =	smul.u32 $0xA0, s6;
	_ =	swait.ge [sflag:s17], $0x2800  }
0xd2: {  	s0 =	rddreg [dreg:$0x10]  }
0xd3: {  	s0 =	sadd.s32 s19, s0  }
0xd4: {  	[sflag:s17] =	ssyncset.done $0x0;
	s0 =	sshrl.u32 s0, $0x3  }
0xd5: {  	[sflag:s17] =	ssyncadd.s32 $0xFFFFD800;
	s2 =	sadd.s32 s7, s0  }
0xd6: {  	[tilespmem:s1], [sflag:$0x1] =	stream.linear.gather [hbm4b:s2+s5], $0x50, $0x38;
	[tilespmem:$0x1EA60] =	vst v63  }
0xd7: {  	s13 =	simm.s32 $0x6630;
	p0 =	seq.s32 s6, $0x0;
	s0 =	sadd.s32 s8, s0  }
0xd8: {  	[tilespmem:s13], [sflag:$0x1] =	stream.linear.gather [hbm4b:s0+s5], $0x50, $0x38;
	[tilespmem:$0x1EA60] =	vst v63  }
0xd9: {  	s0 =	simm.s32 @!p0 $0x6  }
0xda: {  	_ =	swait.ge @!p0 [sflag:s0], $0x5000  }
0xdb: {  	[sflag:s0] =	ssyncset.done @!p0 $0x0  }
0xdc: {  	[sflag:s0] =	ssyncadd.s32 @!p0 $0xFFFFB000  }
0xdd: {  	_ =	swait.ge @!p0 [sflag:s0], $0x500  }
0xde: {  	[sflag:s0] =	ssyncset.done @!p0 $0x0  }
0xdf: {  	s26 =	simm.s32 $0x0;
	[sflag:s0] =	ssyncadd.s32 @!p0 $0xFFFFFB00  }
0xe0: {  	v7 =	vmov s26;
	_ =	swait.ge [sflag:s18], $0x50  }
0xe1: {  	v7 =	vand.u32 $0xFFFFFFFE, v7;
	[sflag:s18] =	ssyncset.done $0x0  }
0xe2: {  	v7 =	vbroadcast v7, $0x0;
	[sflag:s18] =	ssyncadd.s32 $0xFFFFFFB0  }
0xe3: {  	_ =	swait.ge [sflag:s18], $0x50  }
0xe4: {  	s20 =	smov.u32 s4;
	s4 =	smov.u32 s28;
	[sflag:s18] =	ssyncset.done $0x0  }
0xe5: {  	s28 =	simm.s32 $0xEA60;
	s2 =	simm.s32 $0x6CA0;
	[sflag:s18] =	ssyncadd.s32 $0xFFFFFFB0  }
0xe6: {  	[tilespmem:s28], [sflag:$0x4] =	stream.indirect.gather [hbm4b:s12+s9], $0x80, s31, s9, $0xb8;
	[tilespmem:$0x1EA60] =	vst v63  }
0xe7: {  	v8 =	vld [tilespmem:s2+$0xFFFFFF80]  }
0xe8: {  	v7 =	vld.idx.msk [tilespmem:v7+s22+$0x0], $0xffff;
	_ =	sdelay $0x3  }
0xe9: {  	v9 =	vshll.u32 v8, $0x10  }
0xea: {  	v8 =	vand.u32 $0xFFFF0000, v8;
	v9 =	vmul.f32 v9, v7  }
0xeb: {  	s0 =	simm.s32 $0x9520;
	v8 =	vmul.f32 v8, v7  }
0xec: {  	[tilespmem:s0+$0xFFFFFF00] =	vst v9  }
0xed: {  	[tilespmem:s0+$0xFFFFFF10] =	vst v8  }
0xee: {  	v8 =	vld [tilespmem:s2+$0xFFFFFF90];
	_ =	sdelay $0x4  }
0xef: {  	v9 =	vshll.u32 v8, $0x10  }
0xf0: {  	v8 =	vand.u32 $0xFFFF0000, v8;
	v9 =	vmul.f32 v9, v7  }
0xf1: {  	v8 =	vmul.f32 v8, v7  }
0xf2: {  	[tilespmem:s0+$0xFFFFFF20] =	vst v9  }
0xf3: {  	[tilespmem:s0+$0xFFFFFF30] =	vst v8  }
0xf4: {  	v8 =	vld [tilespmem:s2+$0xFFFFFFA0];
	_ =	sdelay $0x4  }
0xf5: {  	v9 =	vshll.u32 v8, $0x10  }
0xf6: {  	v8 =	vand.u32 $0xFFFF0000, v8;
	v9 =	vmul.f32 v9, v7  }
0xf7: {  	v8 =	vmul.f32 v8, v7  }
0xf8: {  	[tilespmem:s0+$0xFFFFFF40] =	vst v9  }
0xf9: {  	[tilespmem:s0+$0xFFFFFF50] =	vst v8  }
0xfa: {  	v8 =	vld [tilespmem:s2+$0xFFFFFFB0];
	_ =	sdelay $0x4  }
0xfb: {  	v9 =	vshll.u32 v8, $0x10  }
0xfc: {  	v8 =	vand.u32 $0xFFFF0000, v8;
	v9 =	vmul.f32 v9, v7  }
0xfd: {  	v8 =	vmul.f32 v8, v7  }
0xfe: {  	[tilespmem:s0+$0xFFFFFF60] =	vst v9  }
0xff: {  	[tilespmem:s0+$0xFFFFFF70] =	vst v8  }
0x100: {  	v8 =	vld [tilespmem:s2+$0xFFFFFFC0];
	_ =	sdelay $0x4  }
0x101: {  	v9 =	vshll.u32 v8, $0x10  }
0x102: {  	v8 =	vand.u32 $0xFFFF0000, v8;
	v9 =	vmul.f32 v9, v7  }
0x103: {  	v8 =	vmul.f32 v8, v7  }
0x104: {  	[tilespmem:s0+$0xFFFFFF80] =	vst v9  }
0x105: {  	[tilespmem:s0+$0xFFFFFF90] =	vst v8  }
0x106: {  	v8 =	vld [tilespmem:s2+$0xFFFFFFD0];
	_ =	sdelay $0x4  }
0x107: {  	v9 =	vshll.u32 v8, $0x10  }
0x108: {  	v8 =	vand.u32 $0xFFFF0000, v8;
	v9 =	vmul.f32 v9, v7  }
0x109: {  	v8 =	vmul.f32 v8, v7  }
0x10a: {  	[tilespmem:s0+$0xFFFFFFA0] =	vst v9  }
0x10b: {  	[tilespmem:s0+$0xFFFFFFB0] =	vst v8  }
0x10c: {  	v8 =	vld [tilespmem:s2+$0xFFFFFFE0];
	_ =	sdelay $0x4  }
0x10d: {  	v9 =	vshll.u32 v8, $0x10  }
0x10e: {  	v8 =	vand.u32 $0xFFFF0000, v8;
	v9 =	vmul.f32 v9, v7  }
0x10f: {  	v8 =	vmul.f32 v8, v7  }
0x110: {  	[tilespmem:s0+$0xFFFFFFC0] =	vst v9  }
0x111: {  	[tilespmem:s0+$0xFFFFFFD0] =	vst v8  }
0x112: {  	v8 =	vld [tilespmem:s2+$0xFFFFFFF0];
	_ =	sdelay $0x4  }
0x113: {  	s10 =	simm.s32 $0x1;
	v9 =	vshll.u32 v8, $0x10  }
0x114: {  	v10 =	vmov s10;
	v8 =	vand.u32 $0xFFFF0000, v8;
	v9 =	vmul.f32 v9, v7  }
0x115: {  	v7 =	vmul.f32 v8, v7  }
0x116: {  	[tilespmem:s0+$0xFFFFFFE0] =	vst v9  }
0x117: {  	[tilespmem:s0+$0xFFFFFFF0] =	vst v7  }
0x118: {  	v8 =	vld [tilespmem:s2+$0x0]  }
0x119: {  	v7 =	vld.idx.msk [tilespmem:v10+s22+$0x0], $0xffff;
	_ =	sdelay $0x3  }
0x11a: {  	v9 =	vshll.u32 v8, $0x10  }
0x11b: {  	v8 =	vand.u32 $0xFFFF0000, v8;
	v9 =	vmul.f32 v9, v7  }
0x11c: {  	v8 =	vmul.f32 v8, v7  }
0x11d: {  	[tilespmem:s0+$0x0] =	vst v9  }
0x11e: {  	[tilespmem:s0+$0x10] =	vst v8  }
0x11f: {  	v8 =	vld [tilespmem:s2+$0x10];
	_ =	sdelay $0x4  }
0x120: {  	v9 =	vshll.u32 v8, $0x10  }
0x121: {  	v8 =	vand.u32 $0xFFFF0000, v8;
	v9 =	vmul.f32 v9, v7  }
0x122: {  	v8 =	vmul.f32 v8, v7  }
0x123: {  	[tilespmem:s0+$0x20] =	vst v9  }
0x124: {  	[tilespmem:s0+$0x30] =	vst v8  }
0x125: {  	v8 =	vld [tilespmem:s2+$0x20];
	_ =	sdelay $0x4  }
0x126: {  	v9 =	vshll.u32 v8, $0x10  }
0x127: {  	v8 =	vand.u32 $0xFFFF0000, v8;
	v9 =	vmul.f32 v9, v7  }
0x128: {  	v8 =	vmul.f32 v8, v7  }
0x129: {  	[tilespmem:s0+$0x40] =	vst v9  }
0x12a: {  	[tilespmem:s0+$0x50] =	vst v8  }
0x12b: {  	v8 =	vld [tilespmem:s2+$0x30];
	_ =	sdelay $0x4  }
0x12c: {  	v9 =	vshll.u32 v8, $0x10  }
0x12d: {  	v8 =	vand.u32 $0xFFFF0000, v8;
	v9 =	vmul.f32 v9, v7  }
0x12e: {  	v8 =	vmul.f32 v8, v7  }
0x12f: {  	[tilespmem:s0+$0x60] =	vst v9  }
0x130: {  	[tilespmem:s0+$0x70] =	vst v8  }
0x131: {  	v8 =	vld [tilespmem:s2+$0x40];
	_ =	sdelay $0x4  }
0x132: {  	v9 =	vshll.u32 v8, $0x10  }
0x133: {  	v8 =	vand.u32 $0xFFFF0000, v8;
	v9 =	vmul.f32 v9, v7  }
0x134: {  	v8 =	vmul.f32 v8, v7  }
0x135: {  	[tilespmem:s0+$0x80] =	vst v9  }
0x136: {  	[tilespmem:s0+$0x90] =	vst v8  }
0x137: {  	v8 =	vld [tilespmem:s2+$0x50];
	_ =	sdelay $0x4  }
0x138: {  	v9 =	vshll.u32 v8, $0x10  }
0x139: {  	v8 =	vand.u32 $0xFFFF0000, v8;
	v9 =	vmul.f32 v9, v7  }
0x13a: {  	v8 =	vmul.f32 v8, v7  }
0x13b: {  	[tilespmem:s0+$0xA0] =	vst v9  }
0x13c: {  	[tilespmem:s0+$0xB0] =	vst v8  }
0x13d: {  	s10 =	simm.s32 $0x9520;
	s26 =	simm.s32 $0x3;
	s13 =	simm.s32 $0x6CA0;
	v8 =	vld [tilespmem:s2+$0x60]  }
.LBB2_11:
0x13e: {  	_ = 	snop  }
0x13f: {  	p0 =	sne.s32 s26, $0x4F;
	s2 =	sadd.s32 $0x100, s2;
	s0 =	sadd.s32 $0x200, s0  }
0x140: {  	s28 =	smov.u32 s26;
	s26 =	sadd.s32 $0x2, s26;
	_ =	sdelay $0x1  }
0x141: {  	v9 =	vshll.u32 v8, $0x10;
	v8 =	vand.u32 $0xFFFF0000, v8  }
0x142: {  	v9 =	vmul.f32 v9, v7;
	v8 =	vmul.f32 v8, v7;
	_ =	sdelay $0x1  }
0x143: {  	[tilespmem:s10+$0xC0] =	vst v9  }
0x144: {  	[tilespmem:s10+$0xD0] =	vst v8  }
0x145: {  	v8 =	vld [tilespmem:s13+$0x70];
	s13 =	smov.u32 s2;
	_ =	sdelay $0x1  }
0x146: {  	s3 =	sadd.s32 $0xFFFFFFFF, s28  }
0x147: {  	v9 =	vmov s3  }
0x148: {  	v9 =	vand.u32 $0xFFFFFFFE, v9  }
0x149: {  	v9 =	vbroadcast v9, $0x0;
	v10 =	vshll.u32 v8, $0x10;
	v8 =	vand.u32 $0xFFFF0000, v8  }
0x14a: {  	v10 =	vmul.f32 v10, v7;
	v7 =	vmul.f32 v8, v7;
	_ =	sdelay $0x1  }
0x14b: {  	[tilespmem:s10+$0xE0] =	vst v10  }
0x14c: {  	[tilespmem:s10+$0xF0] =	vst v7;
	s10 =	smov.u32 s0  }
0x14d: {  	v8 =	vld [tilespmem:s2+$0xFFFFFF80]  }
0x14e: {  	v7 =	vld.idx.msk [tilespmem:v9+s22+$0x0], $0xffff;
	_ =	sdelay $0x4  }
0x14f: {  	v9 =	vshll.u32 v8, $0x10;
	v8 =	vand.u32 $0xFFFF0000, v8  }
0x150: {  	v9 =	vmul.f32 v9, v7;
	v8 =	vmul.f32 v8, v7;
	_ =	sdelay $0x1  }
0x151: {  	[tilespmem:s0+$0xFFFFFF00] =	vst v9  }
0x152: {  	[tilespmem:s0+$0xFFFFFF10] =	vst v8  }
0x153: {  	v8 =	vld [tilespmem:s2+$0xFFFFFF90];
	_ =	sdelay $0x4  }
0x154: {  	v9 =	vshll.u32 v8, $0x10;
	v8 =	vand.u32 $0xFFFF0000, v8  }
0x155: {  	v9 =	vmul.f32 v9, v7;
	v8 =	vmul.f32 v8, v7;
	_ =	sdelay $0x1  }
0x156: {  	[tilespmem:s0+$0xFFFFFF20] =	vst v9  }
0x157: {  	[tilespmem:s0+$0xFFFFFF30] =	vst v8  }
0x158: {  	v8 =	vld [tilespmem:s2+$0xFFFFFFA0];
	_ =	sdelay $0x4  }
0x159: {  	v9 =	vshll.u32 v8, $0x10;
	v8 =	vand.u32 $0xFFFF0000, v8  }
0x15a: {  	v9 =	vmul.f32 v9, v7;
	v8 =	vmul.f32 v8, v7;
	_ =	sdelay $0x1  }
0x15b: {  	[tilespmem:s0+$0xFFFFFF40] =	vst v9  }
0x15c: {  	[tilespmem:s0+$0xFFFFFF50] =	vst v8  }
0x15d: {  	v8 =	vld [tilespmem:s2+$0xFFFFFFB0];
	_ =	sdelay $0x4  }
0x15e: {  	v9 =	vshll.u32 v8, $0x10;
	v8 =	vand.u32 $0xFFFF0000, v8  }
0x15f: {  	v9 =	vmul.f32 v9, v7;
	v8 =	vmul.f32 v8, v7;
	_ =	sdelay $0x1  }
0x160: {  	[tilespmem:s0+$0xFFFFFF60] =	vst v9  }
0x161: {  	[tilespmem:s0+$0xFFFFFF70] =	vst v8  }
0x162: {  	v8 =	vld [tilespmem:s2+$0xFFFFFFC0];
	_ =	sdelay $0x4  }
0x163: {  	v9 =	vshll.u32 v8, $0x10;
	v8 =	vand.u32 $0xFFFF0000, v8  }
0x164: {  	v9 =	vmul.f32 v9, v7;
	v8 =	vmul.f32 v8, v7;
	_ =	sdelay $0x1  }
0x165: {  	[tilespmem:s0+$0xFFFFFF80] =	vst v9  }
0x166: {  	[tilespmem:s0+$0xFFFFFF90] =	vst v8  }
0x167: {  	v8 =	vld [tilespmem:s2+$0xFFFFFFD0];
	_ =	sdelay $0x4  }
0x168: {  	v9 =	vshll.u32 v8, $0x10;
	v8 =	vand.u32 $0xFFFF0000, v8  }
0x169: {  	v9 =	vmul.f32 v9, v7;
	v8 =	vmul.f32 v8, v7;
	_ =	sdelay $0x1  }
0x16a: {  	[tilespmem:s0+$0xFFFFFFA0] =	vst v9  }
0x16b: {  	[tilespmem:s0+$0xFFFFFFB0] =	vst v8  }
0x16c: {  	v8 =	vld [tilespmem:s2+$0xFFFFFFE0];
	_ =	sdelay $0x4  }
0x16d: {  	v9 =	vshll.u32 v8, $0x10;
	v8 =	vand.u32 $0xFFFF0000, v8  }
0x16e: {  	v9 =	vmul.f32 v9, v7;
	v8 =	vmul.f32 v8, v7;
	_ =	sdelay $0x1  }
0x16f: {  	[tilespmem:s0+$0xFFFFFFC0] =	vst v9  }
0x170: {  	[tilespmem:s0+$0xFFFFFFD0] =	vst v8  }
0x171: {  	v8 =	vld [tilespmem:s2+$0xFFFFFFF0];
	_ =	sdelay $0x4  }
0x172: {  	v10 =	vmov s28;
	v9 =	vshll.u32 v8, $0x10;
	v8 =	vand.u32 $0xFFFF0000, v8  }
0x173: {  	v9 =	vmul.f32 v9, v7;
	v7 =	vmul.f32 v8, v7;
	_ =	sdelay $0x1  }
0x174: {  	[tilespmem:s0+$0xFFFFFFE0] =	vst v9  }
0x175: {  	[tilespmem:s0+$0xFFFFFFF0] =	vst v7  }
0x176: {  	v7 =	vld.idx.msk [tilespmem:v10+s22+$0x0], $0xffff  }
0x177: {  	v8 =	vld [tilespmem:s2+$0x0];
	_ =	sdelay $0x4  }
0x178: {  	v9 =	vshll.u32 v8, $0x10;
	v8 =	vand.u32 $0xFFFF0000, v8  }
0x179: {  	v9 =	vmul.f32 v9, v7;
	v8 =	vmul.f32 v8, v7;
	_ =	sdelay $0x1  }
0x17a: {  	[tilespmem:s0+$0x0] =	vst v9  }
0x17b: {  	[tilespmem:s0+$0x10] =	vst v8  }
0x17c: {  	v8 =	vld [tilespmem:s2+$0x10];
	_ =	sdelay $0x4  }
0x17d: {  	v9 =	vshll.u32 v8, $0x10;
	v8 =	vand.u32 $0xFFFF0000, v8  }
0x17e: {  	v9 =	vmul.f32 v9, v7;
	v8 =	vmul.f32 v8, v7;
	_ =	sdelay $0x1  }
0x17f: {  	[tilespmem:s0+$0x20] =	vst v9  }
0x180: {  	[tilespmem:s0+$0x30] =	vst v8  }
0x181: {  	v8 =	vld [tilespmem:s2+$0x20];
	_ =	sdelay $0x4  }
0x182: {  	v9 =	vshll.u32 v8, $0x10;
	v8 =	vand.u32 $0xFFFF0000, v8  }
0x183: {  	v9 =	vmul.f32 v9, v7;
	v8 =	vmul.f32 v8, v7;
	_ =	sdelay $0x1  }
0x184: {  	[tilespmem:s0+$0x40] =	vst v9  }
0x185: {  	[tilespmem:s0+$0x50] =	vst v8  }
0x186: {  	v8 =	vld [tilespmem:s2+$0x30];
	_ =	sdelay $0x4  }
0x187: {  	v9 =	vshll.u32 v8, $0x10;
	v8 =	vand.u32 $0xFFFF0000, v8  }
0x188: {  	v9 =	vmul.f32 v9, v7;
	v8 =	vmul.f32 v8, v7;
	_ =	sdelay $0x1  }
0x189: {  	[tilespmem:s0+$0x60] =	vst v9  }
0x18a: {  	[tilespmem:s0+$0x70] =	vst v8  }
0x18b: {  	v8 =	vld [tilespmem:s2+$0x40];
	_ =	sdelay $0x4  }
0x18c: {  	v9 =	vshll.u32 v8, $0x10;
	v8 =	vand.u32 $0xFFFF0000, v8  }
0x18d: {  	v9 =	vmul.f32 v9, v7;
	v8 =	vmul.f32 v8, v7;
	_ =	sdelay $0x1  }
0x18e: {  	[tilespmem:s0+$0x80] =	vst v9  }
0x18f: {  	[tilespmem:s0+$0x90] =	vst v8  }
0x190: {  	v8 =	vld [tilespmem:s2+$0x50];
	_ =	sdelay $0x4  }
0x191: {  	v9 =	vshll.u32 v8, $0x10;
	v8 =	vand.u32 $0xFFFF0000, v8  }
.Ltmp4:
0x192: {  	v9 =	vmul.f32 v9, v7;
	v8 =	vmul.f32 v8, v7;
	(pc) =	sbr.rel @p0 .LBB2_11-.Ltmp4, $4  }
0x193: {  	_ = 	snop  }
0x194: {  	[tilespmem:s0+$0xA0] =	vst v9  }
0x195: {  	[tilespmem:s0+$0xB0] =	vst v8  }
0x196: {  	v8 =	vld [tilespmem:s2+$0x60]  }
0x197: {  	_ =	sdelay $0x3  }
0x198: {  	v9 =	vshll.u32 v8, $0x10  }
0x199: {  	v8 =	vand.u32 $0xFFFF0000, v8;
	v9 =	vmul.f32 v9, v7  }
0x19a: {  	v8 =	vmul.f32 v8, v7  }
0x19b: {  	[tilespmem:s10+$0xC0] =	vst v9  }
0x19c: {  	[tilespmem:s10+$0xD0] =	vst v8  }
0x19d: {  	v8 =	vld [tilespmem:s13+$0x70];
	_ =	sdelay $0x4  }
0x19e: {  	v9 =	vshll.u32 v8, $0x10  }
0x19f: {  	v8 =	vand.u32 $0xFFFF0000, v8;
	v9 =	vmul.f32 v9, v7  }
0x1a0: {  	v7 =	vmul.f32 v8, v7  }
0x1a1: {  	[tilespmem:s10+$0xE0] =	vst v9  }
0x1a2: {  	s0 =	simm.s32 $0x9420;
	[tilespmem:s10+$0xF0] =	vst v7  }
0x1a3: {  	[spmem:s4] =	stream.indirect.scatter.add.f32 [tilespmem:s0], [sflag:$0x5], $0x100, s23, s9, $0xb8;
	[tilespmem:$0x1EA60] =	vst v63  }
0x1a4: {  	_ = 	snop  }
0x1a5: {  	[spmem:s20] =	stream.indirect.scatter.add.f32 [tilespmem:s16], [sflag:$0x5], $0x10, s23, s9, $0xb8;
	[tilespmem:$0x1EA60] =	vst v63  }
0x1a6: {  	v7 =	vld [tilespmem:$0xE470]  }
0x1a7: {  	v8 =	vld [tilespmem:$0xE420];
	_ =	sdelay $0x6  }
0x1a8: {  	v9 =	vld.idx.msk [tilespmem:v7+s11+$0x0], $0xffff  }
0x1a9: {  	v8 =	vld.idx.msk [tilespmem:v8+s30+$0x0], $0xffff;
	_ =	sdelay $0x4  }
0x1aa: {  	v8 =	vadd.f32 v8, v9;
	_ =	sdelay $0x1  }
0x1ab: {  	v9 =	vmul.f32 $2.000000030e-01, v8  }
0x1ac: {  	vm0 =	vge.f32 v8, $0.0e+00  }
0x1ad: {  	v8 =	vsel vm0, v8, v9  }
0x1ae: {  	v8 =	vsub.f32 v8, v6;
	_ =	sdelay $0x1  }
0x1af: {  	v8 =	vmul.f32 $1.442695020e+00, v8;
	_ =	sdelay $0x1  }
0x1b0: {  	(erf) = vpow2.f32 v8;
	_ =	sdelay $0x8  }
0x1b1: {  	v8 =	vpop (erf)  }
0x1b2: {  	[tilespmem:$0xE510] =	vst v8  }
0x1b3: {  	[tilespmem:v0+s24+$0x0] =	vst.idx.msk $0xffff, v8  }
0x1b4: {  	v8 =	vld [tilespmem:$0xE480]  }
0x1b5: {  	v9 =	vld [tilespmem:$0xE430];
	_ =	sdelay $0x5  }
0x1b6: {  	[tilespmem:$0xE4C0] =	vst v7  }
0x1b7: {  	v7 =	vld.idx.msk [tilespmem:v8+s11+$0x0], $0xffff  }
0x1b8: {  	v9 =	vld.idx.msk [tilespmem:v9+s30+$0x0], $0xffff;
	_ =	sdelay $0x4  }
0x1b9: {  	v7 =	vadd.f32 v9, v7;
	_ =	sdelay $0x1  }
0x1ba: {  	v9 =	vmul.f32 $2.000000030e-01, v7  }
0x1bb: {  	vm12 =	vge.f32 v7, $0.0e+00  }
0x1bc: {  	v7 =	vsel vm12, v7, v9  }
0x1bd: {  	v7 =	vsub.f32 v7, v6;
	_ =	sdelay $0x1  }
0x1be: {  	v7 =	vmul.f32 $1.442695020e+00, v7;
	_ =	sdelay $0x1  }
0x1bf: {  	(erf) = vpow2.f32 v7;
	_ =	sdelay $0x8  }
0x1c0: {  	v7 =	vpop (erf)  }
0x1c1: {  	[tilespmem:$0xE520] =	vst v7  }
0x1c2: {  	[tilespmem:v2+s24+$0x0] =	vst.idx.msk $0xffff, v7  }
0x1c3: {  	v7 =	vld [tilespmem:$0xE490]  }
0x1c4: {  	v9 =	vld [tilespmem:$0xE440];
	_ =	sdelay $0x5  }
0x1c5: {  	[tilespmem:$0xE4D0] =	vst v8  }
0x1c6: {  	v8 =	vld.idx.msk [tilespmem:v7+s11+$0x0], $0xffff  }
0x1c7: {  	v9 =	vld.idx.msk [tilespmem:v9+s30+$0x0], $0xffff;
	_ =	sdelay $0x4  }
0x1c8: {  	v8 =	vadd.f32 v9, v8;
	_ =	sdelay $0x1  }
0x1c9: {  	v9 =	vmul.f32 $2.000000030e-01, v8  }
0x1ca: {  	vm13 =	vge.f32 v8, $0.0e+00  }
0x1cb: {  	v8 =	vsel vm13, v8, v9  }
0x1cc: {  	v8 =	vsub.f32 v8, v6;
	_ =	sdelay $0x1  }
0x1cd: {  	v8 =	vmul.f32 $1.442695020e+00, v8;
	_ =	sdelay $0x1  }
0x1ce: {  	(erf) = vpow2.f32 v8;
	_ =	sdelay $0x8  }
0x1cf: {  	v8 =	vpop (erf)  }
0x1d0: {  	[tilespmem:$0xE530] =	vst v8  }
0x1d1: {  	[tilespmem:v3+s24+$0x0] =	vst.idx.msk $0xffff, v8  }
0x1d2: {  	v8 =	vld [tilespmem:$0xE4A0]  }
0x1d3: {  	v9 =	vld [tilespmem:$0xE450];
	_ =	sdelay $0x5  }
0x1d4: {  	[tilespmem:$0xE4E0] =	vst v7  }
0x1d5: {  	v7 =	vld.idx.msk [tilespmem:v8+s11+$0x0], $0xffff  }
0x1d6: {  	v9 =	vld.idx.msk [tilespmem:v9+s30+$0x0], $0xffff;
	_ =	sdelay $0x4  }
0x1d7: {  	v7 =	vadd.f32 v9, v7;
	_ =	sdelay $0x1  }
0x1d8: {  	v9 =	vmul.f32 $2.000000030e-01, v7  }
0x1d9: {  	vm14 =	vge.f32 v7, $0.0e+00  }
0x1da: {  	v7 =	vsel vm14, v7, v9  }
0x1db: {  	v7 =	vsub.f32 v7, v6;
	_ =	sdelay $0x1  }
0x1dc: {  	v7 =	vmul.f32 $1.442695020e+00, v7;
	_ =	sdelay $0x1  }
0x1dd: {  	(erf) = vpow2.f32 v7;
	_ =	sdelay $0x8  }
0x1de: {  	v7 =	vpop (erf)  }
0x1df: {  	[tilespmem:$0xE540] =	vst v7  }
0x1e0: {  	[tilespmem:v4+s24+$0x0] =	vst.idx.msk $0xffff, v7  }
0x1e1: {  	v7 =	vld [tilespmem:$0xE4B0]  }
0x1e2: {  	v9 =	vld [tilespmem:$0xE460];
	_ =	sdelay $0x5  }
0x1e3: {  	[tilespmem:$0xE4F0] =	vst v8  }
0x1e4: {  	v8 =	vld.idx.msk [tilespmem:v7+s11+$0x0], $0xffff  }
0x1e5: {  	v9 =	vld.idx.msk [tilespmem:v9+s30+$0x0], $0xffff;
	_ =	sdelay $0x4  }
0x1e6: {  	v8 =	vadd.f32 v9, v8;
	_ =	sdelay $0x1  }
0x1e7: {  	v9 =	vmul.f32 $2.000000030e-01, v8  }
0x1e8: {  	vm15 =	vge.f32 v8, $0.0e+00  }
0x1e9: {  	v8 =	vsel vm15, v8, v9  }
0x1ea: {  	v8 =	vsub.f32 v8, v6;
	_ =	sdelay $0x1  }
0x1eb: {  	v8 =	vmul.f32 $1.442695020e+00, v8;
	_ =	sdelay $0x1  }
0x1ec: {  	(erf) = vpow2.f32 v8;
	_ =	sdelay $0x8  }
0x1ed: {  	v8 =	vpop (erf)  }
0x1ee: {  	[tilespmem:$0xE550] =	vst v8  }
0x1ef: {  	[tilespmem:v5+s24+$0x0] =	vst.idx.msk $0xffff, v8  }
0x1f0: {  	[tilespmem:$0xE500] =	vst v7  }
0x1f1: {  	_ =	swait.ge [sflag:s25], $0x2800  }
0x1f2: {  	s10 =	rddreg [dreg:$0x15]  }
0x1f3: {  	s0 =	sadd.s32 s19, s10  }
0x1f4: {  	[sflag:s25] =	ssyncset.done $0x0;
	s0 =	sshrl.u32 s0, $0x3  }
0x1f5: {  	[sflag:s25] =	ssyncadd.s32 $0xFFFFD800;
	s2 =	sadd.s32 s7, s0  }
0x1f6: {  	[tilespmem:s31], [sflag:$0x2] =	stream.linear.gather [hbm4b:s2+s5], $0x50, $0x38;
	[tilespmem:$0x1EA60] =	vst v63  }
0x1f7: {  	s13 =	simm.s32 $0xE470;
	s0 =	sadd.s32 s8, s0  }
0x1f8: {  	[tilespmem:s13], [sflag:$0x2] =	stream.linear.gather [hbm4b:s0+s5], $0x50, $0x38;
	[tilespmem:$0x1EA60] =	vst v63  }
0x1f9: {  	_ =	swait.ge [sflag:s29], $0x5000  }
0x1fa: {  	[sflag:s29] =	ssyncset.done $0x0  }
0x1fb: {  	[sflag:s29] =	ssyncadd.s32 $0xFFFFB000  }
0x1fc: {  	_ =	swait.ge [sflag:s29], $0x500  }
0x1fd: {  	s28 =	smov.u32 s4;
	s4 =	smov.u32 s20;
	[sflag:s29] =	ssyncset.done $0x0  }
0x1fe: {  	s20 =	simm.s32 $0x0;
	s19 =	simm.s32 $0x1;
	[sflag:s29] =	ssyncadd.s32 $0xFFFFFB00  }
0x1ff: {  	v7 =	vmov s20;
	_ =	swait.ge [sflag:s19], $0x50  }
0x200: {  	v7 =	vand.u32 $0xFFFFFFFE, v7;
	[sflag:s19] =	ssyncset.done $0x0  }
0x201: {  	v7 =	vbroadcast v7, $0x0;
	[sflag:s19] =	ssyncadd.s32 $0xFFFFFFB0  }
0x202: {  	_ =	swait.ge [sflag:s19], $0x50  }
0x203: {  	[sflag:s19] =	ssyncset.done $0x0  }
0x204: {  	s26 =	simm.s32 $0x6C20;
	s2 =	simm.s32 $0xEAE0;
	[sflag:s19] =	ssyncadd.s32 $0xFFFFFFB0  }
0x205: {  	[tilespmem:s26], [sflag:$0x3] =	stream.indirect.gather [hbm4b:s12+s9], $0x80, s1, s9, $0xb8;
	[tilespmem:$0x1EA60] =	vst v63  }
0x206: {  	v8 =	vld [tilespmem:s2+$0xFFFFFF80]  }
0x207: {  	v7 =	vld.idx.msk [tilespmem:v7+s14+$0x0], $0xffff;
	_ =	sdelay $0x3  }
0x208: {  	v9 =	vshll.u32 v8, $0x10  }
0x209: {  	v8 =	vand.u32 $0xFFFF0000, v8;
	v9 =	vmul.f32 v9, v7  }
0x20a: {  	s0 =	simm.s32 $0x11360;
	v8 =	vmul.f32 v8, v7  }
0x20b: {  	[tilespmem:s0+$0xFFFFFF00] =	vst v9  }
0x20c: {  	[tilespmem:s0+$0xFFFFFF10] =	vst v8  }
0x20d: {  	v8 =	vld [tilespmem:s2+$0xFFFFFF90];
	_ =	sdelay $0x4  }
0x20e: {  	v9 =	vshll.u32 v8, $0x10  }
0x20f: {  	v8 =	vand.u32 $0xFFFF0000, v8;
	v9 =	vmul.f32 v9, v7  }
0x210: {  	v8 =	vmul.f32 v8, v7  }
0x211: {  	[tilespmem:s0+$0xFFFFFF20] =	vst v9  }
0x212: {  	[tilespmem:s0+$0xFFFFFF30] =	vst v8  }
0x213: {  	v8 =	vld [tilespmem:s2+$0xFFFFFFA0];
	_ =	sdelay $0x4  }
0x214: {  	v9 =	vshll.u32 v8, $0x10  }
0x215: {  	v8 =	vand.u32 $0xFFFF0000, v8;
	v9 =	vmul.f32 v9, v7  }
0x216: {  	v8 =	vmul.f32 v8, v7  }
0x217: {  	[tilespmem:s0+$0xFFFFFF40] =	vst v9  }
0x218: {  	[tilespmem:s0+$0xFFFFFF50] =	vst v8  }
0x219: {  	v8 =	vld [tilespmem:s2+$0xFFFFFFB0];
	_ =	sdelay $0x4  }
0x21a: {  	v9 =	vshll.u32 v8, $0x10  }
0x21b: {  	v8 =	vand.u32 $0xFFFF0000, v8;
	v9 =	vmul.f32 v9, v7  }
0x21c: {  	v8 =	vmul.f32 v8, v7  }
0x21d: {  	[tilespmem:s0+$0xFFFFFF60] =	vst v9  }
0x21e: {  	[tilespmem:s0+$0xFFFFFF70] =	vst v8  }
0x21f: {  	v8 =	vld [tilespmem:s2+$0xFFFFFFC0];
	_ =	sdelay $0x4  }
0x220: {  	v9 =	vshll.u32 v8, $0x10  }
0x221: {  	v8 =	vand.u32 $0xFFFF0000, v8;
	v9 =	vmul.f32 v9, v7  }
0x222: {  	v8 =	vmul.f32 v8, v7  }
0x223: {  	[tilespmem:s0+$0xFFFFFF80] =	vst v9  }
0x224: {  	[tilespmem:s0+$0xFFFFFF90] =	vst v8  }
0x225: {  	v8 =	vld [tilespmem:s2+$0xFFFFFFD0];
	_ =	sdelay $0x4  }
0x226: {  	v9 =	vshll.u32 v8, $0x10  }
0x227: {  	v8 =	vand.u32 $0xFFFF0000, v8;
	v9 =	vmul.f32 v9, v7  }
0x228: {  	v8 =	vmul.f32 v8, v7  }
0x229: {  	[tilespmem:s0+$0xFFFFFFA0] =	vst v9  }
0x22a: {  	[tilespmem:s0+$0xFFFFFFB0] =	vst v8  }
0x22b: {  	v8 =	vld [tilespmem:s2+$0xFFFFFFE0];
	_ =	sdelay $0x4  }
0x22c: {  	v9 =	vshll.u32 v8, $0x10  }
0x22d: {  	v8 =	vand.u32 $0xFFFF0000, v8;
	v9 =	vmul.f32 v9, v7  }
0x22e: {  	v8 =	vmul.f32 v8, v7  }
0x22f: {  	[tilespmem:s0+$0xFFFFFFC0] =	vst v9  }
0x230: {  	[tilespmem:s0+$0xFFFFFFD0] =	vst v8  }
0x231: {  	v8 =	vld [tilespmem:s2+$0xFFFFFFF0];
	_ =	sdelay $0x4  }
0x232: {  	v9 =	vshll.u32 v8, $0x10  }
0x233: {  	v10 =	vmov s19;
	v8 =	vand.u32 $0xFFFF0000, v8;
	v9 =	vmul.f32 v9, v7  }
0x234: {  	v7 =	vmul.f32 v8, v7  }
0x235: {  	[tilespmem:s0+$0xFFFFFFE0] =	vst v9  }
0x236: {  	[tilespmem:s0+$0xFFFFFFF0] =	vst v7  }
0x237: {  	v8 =	vld [tilespmem:s2+$0x0]  }
0x238: {  	v7 =	vld.idx.msk [tilespmem:v10+s14+$0x0], $0xffff;
	_ =	sdelay $0x3  }
0x239: {  	v9 =	vshll.u32 v8, $0x10  }
0x23a: {  	v8 =	vand.u32 $0xFFFF0000, v8;
	v9 =	vmul.f32 v9, v7  }
0x23b: {  	v8 =	vmul.f32 v8, v7  }
0x23c: {  	[tilespmem:s0+$0x0] =	vst v9  }
0x23d: {  	[tilespmem:s0+$0x10] =	vst v8  }
0x23e: {  	v8 =	vld [tilespmem:s2+$0x10];
	_ =	sdelay $0x4  }
0x23f: {  	v9 =	vshll.u32 v8, $0x10  }
0x240: {  	v8 =	vand.u32 $0xFFFF0000, v8;
	v9 =	vmul.f32 v9, v7  }
0x241: {  	v8 =	vmul.f32 v8, v7  }
0x242: {  	[tilespmem:s0+$0x20] =	vst v9  }
0x243: {  	[tilespmem:s0+$0x30] =	vst v8  }
0x244: {  	v8 =	vld [tilespmem:s2+$0x20];
	_ =	sdelay $0x4  }
0x245: {  	v9 =	vshll.u32 v8, $0x10  }
0x246: {  	v8 =	vand.u32 $0xFFFF0000, v8;
	v9 =	vmul.f32 v9, v7  }
0x247: {  	v8 =	vmul.f32 v8, v7  }
0x248: {  	[tilespmem:s0+$0x40] =	vst v9  }
0x249: {  	[tilespmem:s0+$0x50] =	vst v8  }
0x24a: {  	v8 =	vld [tilespmem:s2+$0x30];
	_ =	sdelay $0x4  }
0x24b: {  	v9 =	vshll.u32 v8, $0x10  }
0x24c: {  	v8 =	vand.u32 $0xFFFF0000, v8;
	v9 =	vmul.f32 v9, v7  }
0x24d: {  	v8 =	vmul.f32 v8, v7  }
0x24e: {  	[tilespmem:s0+$0x60] =	vst v9  }
0x24f: {  	[tilespmem:s0+$0x70] =	vst v8  }
0x250: {  	v8 =	vld [tilespmem:s2+$0x40];
	_ =	sdelay $0x4  }
0x251: {  	v9 =	vshll.u32 v8, $0x10  }
0x252: {  	v8 =	vand.u32 $0xFFFF0000, v8;
	v9 =	vmul.f32 v9, v7  }
0x253: {  	v8 =	vmul.f32 v8, v7  }
0x254: {  	[tilespmem:s0+$0x80] =	vst v9  }
0x255: {  	[tilespmem:s0+$0x90] =	vst v8  }
0x256: {  	v8 =	vld [tilespmem:s2+$0x50];
	_ =	sdelay $0x4  }
0x257: {  	v9 =	vshll.u32 v8, $0x10  }
0x258: {  	v8 =	vand.u32 $0xFFFF0000, v8;
	v9 =	vmul.f32 v9, v7  }
0x259: {  	v8 =	vmul.f32 v8, v7  }
0x25a: {  	[tilespmem:s0+$0xA0] =	vst v9  }
0x25b: {  	[tilespmem:s0+$0xB0] =	vst v8  }
0x25c: {  	s10 =	simm.s32 $0x11360;
	s13 =	simm.s32 $0xEAE0;
	s19 =	simm.s32 $0x3;
	v8 =	vld [tilespmem:s2+$0x60]  }
.LBB2_13:
0x25d: {  	_ = 	snop  }
0x25e: {  	p0 =	sne.s32 s19, $0x4F;
	s2 =	sadd.s32 $0x100, s2;
	s0 =	sadd.s32 $0x200, s0  }
0x25f: {  	s26 =	smov.u32 s19;
	s19 =	sadd.s32 $0x2, s19;
	_ =	sdelay $0x1  }
0x260: {  	v9 =	vshll.u32 v8, $0x10;
	v8 =	vand.u32 $0xFFFF0000, v8  }
0x261: {  	v9 =	vmul.f32 v9, v7;
	v8 =	vmul.f32 v8, v7;
	_ =	sdelay $0x1  }
0x262: {  	[tilespmem:s10+$0xC0] =	vst v9  }
0x263: {  	[tilespmem:s10+$0xD0] =	vst v8  }
0x264: {  	v8 =	vld [tilespmem:s13+$0x70];
	s13 =	smov.u32 s2;
	_ =	sdelay $0x1  }
0x265: {  	s3 =	sadd.s32 $0xFFFFFFFF, s26  }
0x266: {  	v9 =	vmov s3  }
0x267: {  	v9 =	vand.u32 $0xFFFFFFFE, v9  }
0x268: {  	v9 =	vbroadcast v9, $0x0;
	v10 =	vshll.u32 v8, $0x10;
	v8 =	vand.u32 $0xFFFF0000, v8  }
0x269: {  	v10 =	vmul.f32 v10, v7;
	v7 =	vmul.f32 v8, v7;
	_ =	sdelay $0x1  }
0x26a: {  	[tilespmem:s10+$0xE0] =	vst v10  }
0x26b: {  	[tilespmem:s10+$0xF0] =	vst v7;
	s10 =	smov.u32 s0  }
0x26c: {  	v8 =	vld [tilespmem:s2+$0xFFFFFF80]  }
0x26d: {  	v7 =	vld.idx.msk [tilespmem:v9+s14+$0x0], $0xffff;
	_ =	sdelay $0x4  }
0x26e: {  	v9 =	vshll.u32 v8, $0x10;
	v8 =	vand.u32 $0xFFFF0000, v8  }
0x26f: {  	v9 =	vmul.f32 v9, v7;
	v8 =	vmul.f32 v8, v7;
	_ =	sdelay $0x1  }
0x270: {  	[tilespmem:s0+$0xFFFFFF00] =	vst v9  }
0x271: {  	[tilespmem:s0+$0xFFFFFF10] =	vst v8  }
0x272: {  	v8 =	vld [tilespmem:s2+$0xFFFFFF90];
	_ =	sdelay $0x4  }
0x273: {  	v9 =	vshll.u32 v8, $0x10;
	v8 =	vand.u32 $0xFFFF0000, v8  }
0x274: {  	v9 =	vmul.f32 v9, v7;
	v8 =	vmul.f32 v8, v7;
	_ =	sdelay $0x1  }
0x275: {  	[tilespmem:s0+$0xFFFFFF20] =	vst v9  }
0x276: {  	[tilespmem:s0+$0xFFFFFF30] =	vst v8  }
0x277: {  	v8 =	vld [tilespmem:s2+$0xFFFFFFA0];
	_ =	sdelay $0x4  }
0x278: {  	v9 =	vshll.u32 v8, $0x10;
	v8 =	vand.u32 $0xFFFF0000, v8  }
0x279: {  	v9 =	vmul.f32 v9, v7;
	v8 =	vmul.f32 v8, v7;
	_ =	sdelay $0x1  }
0x27a: {  	[tilespmem:s0+$0xFFFFFF40] =	vst v9  }
0x27b: {  	[tilespmem:s0+$0xFFFFFF50] =	vst v8  }
0x27c: {  	v8 =	vld [tilespmem:s2+$0xFFFFFFB0];
	_ =	sdelay $0x4  }
0x27d: {  	v9 =	vshll.u32 v8, $0x10;
	v8 =	vand.u32 $0xFFFF0000, v8  }
0x27e: {  	v9 =	vmul.f32 v9, v7;
	v8 =	vmul.f32 v8, v7;
	_ =	sdelay $0x1  }
0x27f: {  	[tilespmem:s0+$0xFFFFFF60] =	vst v9  }
0x280: {  	[tilespmem:s0+$0xFFFFFF70] =	vst v8  }
0x281: {  	v8 =	vld [tilespmem:s2+$0xFFFFFFC0];
	_ =	sdelay $0x4  }
0x282: {  	v9 =	vshll.u32 v8, $0x10;
	v8 =	vand.u32 $0xFFFF0000, v8  }
0x283: {  	v9 =	vmul.f32 v9, v7;
	v8 =	vmul.f32 v8, v7;
	_ =	sdelay $0x1  }
0x284: {  	[tilespmem:s0+$0xFFFFFF80] =	vst v9  }
0x285: {  	[tilespmem:s0+$0xFFFFFF90] =	vst v8  }
0x286: {  	v8 =	vld [tilespmem:s2+$0xFFFFFFD0];
	_ =	sdelay $0x4  }
0x287: {  	v9 =	vshll.u32 v8, $0x10;
	v8 =	vand.u32 $0xFFFF0000, v8  }
0x288: {  	v9 =	vmul.f32 v9, v7;
	v8 =	vmul.f32 v8, v7;
	_ =	sdelay $0x1  }
0x289: {  	[tilespmem:s0+$0xFFFFFFA0] =	vst v9  }
0x28a: {  	[tilespmem:s0+$0xFFFFFFB0] =	vst v8  }
0x28b: {  	v8 =	vld [tilespmem:s2+$0xFFFFFFE0];
	_ =	sdelay $0x4  }
0x28c: {  	v9 =	vshll.u32 v8, $0x10;
	v8 =	vand.u32 $0xFFFF0000, v8  }
0x28d: {  	v9 =	vmul.f32 v9, v7;
	v8 =	vmul.f32 v8, v7;
	_ =	sdelay $0x1  }
0x28e: {  	[tilespmem:s0+$0xFFFFFFC0] =	vst v9  }
0x28f: {  	[tilespmem:s0+$0xFFFFFFD0] =	vst v8  }
0x290: {  	v8 =	vld [tilespmem:s2+$0xFFFFFFF0];
	_ =	sdelay $0x4  }
0x291: {  	v10 =	vmov s26;
	v9 =	vshll.u32 v8, $0x10;
	v8 =	vand.u32 $0xFFFF0000, v8  }
0x292: {  	v9 =	vmul.f32 v9, v7;
	v7 =	vmul.f32 v8, v7;
	_ =	sdelay $0x1  }
0x293: {  	[tilespmem:s0+$0xFFFFFFE0] =	vst v9  }
0x294: {  	[tilespmem:s0+$0xFFFFFFF0] =	vst v7  }
0x295: {  	v7 =	vld.idx.msk [tilespmem:v10+s14+$0x0], $0xffff  }
0x296: {  	v8 =	vld [tilespmem:s2+$0x0];
	_ =	sdelay $0x4  }
0x297: {  	v9 =	vshll.u32 v8, $0x10;
	v8 =	vand.u32 $0xFFFF0000, v8  }
0x298: {  	v9 =	vmul.f32 v9, v7;
	v8 =	vmul.f32 v8, v7;
	_ =	sdelay $0x1  }
0x299: {  	[tilespmem:s0+$0x0] =	vst v9  }
0x29a: {  	[tilespmem:s0+$0x10] =	vst v8  }
0x29b: {  	v8 =	vld [tilespmem:s2+$0x10];
	_ =	sdelay $0x4  }
0x29c: {  	v9 =	vshll.u32 v8, $0x10;
	v8 =	vand.u32 $0xFFFF0000, v8  }
0x29d: {  	v9 =	vmul.f32 v9, v7;
	v8 =	vmul.f32 v8, v7;
	_ =	sdelay $0x1  }
0x29e: {  	[tilespmem:s0+$0x20] =	vst v9  }
0x29f: {  	[tilespmem:s0+$0x30] =	vst v8  }
0x2a0: {  	v8 =	vld [tilespmem:s2+$0x20];
	_ =	sdelay $0x4  }
0x2a1: {  	v9 =	vshll.u32 v8, $0x10;
	v8 =	vand.u32 $0xFFFF0000, v8  }
0x2a2: {  	v9 =	vmul.f32 v9, v7;
	v8 =	vmul.f32 v8, v7;
	_ =	sdelay $0x1  }
0x2a3: {  	[tilespmem:s0+$0x40] =	vst v9  }
0x2a4: {  	[tilespmem:s0+$0x50] =	vst v8  }
0x2a5: {  	v8 =	vld [tilespmem:s2+$0x30];
	_ =	sdelay $0x4  }
0x2a6: {  	v9 =	vshll.u32 v8, $0x10;
	v8 =	vand.u32 $0xFFFF0000, v8  }
0x2a7: {  	v9 =	vmul.f32 v9, v7;
	v8 =	vmul.f32 v8, v7;
	_ =	sdelay $0x1  }
0x2a8: {  	[tilespmem:s0+$0x60] =	vst v9  }
0x2a9: {  	[tilespmem:s0+$0x70] =	vst v8  }
0x2aa: {  	v8 =	vld [tilespmem:s2+$0x40];
	_ =	sdelay $0x4  }
0x2ab: {  	v9 =	vshll.u32 v8, $0x10;
	v8 =	vand.u32 $0xFFFF0000, v8  }
0x2ac: {  	v9 =	vmul.f32 v9, v7;
	v8 =	vmul.f32 v8, v7;
	_ =	sdelay $0x1  }
0x2ad: {  	[tilespmem:s0+$0x80] =	vst v9  }
0x2ae: {  	[tilespmem:s0+$0x90] =	vst v8  }
0x2af: {  	v8 =	vld [tilespmem:s2+$0x50];
	_ =	sdelay $0x4  }
0x2b0: {  	v9 =	vshll.u32 v8, $0x10;
	v8 =	vand.u32 $0xFFFF0000, v8  }
.Ltmp5:
0x2b1: {  	v9 =	vmul.f32 v9, v7;
	v8 =	vmul.f32 v8, v7;
	(pc) =	sbr.rel @p0 .LBB2_13-.Ltmp5, $4  }
0x2b2: {  	_ = 	snop  }
0x2b3: {  	[tilespmem:s0+$0xA0] =	vst v9  }
0x2b4: {  	[tilespmem:s0+$0xB0] =	vst v8  }
0x2b5: {  	v8 =	vld [tilespmem:s2+$0x60]  }
0x2b6: {  	_ =	sdelay $0x3  }
0x2b7: {  	v9 =	vshll.u32 v8, $0x10  }
0x2b8: {  	v8 =	vand.u32 $0xFFFF0000, v8;
	v9 =	vmul.f32 v9, v7  }
0x2b9: {  	v8 =	vmul.f32 v8, v7  }
0x2ba: {  	[tilespmem:s10+$0xC0] =	vst v9  }
0x2bb: {  	[tilespmem:s10+$0xD0] =	vst v8  }
0x2bc: {  	v8 =	vld [tilespmem:s13+$0x70];
	_ =	sdelay $0x4  }
0x2bd: {  	v63 =	vshll.u32 v8, $0x10  }
0x2be: {  	s6 =	sadd.s32 $0x1, s6;
	v8 =	vand.u32 $0xFFFF0000, v8;
	v9 =	vmul.f32 v63, v7  }
0x2bf: {  	p0 =	sne.s32 s6, $0x3E;
	v7 =	vmul.f32 v8, v7  }
.Ltmp6:
0x2c0: {  	[tilespmem:s10+$0xE0] =	vst v9;
	(pc) =	sbr.rel @p0 .LBB2_10-.Ltmp6, $4  }
0x2c1: {  	[tilespmem:s10+$0xF0] =	vst v7  }
0x2c2: {  	[spmem:s28] =	stream.indirect.scatter.add.f32 [tilespmem:s21], [sflag:$0x6], $0x100, s15, s9, $0xb8;
	[tilespmem:$0x1EA60] =	vst v63  }
0x2c3: {  	_ = 	snop  }
0x2c4: {  	[spmem:s4] =	stream.indirect.scatter.add.f32 [tilespmem:s24], [sflag:$0x6], $0x10, s15, s9, $0xb8;
	[tilespmem:$0x1EA60] =	vst v63  }
0x2c5: {  	_ =	swait.ge [sflag:s17], $0x2800  }
0x2c6: {  	[sflag:s17] =	ssyncset.done $0x0  }
0x2c7: {  	[sflag:s17] =	ssyncadd.s32 $0xFFFFD800  }
0x2c8: {  	_ =	swait.ge [sflag:s18], $0x50  }
0x2c9: {  	[sflag:s18] =	ssyncset.done $0x0  }
0x2ca: {  	[sflag:s18] =	ssyncadd.s32 $0xFFFFFFB0  }
0x2cb: {  	_ =	swait.ge [sflag:s18], $0x50  }
0x2cc: {  	[sflag:s18] =	ssyncset.done $0x0  }
0x2cd: {  	s0 =	simm.s32 $0x6;
	[sflag:s18] =	ssyncadd.s32 $0xFFFFFFB0  }
0x2ce: {  	_ =	swait.ge [sflag:s0], $0x5000  }
0x2cf: {  	[sflag:s0] =	ssyncset.done $0x0  }
0x2d0: {  	[sflag:s0] =	ssyncadd.s32 $0xFFFFB000  }
0x2d1: {  	_ =	swait.ge [sflag:s0], $0x500  }
0x2d2: {  	[sflag:s0] =	ssyncset.done $0x0  }
0x2d3: {  	[sflag:s0] =	ssyncadd.s32 $0xFFFFFB00  }
0x2d4: {  	[bflag:$0x0] =	sbarrier.arrive $0xFFFF  }
0x2d5: {  	s2 =	simm.s32 $0x9420;
	s10 =	simm.s32 $0x7;
	s13 =	rddreg [dreg:$0x9]  }
0x2d6: {  	[tilespmem:s2], [sflag:$0x7] =	stream.linear.gather [spmem:s13], $0x5000, $0x38;
	[tilespmem:$0x1EA60] =	vst v63  }
0x2d7: {  	_ =	swait.ge [sflag:s10], $0x5000  }
0x2d8: {  	[sflag:s10] =	ssyncset.done $0x0  }
0x2d9: {  	s19 =	rddreg [dreg:$0x11];
	[sflag:s10] =	ssyncadd.s32 $0xFFFFB000  }
0x2da: {  	[hbm4b:s19+s5] =	stream.linear.scatter [tilespmem:s2], [sflag:$0x7], $0x5000, $0x38;
	[tilespmem:$0x1EA60] =	vst v63  }
0x2db: {  	_ =	swait.ge [sflag:s10], $0x5000  }
0x2dc: {  	[sflag:s10] =	ssyncset.done $0x0  }
0x2dd: {  	s20 =	simm.s32 $0x11260;
	s3 =	rddreg [dreg:$0xa];
	[sflag:s10] =	ssyncadd.s32 $0xFFFFB000  }
0x2de: {  	[tilespmem:s20], [sflag:$0x7] =	stream.linear.gather [spmem:s3], $0x3000, $0x38;
	[tilespmem:$0x1EA60] =	vst v63  }
0x2df: {  	_ =	swait.ge [sflag:s10], $0x3000  }
0x2e0: {  	[sflag:s10] =	ssyncset.done $0x0  }
0x2e1: {  	s26 =	rddreg [dreg:$0x12];
	[sflag:s10] =	ssyncadd.s32 $0xFFFFD000  }
0x2e2: {  	[hbm4b:s26+s5] =	stream.linear.scatter [tilespmem:s20], [sflag:$0x7], $0x3000, $0x38;
	[tilespmem:$0x1EA60] =	vst v63  }
0x2e3: {  	_ =	swait.ge [sflag:s10], $0x3000  }
0x2e4: {  	[sflag:s10] =	ssyncset.done $0x0  }
0x2e5: {  	s20 =	simm.s32 $0x5DC0;
	s19 =	rddreg [dreg:$0xb];
	[sflag:s10] =	ssyncadd.s32 $0xFFFFD000  }
0x2e6: {  	[tilespmem:s20], [sflag:$0x7] =	stream.linear.gather [spmem:s19], $0x800, $0x38;
	[tilespmem:$0x1EA60] =	vst v63  }
0x2e7: {  	_ =	swait.ge [sflag:s10], $0x800  }
0x2e8: {  	[sflag:s10] =	ssyncset.done $0x0  }
0x2e9: {  	s2 =	rddreg [dreg:$0x13];
	[sflag:s10] =	ssyncadd.s32 $0xFFFFF800  }
0x2ea: {  	[hbm4b:s2+s5] =	stream.linear.scatter [tilespmem:s20], [sflag:$0x7], $0x800, $0x38;
	[tilespmem:$0x1EA60] =	vst v63  }
0x2eb: {  	_ =	swait.ge [sflag:s10], $0x800  }
0x2ec: {  	s6 =	rddreg [dreg:$0x16]  }
0x2ed: {  	s26 =	rddreg [dreg:$0x14];
	s2 =	sadd.s32 $0x1, s6  }
0x2ee: {  	p0 =	sne.s32 s2, s26  }
.Ltmp7:
0x2ef: {  	_ = 	snop;
	(pc) =	sbr.rel @p0 .LBB2_1-.Ltmp7, $3  }
0x2f0: {  	_ =	sdelay $0x1  }
0x2f1: {  	[sflag:s10] =	ssyncset.done $0x0  }
0x2f2: {  	s21 =	simm.s32 $0x11260;
	[sflag:s10] =	ssyncadd.s32 $0xFFFFF800  }
0x2f3: {  	_ =	sfence.sel $0x180000  }
0x2f4: {  	[bflag:$0x0] =	sbarrier.arrive $0xFFFF  }
0x2f5: {  	_ =	strace $0x90000047  }
0x2f6: {  	s0 =	stileid.u32;
	[bflag:$0x2] =	sbarrier.arrive $0xFFFF  }
0x2f7: {  	p0 =	sne.s32 s0, $0x0;
	s0 =	rddreg [dreg:$0x5]  }
0x2f8: {  	s0 =	sadd.s32 @!p0 $0x100000, s0  }
0x2f9: {  	[sflag:s0] =	ssyncadd.tile.s32 @!p0 $0x1;
	_ =	shalt  }
.Lfunc_end2:
_tile_overlayer_lowered:
.L_overlay_start_2:
0x2fa: {  	(tag) =	ssettag $0x2  }
0x2fb: {  	s0 =	rddreg [dreg:$0x0];
	s2 =	stileid.u32  }
0x2fc: {  	s1 =	rddreg [dreg:$0x1];
	p0 =	sne.s32 s2, $0x0  }
0x2fd: {  	s3 =	rddreg [dreg:$0x2];
	[bflag:$0x3] =	sbarrier.arrive $0xFFFF;
	s2 =	simm.s32 @!p0 $0x1C07  }
0x2fe: {  	[timem:s3], [sflag:s2] =	dma.local @!p0 [hbm:s0], s1  }
0x2ff: {  	s0 =	simm.s32 @!p0 $0x7  }
0x300: {  	_ =	swait.ge @!p0 [sflag:s0], s1  }
0x301: {  	s1 =	ssub.s32 @!p0 $0x0, s1;
	[sflag:s0] =	ssyncset.done @!p0 $0x0  }
0x302: {  	[sflag:s0] =	ssyncadd.s32 @!p0 s1  }
0x303: {  	[bflag:$0x3] =	sbarrier.arrive $0xFFFF  }
0x304: {  	_ =	shalt  }

</sc_bundles>
